<compile_context>
chip_gen: v7x
topology: tpu7x:2x2x1
jax: 0.10.2.dev20260603
libtpu: 0.0.44.dev20260713+nightly
codegen_flags: <defaults>
</compile_context>

<pallas_src>
import functools

import jax
import jax.numpy as jnp
from jax import lax
from jax.experimental import pallas as pl
from jax.experimental.pallas import tpu as pltpu
from jax.experimental.pallas import tpu_sc as plsc

N_V = 6890
SEG = 6896
X_OFF, Y_OFF, Z_OFF = 0, SEG, 2 * SEG
W_OFF, I_OFF = 3 * SEG, 4 * SEG
PACKED = 4 * SEG + N_V
NS = 16
L = 16
R = 432
G = R // L
TAIL_W = NS - 1
TAIL_VALID = N_V - TAIL_W * R
TAIL_G = (TAIL_VALID + L - 1) // L
TAIL_REM = TAIL_VALID - (TAIL_G - 1) * L
SCALE = 1.0 / (N_V * 3)

_mesh = plsc.VectorSubcoreMesh(
    core_axis_name="c", subcore_axis_name="s", num_cores=1
)


@functools.partial(
    pl.kernel,
    mesh=_mesh,
    compiler_params=pltpu.CompilerParams(
        needs_layout_passes=False, use_tc_tiling_on_sc=False
    ),
    out_type=jax.ShapeDtypeStruct((1,), jnp.float32),
    scratch_types=[
        pltpu.VMEM((N_V,), jnp.float32),
        pltpu.VMEM((N_V,), jnp.float32),
        pltpu.VMEM((N_V,), jnp.float32),
        pltpu.VMEM((R,), jnp.float32),
        pltpu.VMEM((R,), jnp.float32),
        pltpu.VMEM((L,), jnp.float32),
        pltpu.VMEM((NS, L), jnp.float32),
        pltpu.HBM((NS, L), jnp.float32),
        pltpu.SemaphoreType.DMA,
    ],
)
def _sym_loss_kernel(buf_hbm, out_hbm,
                     xt, yt, zt, idx_v, w_v, stage_v, acc_v, partials, sem):
    s = lax.axis_index("s")
    base = s * R

    lanes = lax.iota(jnp.int32, L)
    zeros_f = jnp.zeros((L,), jnp.float32)

    def stream_tables():
        return [
            pltpu.async_copy(buf_hbm.at[pl.ds(X_OFF, N_V)], xt, sem),
            pltpu.async_copy(buf_hbm.at[pl.ds(Y_OFF, N_V)], yt, sem),
            pltpu.async_copy(buf_hbm.at[pl.ds(Z_OFF, N_V)], zt, sem),
        ]

    def group_contrib(t, rows, rl):
        idx16 = plsc.bitcast(idx_v[pl.ds(t * L, L)], jnp.int32)
        vx = plsc.load_gather(xt, [rows])
        vy = plsc.load_gather(yt, [rows])
        vz = plsc.load_gather(zt, [rows])
        mx = plsc.load_gather(xt, [idx16])
        my = plsc.load_gather(yt, [idx16])
        mz = plsc.load_gather(zt, [idx16])
        w16 = w_v[pl.ds(t * L, L)]
        dx = vx + mx
        dy = vy - my
        dz = vz - mz
        return w16 * (dx * dx + dy * dy + dz * dz)

    @pl.when(s < TAIL_W)
    def _full_tile():
        copies = stream_tables()
        pltpu.sync_copy(buf_hbm.at[pl.ds(I_OFF + base, R)], idx_v)
        pltpu.sync_copy(buf_hbm.at[pl.ds(W_OFF + base, R)], w_v)
        for cp in copies:
            cp.wait()
        acc = jnp.zeros((L,), jnp.float32)
        for t in range(G):
            rl = lanes + t * L
            acc = acc + group_contrib(t, rl + base, rl)
        stage_v[...] = acc

    @pl.when(s == TAIL_W)
    def _tail_tile():
        copies = stream_tables()
        pre = (TAIL_VALID // L) * L
        idx_v[pl.ds(pre, L)] = zeros_f
        idx_v[pl.ds(pre + L, L)] = zeros_f
        tbase = TAIL_W * R
        pltpu.sync_copy(buf_hbm.at[pl.ds(I_OFF + tbase, TAIL_VALID)],
                        idx_v.at[pl.ds(0, TAIL_VALID)])
        pltpu.sync_copy(buf_hbm.at[pl.ds(W_OFF + tbase, TAIL_VALID)],
                        w_v.at[pl.ds(0, TAIL_VALID)])
        for cp in copies:
            cp.wait()
        acc = jnp.zeros((L,), jnp.float32)
        for t in range(TAIL_G - 1):
            rl = lanes + t * L
            acc = acc + group_contrib(t, rl + tbase, rl)
        last = TAIL_G - 1
        rl = jnp.minimum(lanes + last * L, TAIL_VALID - 1)
        contrib = group_contrib(last, rl + tbase, rl)
        acc = acc + jnp.where(lanes < TAIL_REM, contrib, zeros_f)
        stage_v[...] = acc

    pltpu.sync_copy(stage_v, partials.at[s])
    plsc.subcore_barrier()

    @pl.when(s == 0)
    def _leader():
        pltpu.sync_copy(partials, acc_v)
        vec = acc_v[0]
        for i in range(1, NS):
            vec = vec + acc_v[i]
        total = jnp.sum(vec) * SCALE
        stage_v[...] = jnp.full((L,), total, jnp.float32)
        pltpu.sync_copy(stage_v.at[pl.ds(0, 1)], out_hbm)


def kernel(v, symmetry_w, idx):
    vt = v.T
    pad6 = jnp.zeros((SEG - N_V,), jnp.float32)
    packed = jnp.concatenate([
        vt[0], pad6, vt[1], pad6, vt[2], pad6,
        symmetry_w.reshape(-1), pad6,
        jax.lax.bitcast_convert_type(idx.astype(jnp.int32), jnp.float32),
    ])
    out = _sym_loss_kernel(packed)
    return out.reshape(())

# --- scband reference (transcript-rebuilt; emitter-appended) ---
"""Pipeline reference for scband-symmetry-loss-65146063945796 (READ-ONLY COPY).

The authoritative reference and input builder live on the scoring server;
editing this copy changes nothing except your own understanding.
"""

import jax, jax.numpy as jnp
import numpy as np

N_VERTS = 6890

def setup_inputs(seed: int = 0) -> dict:
    key = jax.random.key(seed)
    k1, k2, k3 = jax.random.split(key, 3)
    v = jax.random.normal(k1, (N_VERTS, 3), dtype=jnp.float32)
    # symmetry weights: mostly 1.0 with some body parts weighted 5x/10x; emulate with positive random weights
    symmetry_w = jax.random.uniform(k2, (N_VERTS, 1), dtype=jnp.float32)
    # mirror vertex correspondence (in the real asset this is a permutation of 0..6889)
    idx = jax.random.randint(k3, (N_VERTS,), 0, N_VERTS, dtype=jnp.int64)
    return {"v": v, "symmetry_w": symmetry_w, "idx": idx}


def reference(v, symmetry_w, idx):
    mirror_sign = jnp.array([-1.0, 1.0, 1.0], dtype=v.dtype)
    v_mirror = jnp.take(v, idx, axis=0) * mirror_sign
    symmetry_loss = jnp.square(v - v_mirror)
    symmetry_loss = jnp.mean(symmetry_loss * symmetry_w)
    return symmetry_loss

if __name__ == "__main__":
    import jax
    _d = setup_inputs()
    print(jax.jit(kernel)(*tuple(_d.values())))

</pallas_src>

<mosaic_0001>
#map = affine_map<(d0, d1) -> (0)>
module attributes {stable_mosaic.version = 14 : i64} {
  func.func @_sym_loss_kernel(%arg0: i32, %arg1: i32, %arg2: memref<34474xf32, #tpu.memory_space<hbm>>, %arg3: memref<1xf32, #tpu.memory_space<hbm>>, %arg4: memref<6890xf32, #tpu.memory_space<vmem>>, %arg5: memref<6890xf32, #tpu.memory_space<vmem>>, %arg6: memref<6890xf32, #tpu.memory_space<vmem>>, %arg7: memref<432xf32, #tpu.memory_space<vmem>>, %arg8: memref<432xf32, #tpu.memory_space<vmem>>, %arg9: memref<16xf32, #tpu.memory_space<vmem>>, %arg10: memref<16x16xf32, #tpu.memory_space<vmem>>, %arg11: memref<16x16xf32, #tpu.memory_space<hbm>>, %arg12: memref<!tpu.dma_semaphore, #tpu.memory_space<semaphore_mem>>) attributes {dimension_semantics = [#tpu.dimension_semantics<core_parallel>, #tpu.dimension_semantics<subcore_parallel>], iteration_bounds = array<i64: 1, 16>, scalar_prefetch = 0 : i64, scratch_operands = 9 : i64, tpu.core_type = #tpu.core_type<sc_vector_subcore>, window_params = [{transform_indices = #map}, {transform_indices = #map}]} {
    %mul3A = arith.constant 432 : i32
    %mul3A_0 = arith.muli %arg1, %mul3A : i32
    %iota3A = tpu.iota {dimensions = array<i32: 0>} : vector<16xi32>
    %broadcast_in_dim3A = arith.constant 0.000000e+00 : f32
    %broadcast_in_dim3A_1 = vector.broadcast %broadcast_in_dim3A : f32 to vector<16xf32>
    %lt3A = arith.constant 15 : i32
    %lt3A_2 = arith.cmpi slt, %arg1, %lt3A : i32
    %convert_element_type3A = arith.extui %lt3A_2 : i1 to i32
    %cond3A = arith.constant 0 : i32
    %cond3A_3 = arith.cmpi ne, %convert_element_type3A, %cond3A : i32
    scf.if %cond3A_3 {
      %dma_start3A = arith.constant 0 : i32
      %dma_start3A_13 = tpu.memref_slice %arg2[%dma_start3A] : memref<34474xf32, #tpu.memory_space<hbm>> -> memref<6890xf32, #tpu.memory_space<hbm>>
      %dma_start3A_14 = arith.constant 0 : i32
      %dma_start3A_15 = tpu.memref_slice %arg2[%dma_start3A_14] : memref<34474xf32, #tpu.memory_space<hbm>> -> memref<6890xf32, #tpu.memory_space<hbm>>
      tpu.enqueue_dma source(%dma_start3A_15 : memref<6890xf32, #tpu.memory_space<hbm>>) target(%arg4 : memref<6890xf32, #tpu.memory_space<vmem>>) target_semaphore(%arg12 : memref<!tpu.dma_semaphore, #tpu.memory_space<semaphore_mem>>)
      %dma_start3A_16 = arith.constant 6896 : i32
      %dma_start3A_17 = tpu.memref_slice %arg2[%dma_start3A_16] : memref<34474xf32, #tpu.memory_space<hbm>> -> memref<6890xf32, #tpu.memory_space<hbm>>
      %dma_start3A_18 = arith.constant 6896 : i32
      %dma_start3A_19 = tpu.memref_slice %arg2[%dma_start3A_18] : memref<34474xf32, #tpu.memory_space<hbm>> -> memref<6890xf32, #tpu.memory_space<hbm>>
      tpu.enqueue_dma source(%dma_start3A_19 : memref<6890xf32, #tpu.memory_space<hbm>>) target(%arg5 : memref<6890xf32, #tpu.memory_space<vmem>>) target_semaphore(%arg12 : memref<!tpu.dma_semaphore, #tpu.memory_space<semaphore_mem>>)
      %dma_start3A_20 = arith.constant 13792 : i32
      %dma_start3A_21 = tpu.memref_slice %arg2[%dma_start3A_20] : memref<34474xf32, #tpu.memory_space<hbm>> -> memref<6890xf32, #tpu.memory_space<hbm>>
      %dma_start3A_22 = arith.constant 13792 : i32
      %dma_start3A_23 = tpu.memref_slice %arg2[%dma_start3A_22] : memref<34474xf32, #tpu.memory_space<hbm>> -> memref<6890xf32, #tpu.memory_space<hbm>>
      tpu.enqueue_dma source(%dma_start3A_23 : memref<6890xf32, #tpu.memory_space<hbm>>) target(%arg6 : memref<6890xf32, #tpu.memory_space<vmem>>) target_semaphore(%arg12 : memref<!tpu.dma_semaphore, #tpu.memory_space<semaphore_mem>>)
      %add3A = arith.constant 27584 : i32
      %add3A_24 = arith.addi %add3A, %mul3A_0 : i32
      "tpu.region"() ({
        %run_scoped3A = tpu.sem_alloc : memref<!tpu.dma_semaphore, #tpu.memory_space<semaphore_mem>>
        %dma_start3A_739 = tpu.memref_slice %arg2[%add3A_24] : memref<34474xf32, #tpu.memory_space<hbm>> -> memref<432xf32, #tpu.memory_space<hbm>>
        %dma_start3A_740 = tpu.memref_slice %arg2[%add3A_24] : memref<34474xf32, #tpu.memory_space<hbm>> -> memref<432xf32, #tpu.memory_space<hbm>>
        tpu.enqueue_dma source(%dma_start3A_740 : memref<432xf32, #tpu.memory_space<hbm>>) target(%arg7 : memref<432xf32, #tpu.memory_space<vmem>>) target_semaphore(%run_scoped3A : memref<!tpu.dma_semaphore, #tpu.memory_space<semaphore_mem>>)
        %dma_wait3A_741 = tpu.memref_slice %arg2[%add3A_24] : memref<34474xf32, #tpu.memory_space<hbm>> -> memref<432xf32, #tpu.memory_space<hbm>>
        %dma_wait3A_742 = tpu.memref_slice %arg2[%add3A_24] : memref<34474xf32, #tpu.memory_space<hbm>> -> memref<432xf32, #tpu.memory_space<hbm>>
        tpu.wait_dma2 semaphore(%run_scoped3A : memref<!tpu.dma_semaphore, #tpu.memory_space<semaphore_mem>>) src(%dma_wait3A_742 : memref<432xf32, #tpu.memory_space<hbm>>) dst(%arg7 : memref<432xf32, #tpu.memory_space<vmem>>)
        tpu.yield
      }) : () -> ()
      %add3A_25 = arith.constant 20688 : i32
      %add3A_26 = arith.addi %add3A_25, %mul3A_0 : i32
      "tpu.region"() ({
        %run_scoped3A = tpu.sem_alloc : memref<!tpu.dma_semaphore, #tpu.memory_space<semaphore_mem>>
        %dma_start3A_739 = tpu.memref_slice %arg2[%add3A_26] : memref<34474xf32, #tpu.memory_space<hbm>> -> memref<432xf32, #tpu.memory_space<hbm>>
        %dma_start3A_740 = tpu.memref_slice %arg2[%add3A_26] : memref<34474xf32, #tpu.memory_space<hbm>> -> memref<432xf32, #tpu.memory_space<hbm>>
        tpu.enqueue_dma source(%dma_start3A_740 : memref<432xf32, #tpu.memory_space<hbm>>) target(%arg8 : memref<432xf32, #tpu.memory_space<vmem>>) target_semaphore(%run_scoped3A : memref<!tpu.dma_semaphore, #tpu.memory_space<semaphore_mem>>)
        %dma_wait3A_741 = tpu.memref_slice %arg2[%add3A_26] : memref<34474xf32, #tpu.memory_space<hbm>> -> memref<432xf32, #tpu.memory_space<hbm>>
        %dma_wait3A_742 = tpu.memref_slice %arg2[%add3A_26] : memref<34474xf32, #tpu.memory_space<hbm>> -> memref<432xf32, #tpu.memory_space<hbm>>
        tpu.wait_dma2 semaphore(%run_scoped3A : memref<!tpu.dma_semaphore, #tpu.memory_space<semaphore_mem>>) src(%dma_wait3A_742 : memref<432xf32, #tpu.memory_space<hbm>>) dst(%arg8 : memref<432xf32, #tpu.memory_space<vmem>>)
        tpu.yield
      }) : () -> ()
      %dma_wait3A = arith.constant 0 : i32
      %dma_wait3A_27 = tpu.memref_slice %arg2[%dma_wait3A] : memref<34474xf32, #tpu.memory_space<hbm>> -> memref<6890xf32, #tpu.memory_space<hbm>>
      %dma_wait3A_28 = arith.constant 0 : i32
      %dma_wait3A_29 = tpu.memref_slice %arg2[%dma_wait3A_28] : memref<34474xf32, #tpu.memory_space<hbm>> -> memref<6890xf32, #tpu.memory_space<hbm>>
      tpu.wait_dma2 semaphore(%arg12 : memref<!tpu.dma_semaphore, #tpu.memory_space<semaphore_mem>>) src(%dma_wait3A_29 : memref<6890xf32, #tpu.memory_space<hbm>>) dst(%arg4 : memref<6890xf32, #tpu.memory_space<vmem>>)
      %dma_wait3A_30 = arith.constant 6896 : i32
      %dma_wait3A_31 = tpu.memref_slice %arg2[%dma_wait3A_30] : memref<34474xf32, #tpu.memory_space<hbm>> -> memref<6890xf32, #tpu.memory_space<hbm>>
      %dma_wait3A_32 = arith.constant 6896 : i32
      %dma_wait3A_33 = tpu.memref_slice %arg2[%dma_wait3A_32] : memref<34474xf32, #tpu.memory_space<hbm>> -> memref<6890xf32, #tpu.memory_space<hbm>>
      tpu.wait_dma2 semaphore(%arg12 : memref<!tpu.dma_semaphore, #tpu.memory_space<semaphore_mem>>) src(%dma_wait3A_33 : memref<6890xf32, #tpu.memory_space<hbm>>) dst(%arg5 : memref<6890xf32, #tpu.memory_space<vmem>>)
      %dma_wait3A_34 = arith.constant 13792 : i32
      %dma_wait3A_35 = tpu.memref_slice %arg2[%dma_wait3A_34] : memref<34474xf32, #tpu.memory_space<hbm>> -> memref<6890xf32, #tpu.memory_space<hbm>>
      %dma_wait3A_36 = arith.constant 13792 : i32
      %dma_wait3A_37 = tpu.memref_slice %arg2[%dma_wait3A_36] : memref<34474xf32, #tpu.memory_space<hbm>> -> memref<6890xf32, #tpu.memory_space<hbm>>
      tpu.wait_dma2 semaphore(%arg12 : memref<!tpu.dma_semaphore, #tpu.memory_space<semaphore_mem>>) src(%dma_wait3A_37 : memref<6890xf32, #tpu.memory_space<hbm>>) dst(%arg6 : memref<6890xf32, #tpu.memory_space<vmem>>)
      %broadcast_in_dim3A_38 = arith.constant 0.000000e+00 : f32
      %broadcast_in_dim3A_39 = vector.broadcast %broadcast_in_dim3A_38 : f32 to vector<16xf32>
      %add3A_40 = arith.constant 0 : i32
      %add3A_41 = vector.broadcast %add3A_40 : i32 to vector<16xi32>
      %add3A_42 = arith.addi %iota3A, %add3A_41 : vector<16xi32>
      %add3A_43 = vector.broadcast %mul3A_0 : i32 to vector<16xi32>
      %add3A_44 = arith.addi %add3A_42, %add3A_43 : vector<16xi32>
      %get3A = arith.constant 0 : index
      %get3A_45 = tpu.vector_load %arg7[%get3A] {strides = array<i32>} : memref<432xf32, #tpu.memory_space<vmem>>, vector<16xf32>,
      %bitcast3A = vector.bitcast %get3A_45 : vector<16xf32> to vector<16xi32>
      %gather3A = tpu.vector_load_idx %arg4[%add3A_44] : memref<6890xf32, #tpu.memory_space<vmem>>[vector<16xi32>], vector<16xf32>,
      %gather3A_46 = tpu.vector_load_idx %arg5[%add3A_44] : memref<6890xf32, #tpu.memory_space<vmem>>[vector<16xi32>], vector<16xf32>,
      %gather3A_47 = tpu.vector_load_idx %arg6[%add3A_44] : memref<6890xf32, #tpu.memory_space<vmem>>[vector<16xi32>], vector<16xf32>,
      %gather3A_48 = tpu.vector_load_idx %arg4[%bitcast3A] : memref<6890xf32, #tpu.memory_space<vmem>>[vector<16xi32>], vector<16xf32>,
      %gather3A_49 = tpu.vector_load_idx %arg5[%bitcast3A] : memref<6890xf32, #tpu.memory_space<vmem>>[vector<16xi32>], vector<16xf32>,
      %gather3A_50 = tpu.vector_load_idx %arg6[%bitcast3A] : memref<6890xf32, #tpu.memory_space<vmem>>[vector<16xi32>], vector<16xf32>,
      %get3A_51 = arith.constant 0 : index
      %get3A_52 = tpu.vector_load %arg8[%get3A_51] {strides = array<i32>} : memref<432xf32, #tpu.memory_space<vmem>>, vector<16xf32>,
      %add3A_53 = arith.addf %gather3A, %gather3A_48 : vector<16xf32>
      %sub3A = arith.subf %gather3A_46, %gather3A_49 : vector<16xf32>
      %sub3A_54 = arith.subf %gather3A_47, %gather3A_50 : vector<16xf32>
      %mul3A_55 = arith.mulf %add3A_53, %add3A_53 : vector<16xf32>
      %mul3A_56 = arith.mulf %sub3A, %sub3A : vector<16xf32>
      %add3A_57 = arith.addf %mul3A_55, %mul3A_56 : vector<16xf32>
      %mul3A_58 = arith.mulf %sub3A_54, %sub3A_54 : vector<16xf32>
      %add3A_59 = arith.addf %add3A_57, %mul3A_58 : vector<16xf32>
      %mul3A_60 = arith.mulf %get3A_52, %add3A_59 : vector<16xf32>
      %add3A_61 = arith.addf %broadcast_in_dim3A_39, %mul3A_60 : vector<16xf32>
      %add3A_62 = arith.constant 16 : i32
      %add3A_63 = vector.broadcast %add3A_62 : i32 to vector<16xi32>
      %add3A_64 = arith.addi %iota3A, %add3A_63 : vector<16xi32>
      %add3A_65 = vector.broadcast %mul3A_0 : i32 to vector<16xi32>
      %add3A_66 = arith.addi %add3A_64, %add3A_65 : vector<16xi32>
      %get3A_67 = arith.constant 16 : index
      %get3A_68 = tpu.vector_load %arg7[%get3A_67] {strides = array<i32>} : memref<432xf32, #tpu.memory_space<vmem>>, vector<16xf32>,
      %bitcast3A_69 = vector.bitcast %get3A_68 : vector<16xf32> to vector<16xi32>
      %gather3A_70 = tpu.vector_load_idx %arg4[%add3A_66] : memref<6890xf32, #tpu.memory_space<vmem>>[vector<16xi32>], vector<16xf32>,
      %gather3A_71 = tpu.vector_load_idx %arg5[%add3A_66] : memref<6890xf32, #tpu.memory_space<vmem>>[vector<16xi32>], vector<16xf32>,
      %gather3A_72 = tpu.vector_load_idx %arg6[%add3A_66] : memref<6890xf32, #tpu.memory_space<vmem>>[vector<16xi32>], vector<16xf32>,
      %gather3A_73 = tpu.vector_load_idx %arg4[%bitcast3A_69] : memref<6890xf32, #tpu.memory_space<vmem>>[vector<16xi32>], vector<16xf32>,
      %gather3A_74 = tpu.vector_load_idx %arg5[%bitcast3A_69] : memref<6890xf32, #tpu.memory_space<vmem>>[vector<16xi32>], vector<16xf32>,
      %gather3A_75 = tpu.vector_load_idx %arg6[%bitcast3A_69] : memref<6890xf32, #tpu.memory_space<vmem>>[vector<16xi32>], vector<16xf32>,
      %get3A_76 = arith.constant 16 : index
      %get3A_77 = tpu.vector_load %arg8[%get3A_76] {strides = array<i32>} : memref<432xf32, #tpu.memory_space<vmem>>, vector<16xf32>,
      %add3A_78 = arith.addf %gather3A_70, %gather3A_73 : vector<16xf32>
      %sub3A_79 = arith.subf %gather3A_71, %gather3A_74 : vector<16xf32>
      %sub3A_80 = arith.subf %gather3A_72, %gather3A_75 : vector<16xf32>
      %mul3A_81 = arith.mulf %add3A_78, %add3A_78 : vector<16xf32>
      %mul3A_82 = arith.mulf %sub3A_79, %sub3A_79 : vector<16xf32>
      %add3A_83 = arith.addf %mul3A_81, %mul3A_82 : vector<16xf32>
      %mul3A_84 = arith.mulf %sub3A_80, %sub3A_80 : vector<16xf32>
      %add3A_85 = arith.addf %add3A_83, %mul3A_84 : vector<16xf32>
      %mul3A_86 = arith.mulf %get3A_77, %add3A_85 : vector<16xf32>
      %add3A_87 = arith.addf %add3A_61, %mul3A_86 : vector<16xf32>
      %add3A_88 = arith.constant 32 : i32
      %add3A_89 = vector.broadcast %add3A_88 : i32 to vector<16xi32>
      %add3A_90 = arith.addi %iota3A, %add3A_89 : vector<16xi32>
      %add3A_91 = vector.broadcast %mul3A_0 : i32 to vector<16xi32>
      %add3A_92 = arith.addi %add3A_90, %add3A_91 : vector<16xi32>
      %get3A_93 = arith.constant 32 : index
      %get3A_94 = tpu.vector_load %arg7[%get3A_93] {strides = array<i32>} : memref<432xf32, #tpu.memory_space<vmem>>, vector<16xf32>,
      %bitcast3A_95 = vector.bitcast %get3A_94 : vector<16xf32> to vector<16xi32>
      %gather3A_96 = tpu.vector_load_idx %arg4[%add3A_92] : memref<6890xf32, #tpu.memory_space<vmem>>[vector<16xi32>], vector<16xf32>,
      %gather3A_97 = tpu.vector_load_idx %arg5[%add3A_92] : memref<6890xf32, #tpu.memory_space<vmem>>[vector<16xi32>], vector<16xf32>,
      %gather3A_98 = tpu.vector_load_idx %arg6[%add3A_92] : memref<6890xf32, #tpu.memory_space<vmem>>[vector<16xi32>], vector<16xf32>,
      %gather3A_99 = tpu.vector_load_idx %arg4[%bitcast3A_95] : memref<6890xf32, #tpu.memory_space<vmem>>[vector<16xi32>], vector<16xf32>,
      %gather3A_100 = tpu.vector_load_idx %arg5[%bitcast3A_95] : memref<6890xf32, #tpu.memory_space<vmem>>[vector<16xi32>], vector<16xf32>,
      %gather3A_101 = tpu.vector_load_idx %arg6[%bitcast3A_95] : memref<6890xf32, #tpu.memory_space<vmem>>[vector<16xi32>], vector<16xf32>,
      %get3A_102 = arith.constant 32 : index
      %get3A_103 = tpu.vector_load %arg8[%get3A_102] {strides = array<i32>} : memref<432xf32, #tpu.memory_space<vmem>>, vector<16xf32>,
      %add3A_104 = arith.addf %gather3A_96, %gather3A_99 : vector<16xf32>
      %sub3A_105 = arith.subf %gather3A_97, %gather3A_100 : vector<16xf32>
      %sub3A_106 = arith.subf %gather3A_98, %gather3A_101 : vector<16xf32>
      %mul3A_107 = arith.mulf %add3A_104, %add3A_104 : vector<16xf32>
      %mul3A_108 = arith.mulf %sub3A_105, %sub3A_105 : vector<16xf32>
      %add3A_109 = arith.addf %mul3A_107, %mul3A_108 : vector<16xf32>
      %mul3A_110 = arith.mulf %sub3A_106, %sub3A_106 : vector<16xf32>
      %add3A_111 = arith.addf %add3A_109, %mul3A_110 : vector<16xf32>
      %mul3A_112 = arith.mulf %get3A_103, %add3A_111 : vector<16xf32>
      %add3A_113 = arith.addf %add3A_87, %mul3A_112 : vector<16xf32>
      %add3A_114 = arith.constant 48 : i32
      %add3A_115 = vector.broadcast %add3A_114 : i32 to vector<16xi32>
      %add3A_116 = arith.addi %iota3A, %add3A_115 : vector<16xi32>
      %add3A_117 = vector.broadcast %mul3A_0 : i32 to vector<16xi32>
      %add3A_118 = arith.addi %add3A_116, %add3A_117 : vector<16xi32>
      %get3A_119 = arith.constant 48 : index
      %get3A_120 = tpu.vector_load %arg7[%get3A_119] {strides = array<i32>} : memref<432xf32, #tpu.memory_space<vmem>>, vector<16xf32>,
      %bitcast3A_121 = vector.bitcast %get3A_120 : vector<16xf32> to vector<16xi32>
      %gather3A_122 = tpu.vector_load_idx %arg4[%add3A_118] : memref<6890xf32, #tpu.memory_space<vmem>>[vector<16xi32>], vector<16xf32>,
      %gather3A_123 = tpu.vector_load_idx %arg5[%add3A_118] : memref<6890xf32, #tpu.memory_space<vmem>>[vector<16xi32>], vector<16xf32>,
      %gather3A_124 = tpu.vector_load_idx %arg6[%add3A_118] : memref<6890xf32, #tpu.memory_space<vmem>>[vector<16xi32>], vector<16xf32>,
      %gather3A_125 = tpu.vector_load_idx %arg4[%bitcast3A_121] : memref<6890xf32, #tpu.memory_space<vmem>>[vector<16xi32>], vector<16xf32>,
      %gather3A_126 = tpu.vector_load_idx %arg5[%bitcast3A_121] : memref<6890xf32, #tpu.memory_space<vmem>>[vector<16xi32>], vector<16xf32>,
      %gather3A_127 = tpu.vector_load_idx %arg6[%bitcast3A_121] : memref<6890xf32, #tpu.memory_space<vmem>>[vector<16xi32>], vector<16xf32>,
      %get3A_128 = arith.constant 48 : index
      %get3A_129 = tpu.vector_load %arg8[%get3A_128] {strides = array<i32>} : memref<432xf32, #tpu.memory_space<vmem>>, vector<16xf32>,
      %add3A_130 = arith.addf %gather3A_122, %gather3A_125 : vector<16xf32>
      %sub3A_131 = arith.subf %gather3A_123, %gather3A_126 : vector<16xf32>
      %sub3A_132 = arith.subf %gather3A_124, %gather3A_127 : vector<16xf32>
      %mul3A_133 = arith.mulf %add3A_130, %add3A_130 : vector<16xf32>
      %mul3A_134 = arith.mulf %sub3A_131, %sub3A_131 : vector<16xf32>
      %add3A_135 = arith.addf %mul3A_133, %mul3A_134 : vector<16xf32>
      %mul3A_136 = arith.mulf %sub3A_132, %sub3A_132 : vector<16xf32>
      %add3A_137 = arith.addf %add3A_135, %mul3A_136 : vector<16xf32>
      %mul3A_138 = arith.mulf %get3A_129, %add3A_137 : vector<16xf32>
      %add3A_139 = arith.addf %add3A_113, %mul3A_138 : vector<16xf32>
      %add3A_140 = arith.constant 64 : i32
      %add3A_141 = vector.broadcast %add3A_140 : i32 to vector<16xi32>
      %add3A_142 = arith.addi %iota3A, %add3A_141 : vector<16xi32>
      %add3A_143 = vector.broadcast %mul3A_0 : i32 to vector<16xi32>
      %add3A_144 = arith.addi %add3A_142, %add3A_143 : vector<16xi32>
      %get3A_145 = arith.constant 64 : index
      %get3A_146 = tpu.vector_load %arg7[%get3A_145] {strides = array<i32>} : memref<432xf32, #tpu.memory_space<vmem>>, vector<16xf32>,
      %bitcast3A_147 = vector.bitcast %get3A_146 : vector<16xf32> to vector<16xi32>
      %gather3A_148 = tpu.vector_load_idx %arg4[%add3A_144] : memref<6890xf32, #tpu.memory_space<vmem>>[vector<16xi32>], vector<16xf32>,
      %gather3A_149 = tpu.vector_load_idx %arg5[%add3A_144] : memref<6890xf32, #tpu.memory_space<vmem>>[vector<16xi32>], vector<16xf32>,
      %gather3A_150 = tpu.vector_load_idx %arg6[%add3A_144] : memref<6890xf32, #tpu.memory_space<vmem>>[vector<16xi32>], vector<16xf32>,
      %gather3A_151 = tpu.vector_load_idx %arg4[%bitcast3A_147] : memref<6890xf32, #tpu.memory_space<vmem>>[vector<16xi32>], vector<16xf32>,
      %gather3A_152 = tpu.vector_load_idx %arg5[%bitcast3A_147] : memref<6890xf32, #tpu.memory_space<vmem>>[vector<16xi32>], vector<16xf32>,
      %gather3A_153 = tpu.vector_load_idx %arg6[%bitcast3A_147] : memref<6890xf32, #tpu.memory_space<vmem>>[vector<16xi32>], vector<16xf32>,
      %get3A_154 = arith.constant 64 : index
      %get3A_155 = tpu.vector_load %arg8[%get3A_154] {strides = array<i32>} : memref<432xf32, #tpu.memory_space<vmem>>, vector<16xf32>,
      %add3A_156 = arith.addf %gather3A_148, %gather3A_151 : vector<16xf32>
      %sub3A_157 = arith.subf %gather3A_149, %gather3A_152 : vector<16xf32>
      %sub3A_158 = arith.subf %gather3A_150, %gather3A_153 : vector<16xf32>
      %mul3A_159 = arith.mulf %add3A_156, %add3A_156 : vector<16xf32>
      %mul3A_160 = arith.mulf %sub3A_157, %sub3A_157 : vector<16xf32>
      %add3A_161 = arith.addf %mul3A_159, %mul3A_160 : vector<16xf32>
      %mul3A_162 = arith.mulf %sub3A_158, %sub3A_158 : vector<16xf32>
      %add3A_163 = arith.addf %add3A_161, %mul3A_162 : vector<16xf32>
      %mul3A_164 = arith.mulf %get3A_155, %add3A_163 : vector<16xf32>
      %add3A_165 = arith.addf %add3A_139, %mul3A_164 : vector<16xf32>
      %add3A_166 = arith.constant 80 : i32
      %add3A_167 = vector.broadcast %add3A_166 : i32 to vector<16xi32>
      %add3A_168 = arith.addi %iota3A, %add3A_167 : vector<16xi32>
      %add3A_169 = vector.broadcast %mul3A_0 : i32 to vector<16xi32>
      %add3A_170 = arith.addi %add3A_168, %add3A_169 : vector<16xi32>
      %get3A_171 = arith.constant 80 : index
      %get3A_172 = tpu.vector_load %arg7[%get3A_171] {strides = array<i32>} : memref<432xf32, #tpu.memory_space<vmem>>, vector<16xf32>,
      %bitcast3A_173 = vector.bitcast %get3A_172 : vector<16xf32> to vector<16xi32>
      %gather3A_174 = tpu.vector_load_idx %arg4[%add3A_170] : memref<6890xf32, #tpu.memory_space<vmem>>[vector<16xi32>], vector<16xf32>,
      %gather3A_175 = tpu.vector_load_idx %arg5[%add3A_170] : memref<6890xf32, #tpu.memory_space<vmem>>[vector<16xi32>], vector<16xf32>,
      %gather3A_176 = tpu.vector_load_idx %arg6[%add3A_170] : memref<6890xf32, #tpu.memory_space<vmem>>[vector<16xi32>], vector<16xf32>,
      %gather3A_177 = tpu.vector_load_idx %arg4[%bitcast3A_173] : memref<6890xf32, #tpu.memory_space<vmem>>[vector<16xi32>], vector<16xf32>,
      %gather3A_178 = tpu.vector_load_idx %arg5[%bitcast3A_173] : memref<6890xf32, #tpu.memory_space<vmem>>[vector<16xi32>], vector<16xf32>,
      %gather3A_179 = tpu.vector_load_idx %arg6[%bitcast3A_173] : memref<6890xf32, #tpu.memory_space<vmem>>[vector<16xi32>], vector<16xf32>,
      %get3A_180 = arith.constant 80 : index
      %get3A_181 = tpu.vector_load %arg8[%get3A_180] {strides = array<i32>} : memref<432xf32, #tpu.memory_space<vmem>>, vector<16xf32>,
      %add3A_182 = arith.addf %gather3A_174, %gather3A_177 : vector<16xf32>
      %sub3A_183 = arith.subf %gather3A_175, %gather3A_178 : vector<16xf32>
      %sub3A_184 = arith.subf %gather3A_176, %gather3A_179 : vector<16xf32>
      %mul3A_185 = arith.mulf %add3A_182, %add3A_182 : vector<16xf32>
      %mul3A_186 = arith.mulf %sub3A_183, %sub3A_183 : vector<16xf32>
      %add3A_187 = arith.addf %mul3A_185, %mul3A_186 : vector<16xf32>
      %mul3A_188 = arith.mulf %sub3A_184, %sub3A_184 : vector<16xf32>
      %add3A_189 = arith.addf %add3A_187, %mul3A_188 : vector<16xf32>
      %mul3A_190 = arith.mulf %get3A_181, %add3A_189 : vector<16xf32>
      %add3A_191 = arith.addf %add3A_165, %mul3A_190 : vector<16xf32>
      %add3A_192 = arith.constant 96 : i32
      %add3A_193 = vector.broadcast %add3A_192 : i32 to vector<16xi32>
      %add3A_194 = arith.addi %iota3A, %add3A_193 : vector<16xi32>
      %add3A_195 = vector.broadcast %mul3A_0 : i32 to vector<16xi32>
      %add3A_196 = arith.addi %add3A_194, %add3A_195 : vector<16xi32>
      %get3A_197 = arith.constant 96 : index
      %get3A_198 = tpu.vector_load %arg7[%get3A_197] {strides = array<i32>} : memref<432xf32, #tpu.memory_space<vmem>>, vector<16xf32>,
      %bitcast3A_199 = vector.bitcast %get3A_198 : vector<16xf32> to vector<16xi32>
      %gather3A_200 = tpu.vector_load_idx %arg4[%add3A_196] : memref<6890xf32, #tpu.memory_space<vmem>>[vector<16xi32>], vector<16xf32>,
      %gather3A_201 = tpu.vector_load_idx %arg5[%add3A_196] : memref<6890xf32, #tpu.memory_space<vmem>>[vector<16xi32>], vector<16xf32>,
      %gather3A_202 = tpu.vector_load_idx %arg6[%add3A_196] : memref<6890xf32, #tpu.memory_space<vmem>>[vector<16xi32>], vector<16xf32>,
      %gather3A_203 = tpu.vector_load_idx %arg4[%bitcast3A_199] : memref<6890xf32, #tpu.memory_space<vmem>>[vector<16xi32>], vector<16xf32>,
      %gather3A_204 = tpu.vector_load_idx %arg5[%bitcast3A_199] : memref<6890xf32, #tpu.memory_space<vmem>>[vector<16xi32>], vector<16xf32>,
      %gather3A_205 = tpu.vector_load_idx %arg6[%bitcast3A_199] : memref<6890xf32, #tpu.memory_space<vmem>>[vector<16xi32>], vector<16xf32>,
      %get3A_206 = arith.constant 96 : index
      %get3A_207 = tpu.vector_load %arg8[%get3A_206] {strides = array<i32>} : memref<432xf32, #tpu.memory_space<vmem>>, vector<16xf32>,
      %add3A_208 = arith.addf %gather3A_200, %gather3A_203 : vector<16xf32>
      %sub3A_209 = arith.subf %gather3A_201, %gather3A_204 : vector<16xf32>
      %sub3A_210 = arith.subf %gather3A_202, %gather3A_205 : vector<16xf32>
      %mul3A_211 = arith.mulf %add3A_208, %add3A_208 : vector<16xf32>
      %mul3A_212 = arith.mulf %sub3A_209, %sub3A_209 : vector<16xf32>
      %add3A_213 = arith.addf %mul3A_211, %mul3A_212 : vector<16xf32>
      %mul3A_214 = arith.mulf %sub3A_210, %sub3A_210 : vector<16xf32>
      %add3A_215 = arith.addf %add3A_213, %mul3A_214 : vector<16xf32>
      %mul3A_216 = arith.mulf %get3A_207, %add3A_215 : vector<16xf32>
      %add3A_217 = arith.addf %add3A_191, %mul3A_216 : vector<16xf32>
      %add3A_218 = arith.constant 112 : i32
      %add3A_219 = vector.broadcast %add3A_218 : i32 to vector<16xi32>
      %add3A_220 = arith.addi %iota3A, %add3A_219 : vector<16xi32>
      %add3A_221 = vector.broadcast %mul3A_0 : i32 to vector<16xi32>
      %add3A_222 = arith.addi %add3A_220, %add3A_221 : vector<16xi32>
      %get3A_223 = arith.constant 112 : index
      %get3A_224 = tpu.vector_load %arg7[%get3A_223] {strides = array<i32>} : memref<432xf32, #tpu.memory_space<vmem>>, vector<16xf32>,
      %bitcast3A_225 = vector.bitcast %get3A_224 : vector<16xf32> to vector<16xi32>
      %gather3A_226 = tpu.vector_load_idx %arg4[%add3A_222] : memref<6890xf32, #tpu.memory_space<vmem>>[vector<16xi32>], vector<16xf32>,
      %gather3A_227 = tpu.vector_load_idx %arg5[%add3A_222] : memref<6890xf32, #tpu.memory_space<vmem>>[vector<16xi32>], vector<16xf32>,
      %gather3A_228 = tpu.vector_load_idx %arg6[%add3A_222] : memref<6890xf32, #tpu.memory_space<vmem>>[vector<16xi32>], vector<16xf32>,
      %gather3A_229 = tpu.vector_load_idx %arg4[%bitcast3A_225] : memref<6890xf32, #tpu.memory_space<vmem>>[vector<16xi32>], vector<16xf32>,
      %gather3A_230 = tpu.vector_load_idx %arg5[%bitcast3A_225] : memref<6890xf32, #tpu.memory_space<vmem>>[vector<16xi32>], vector<16xf32>,
      %gather3A_231 = tpu.vector_load_idx %arg6[%bitcast3A_225] : memref<6890xf32, #tpu.memory_space<vmem>>[vector<16xi32>], vector<16xf32>,
      %get3A_232 = arith.constant 112 : index
      %get3A_233 = tpu.vector_load %arg8[%get3A_232] {strides = array<i32>} : memref<432xf32, #tpu.memory_space<vmem>>, vector<16xf32>,
      %add3A_234 = arith.addf %gather3A_226, %gather3A_229 : vector<16xf32>
      %sub3A_235 = arith.subf %gather3A_227, %gather3A_230 : vector<16xf32>
      %sub3A_236 = arith.subf %gather3A_228, %gather3A_231 : vector<16xf32>
      %mul3A_237 = arith.mulf %add3A_234, %add3A_234 : vector<16xf32>
      %mul3A_238 = arith.mulf %sub3A_235, %sub3A_235 : vector<16xf32>
      %add3A_239 = arith.addf %mul3A_237, %mul3A_238 : vector<16xf32>
      %mul3A_240 = arith.mulf %sub3A_236, %sub3A_236 : vector<16xf32>
      %add3A_241 = arith.addf %add3A_239, %mul3A_240 : vector<16xf32>
      %mul3A_242 = arith.mulf %get3A_233, %add3A_241 : vector<16xf32>
      %add3A_243 = arith.addf %add3A_217, %mul3A_242 : vector<16xf32>
      %add3A_244 = arith.constant 128 : i32
      %add3A_245 = vector.broadcast %add3A_244 : i32 to vector<16xi32>
      %add3A_246 = arith.addi %iota3A, %add3A_245 : vector<16xi32>
      %add3A_247 = vector.broadcast %mul3A_0 : i32 to vector<16xi32>
      %add3A_248 = arith.addi %add3A_246, %add3A_247 : vector<16xi32>
      %get3A_249 = arith.constant 128 : index
      %get3A_250 = tpu.vector_load %arg7[%get3A_249] {strides = array<i32>} : memref<432xf32, #tpu.memory_space<vmem>>, vector<16xf32>,
      %bitcast3A_251 = vector.bitcast %get3A_250 : vector<16xf32> to vector<16xi32>
      %gather3A_252 = tpu.vector_load_idx %arg4[%add3A_248] : memref<6890xf32, #tpu.memory_space<vmem>>[vector<16xi32>], vector<16xf32>,
      %gather3A_253 = tpu.vector_load_idx %arg5[%add3A_248] : memref<6890xf32, #tpu.memory_space<vmem>>[vector<16xi32>], vector<16xf32>,
      %gather3A_254 = tpu.vector_load_idx %arg6[%add3A_248] : memref<6890xf32, #tpu.memory_space<vmem>>[vector<16xi32>], vector<16xf32>,
      %gather3A_255 = tpu.vector_load_idx %arg4[%bitcast3A_251] : memref<6890xf32, #tpu.memory_space<vmem>>[vector<16xi32>], vector<16xf32>,
      %gather3A_256 = tpu.vector_load_idx %arg5[%bitcast3A_251] : memref<6890xf32, #tpu.memory_space<vmem>>[vector<16xi32>], vector<16xf32>,
      %gather3A_257 = tpu.vector_load_idx %arg6[%bitcast3A_251] : memref<6890xf32, #tpu.memory_space<vmem>>[vector<16xi32>], vector<16xf32>,
      %get3A_258 = arith.constant 128 : index
      %get3A_259 = tpu.vector_load %arg8[%get3A_258] {strides = array<i32>} : memref<432xf32, #tpu.memory_space<vmem>>, vector<16xf32>,
      %add3A_260 = arith.addf %gather3A_252, %gather3A_255 : vector<16xf32>
      %sub3A_261 = arith.subf %gather3A_253, %gather3A_256 : vector<16xf32>
      %sub3A_262 = arith.subf %gather3A_254, %gather3A_257 : vector<16xf32>
      %mul3A_263 = arith.mulf %add3A_260, %add3A_260 : vector<16xf32>
      %mul3A_264 = arith.mulf %sub3A_261, %sub3A_261 : vector<16xf32>
      %add3A_265 = arith.addf %mul3A_263, %mul3A_264 : vector<16xf32>
      %mul3A_266 = arith.mulf %sub3A_262, %sub3A_262 : vector<16xf32>
      %add3A_267 = arith.addf %add3A_265, %mul3A_266 : vector<16xf32>
      %mul3A_268 = arith.mulf %get3A_259, %add3A_267 : vector<16xf32>
      %add3A_269 = arith.addf %add3A_243, %mul3A_268 : vector<16xf32>
      %add3A_270 = arith.constant 144 : i32
      %add3A_271 = vector.broadcast %add3A_270 : i32 to vector<16xi32>
      %add3A_272 = arith.addi %iota3A, %add3A_271 : vector<16xi32>
      %add3A_273 = vector.broadcast %mul3A_0 : i32 to vector<16xi32>
      %add3A_274 = arith.addi %add3A_272, %add3A_273 : vector<16xi32>
      %get3A_275 = arith.constant 144 : index
      %get3A_276 = tpu.vector_load %arg7[%get3A_275] {strides = array<i32>} : memref<432xf32, #tpu.memory_space<vmem>>, vector<16xf32>,
      %bitcast3A_277 = vector.bitcast %get3A_276 : vector<16xf32> to vector<16xi32>
      %gather3A_278 = tpu.vector_load_idx %arg4[%add3A_274] : memref<6890xf32, #tpu.memory_space<vmem>>[vector<16xi32>], vector<16xf32>,
      %gather3A_279 = tpu.vector_load_idx %arg5[%add3A_274] : memref<6890xf32, #tpu.memory_space<vmem>>[vector<16xi32>], vector<16xf32>,
      %gather3A_280 = tpu.vector_load_idx %arg6[%add3A_274] : memref<6890xf32, #tpu.memory_space<vmem>>[vector<16xi32>], vector<16xf32>,
      %gather3A_281 = tpu.vector_load_idx %arg4[%bitcast3A_277] : memref<6890xf32, #tpu.memory_space<vmem>>[vector<16xi32>], vector<16xf32>,
      %gather3A_282 = tpu.vector_load_idx %arg5[%bitcast3A_277] : memref<6890xf32, #tpu.memory_space<vmem>>[vector<16xi32>], vector<16xf32>,
      %gather3A_283 = tpu.vector_load_idx %arg6[%bitcast3A_277] : memref<6890xf32, #tpu.memory_space<vmem>>[vector<16xi32>], vector<16xf32>,
      %get3A_284 = arith.constant 144 : index
      %get3A_285 = tpu.vector_load %arg8[%get3A_284] {strides = array<i32>} : memref<432xf32, #tpu.memory_space<vmem>>, vector<16xf32>,
      %add3A_286 = arith.addf %gather3A_278, %gather3A_281 : vector<16xf32>
      %sub3A_287 = arith.subf %gather3A_279, %gather3A_282 : vector<16xf32>
      %sub3A_288 = arith.subf %gather3A_280, %gather3A_283 : vector<16xf32>
      %mul3A_289 = arith.mulf %add3A_286, %add3A_286 : vector<16xf32>
      %mul3A_290 = arith.mulf %sub3A_287, %sub3A_287 : vector<16xf32>
      %add3A_291 = arith.addf %mul3A_289, %mul3A_290 : vector<16xf32>
      %mul3A_292 = arith.mulf %sub3A_288, %sub3A_288 : vector<16xf32>
      %add3A_293 = arith.addf %add3A_291, %mul3A_292 : vector<16xf32>
      %mul3A_294 = arith.mulf %get3A_285, %add3A_293 : vector<16xf32>
      %add3A_295 = arith.addf %add3A_269, %mul3A_294 : vector<16xf32>
      %add3A_296 = arith.constant 160 : i32
      %add3A_297 = vector.broadcast %add3A_296 : i32 to vector<16xi32>
      %add3A_298 = arith.addi %iota3A, %add3A_297 : vector<16xi32>
      %add3A_299 = vector.broadcast %mul3A_0 : i32 to vector<16xi32>
      %add3A_300 = arith.addi %add3A_298, %add3A_299 : vector<16xi32>
      %get3A_301 = arith.constant 160 : index
      %get3A_302 = tpu.vector_load %arg7[%get3A_301] {strides = array<i32>} : memref<432xf32, #tpu.memory_space<vmem>>, vector<16xf32>,
      %bitcast3A_303 = vector.bitcast %get3A_302 : vector<16xf32> to vector<16xi32>
      %gather3A_304 = tpu.vector_load_idx %arg4[%add3A_300] : memref<6890xf32, #tpu.memory_space<vmem>>[vector<16xi32>], vector<16xf32>,
      %gather3A_305 = tpu.vector_load_idx %arg5[%add3A_300] : memref<6890xf32, #tpu.memory_space<vmem>>[vector<16xi32>], vector<16xf32>,
      %gather3A_306 = tpu.vector_load_idx %arg6[%add3A_300] : memref<6890xf32, #tpu.memory_space<vmem>>[vector<16xi32>], vector<16xf32>,
      %gather3A_307 = tpu.vector_load_idx %arg4[%bitcast3A_303] : memref<6890xf32, #tpu.memory_space<vmem>>[vector<16xi32>], vector<16xf32>,
      %gather3A_308 = tpu.vector_load_idx %arg5[%bitcast3A_303] : memref<6890xf32, #tpu.memory_space<vmem>>[vector<16xi32>], vector<16xf32>,
      %gather3A_309 = tpu.vector_load_idx %arg6[%bitcast3A_303] : memref<6890xf32, #tpu.memory_space<vmem>>[vector<16xi32>], vector<16xf32>,
      %get3A_310 = arith.constant 160 : index
      %get3A_311 = tpu.vector_load %arg8[%get3A_310] {strides = array<i32>} : memref<432xf32, #tpu.memory_space<vmem>>, vector<16xf32>,
      %add3A_312 = arith.addf %gather3A_304, %gather3A_307 : vector<16xf32>
      %sub3A_313 = arith.subf %gather3A_305, %gather3A_308 : vector<16xf32>
      %sub3A_314 = arith.subf %gather3A_306, %gather3A_309 : vector<16xf32>
      %mul3A_315 = arith.mulf %add3A_312, %add3A_312 : vector<16xf32>
      %mul3A_316 = arith.mulf %sub3A_313, %sub3A_313 : vector<16xf32>
      %add3A_317 = arith.addf %mul3A_315, %mul3A_316 : vector<16xf32>
      %mul3A_318 = arith.mulf %sub3A_314, %sub3A_314 : vector<16xf32>
      %add3A_319 = arith.addf %add3A_317, %mul3A_318 : vector<16xf32>
      %mul3A_320 = arith.mulf %get3A_311, %add3A_319 : vector<16xf32>
      %add3A_321 = arith.addf %add3A_295, %mul3A_320 : vector<16xf32>
      %add3A_322 = arith.constant 176 : i32
      %add3A_323 = vector.broadcast %add3A_322 : i32 to vector<16xi32>
      %add3A_324 = arith.addi %iota3A, %add3A_323 : vector<16xi32>
      %add3A_325 = vector.broadcast %mul3A_0 : i32 to vector<16xi32>
      %add3A_326 = arith.addi %add3A_324, %add3A_325 : vector<16xi32>
      %get3A_327 = arith.constant 176 : index
      %get3A_328 = tpu.vector_load %arg7[%get3A_327] {strides = array<i32>} : memref<432xf32, #tpu.memory_space<vmem>>, vector<16xf32>,
      %bitcast3A_329 = vector.bitcast %get3A_328 : vector<16xf32> to vector<16xi32>
      %gather3A_330 = tpu.vector_load_idx %arg4[%add3A_326] : memref<6890xf32, #tpu.memory_space<vmem>>[vector<16xi32>], vector<16xf32>,
      %gather3A_331 = tpu.vector_load_idx %arg5[%add3A_326] : memref<6890xf32, #tpu.memory_space<vmem>>[vector<16xi32>], vector<16xf32>,
      %gather3A_332 = tpu.vector_load_idx %arg6[%add3A_326] : memref<6890xf32, #tpu.memory_space<vmem>>[vector<16xi32>], vector<16xf32>,
      %gather3A_333 = tpu.vector_load_idx %arg4[%bitcast3A_329] : memref<6890xf32, #tpu.memory_space<vmem>>[vector<16xi32>], vector<16xf32>,
      %gather3A_334 = tpu.vector_load_idx %arg5[%bitcast3A_329] : memref<6890xf32, #tpu.memory_space<vmem>>[vector<16xi32>], vector<16xf32>,
      %gather3A_335 = tpu.vector_load_idx %arg6[%bitcast3A_329] : memref<6890xf32, #tpu.memory_space<vmem>>[vector<16xi32>], vector<16xf32>,
      %get3A_336 = arith.constant 176 : index
      %get3A_337 = tpu.vector_load %arg8[%get3A_336] {strides = array<i32>} : memref<432xf32, #tpu.memory_space<vmem>>, vector<16xf32>,
      %add3A_338 = arith.addf %gather3A_330, %gather3A_333 : vector<16xf32>
      %sub3A_339 = arith.subf %gather3A_331, %gather3A_334 : vector<16xf32>
      %sub3A_340 = arith.subf %gather3A_332, %gather3A_335 : vector<16xf32>
      %mul3A_341 = arith.mulf %add3A_338, %add3A_338 : vector<16xf32>
      %mul3A_342 = arith.mulf %sub3A_339, %sub3A_339 : vector<16xf32>
      %add3A_343 = arith.addf %mul3A_341, %mul3A_342 : vector<16xf32>
      %mul3A_344 = arith.mulf %sub3A_340, %sub3A_340 : vector<16xf32>
      %add3A_345 = arith.addf %add3A_343, %mul3A_344 : vector<16xf32>
      %mul3A_346 = arith.mulf %get3A_337, %add3A_345 : vector<16xf32>
      %add3A_347 = arith.addf %add3A_321, %mul3A_346 : vector<16xf32>
      %add3A_348 = arith.constant 192 : i32
      %add3A_349 = vector.broadcast %add3A_348 : i32 to vector<16xi32>
      %add3A_350 = arith.addi %iota3A, %add3A_349 : vector<16xi32>
      %add3A_351 = vector.broadcast %mul3A_0 : i32 to vector<16xi32>
      %add3A_352 = arith.addi %add3A_350, %add3A_351 : vector<16xi32>
      %get3A_353 = arith.constant 192 : index
      %get3A_354 = tpu.vector_load %arg7[%get3A_353] {strides = array<i32>} : memref<432xf32, #tpu.memory_space<vmem>>, vector<16xf32>,
      %bitcast3A_355 = vector.bitcast %get3A_354 : vector<16xf32> to vector<16xi32>
      %gather3A_356 = tpu.vector_load_idx %arg4[%add3A_352] : memref<6890xf32, #tpu.memory_space<vmem>>[vector<16xi32>], vector<16xf32>,
      %gather3A_357 = tpu.vector_load_idx %arg5[%add3A_352] : memref<6890xf32, #tpu.memory_space<vmem>>[vector<16xi32>], vector<16xf32>,
      %gather3A_358 = tpu.vector_load_idx %arg6[%add3A_352] : memref<6890xf32, #tpu.memory_space<vmem>>[vector<16xi32>], vector<16xf32>,
      %gather3A_359 = tpu.vector_load_idx %arg4[%bitcast3A_355] : memref<6890xf32, #tpu.memory_space<vmem>>[vector<16xi32>], vector<16xf32>,
      %gather3A_360 = tpu.vector_load_idx %arg5[%bitcast3A_355] : memref<6890xf32, #tpu.memory_space<vmem>>[vector<16xi32>], vector<16xf32>,
      %gather3A_361 = tpu.vector_load_idx %arg6[%bitcast3A_355] : memref<6890xf32, #tpu.memory_space<vmem>>[vector<16xi32>], vector<16xf32>,
      %get3A_362 = arith.constant 192 : index
      %get3A_363 = tpu.vector_load %arg8[%get3A_362] {strides = array<i32>} : memref<432xf32, #tpu.memory_space<vmem>>, vector<16xf32>,
      %add3A_364 = arith.addf %gather3A_356, %gather3A_359 : vector<16xf32>
      %sub3A_365 = arith.subf %gather3A_357, %gather3A_360 : vector<16xf32>
      %sub3A_366 = arith.subf %gather3A_358, %gather3A_361 : vector<16xf32>
      %mul3A_367 = arith.mulf %add3A_364, %add3A_364 : vector<16xf32>
      %mul3A_368 = arith.mulf %sub3A_365, %sub3A_365 : vector<16xf32>
      %add3A_369 = arith.addf %mul3A_367, %mul3A_368 : vector<16xf32>
      %mul3A_370 = arith.mulf %sub3A_366, %sub3A_366 : vector<16xf32>
      %add3A_371 = arith.addf %add3A_369, %mul3A_370 : vector<16xf32>
      %mul3A_372 = arith.mulf %get3A_363, %add3A_371 : vector<16xf32>
      %add3A_373 = arith.addf %add3A_347, %mul3A_372 : vector<16xf32>
      %add3A_374 = arith.constant 208 : i32
      %add3A_375 = vector.broadcast %add3A_374 : i32 to vector<16xi32>
      %add3A_376 = arith.addi %iota3A, %add3A_375 : vector<16xi32>
      %add3A_377 = vector.broadcast %mul3A_0 : i32 to vector<16xi32>
      %add3A_378 = arith.addi %add3A_376, %add3A_377 : vector<16xi32>
      %get3A_379 = arith.constant 208 : index
      %get3A_380 = tpu.vector_load %arg7[%get3A_379] {strides = array<i32>} : memref<432xf32, #tpu.memory_space<vmem>>, vector<16xf32>,
      %bitcast3A_381 = vector.bitcast %get3A_380 : vector<16xf32> to vector<16xi32>
      %gather3A_382 = tpu.vector_load_idx %arg4[%add3A_378] : memref<6890xf32, #tpu.memory_space<vmem>>[vector<16xi32>], vector<16xf32>,
      %gather3A_383 = tpu.vector_load_idx %arg5[%add3A_378] : memref<6890xf32, #tpu.memory_space<vmem>>[vector<16xi32>], vector<16xf32>,
      %gather3A_384 = tpu.vector_load_idx %arg6[%add3A_378] : memref<6890xf32, #tpu.memory_space<vmem>>[vector<16xi32>], vector<16xf32>,
      %gather3A_385 = tpu.vector_load_idx %arg4[%bitcast3A_381] : memref<6890xf32, #tpu.memory_space<vmem>>[vector<16xi32>], vector<16xf32>,
      %gather3A_386 = tpu.vector_load_idx %arg5[%bitcast3A_381] : memref<6890xf32, #tpu.memory_space<vmem>>[vector<16xi32>], vector<16xf32>,
      %gather3A_387 = tpu.vector_load_idx %arg6[%bitcast3A_381] : memref<6890xf32, #tpu.memory_space<vmem>>[vector<16xi32>], vector<16xf32>,
      %get3A_388 = arith.constant 208 : index
      %get3A_389 = tpu.vector_load %arg8[%get3A_388] {strides = array<i32>} : memref<432xf32, #tpu.memory_space<vmem>>, vector<16xf32>,
      %add3A_390 = arith.addf %gather3A_382, %gather3A_385 : vector<16xf32>
      %sub3A_391 = arith.subf %gather3A_383, %gather3A_386 : vector<16xf32>
      %sub3A_392 = arith.subf %gather3A_384, %gather3A_387 : vector<16xf32>
      %mul3A_393 = arith.mulf %add3A_390, %add3A_390 : vector<16xf32>
      %mul3A_394 = arith.mulf %sub3A_391, %sub3A_391 : vector<16xf32>
      %add3A_395 = arith.addf %mul3A_393, %mul3A_394 : vector<16xf32>
      %mul3A_396 = arith.mulf %sub3A_392, %sub3A_392 : vector<16xf32>
      %add3A_397 = arith.addf %add3A_395, %mul3A_396 : vector<16xf32>
      %mul3A_398 = arith.mulf %get3A_389, %add3A_397 : vector<16xf32>
      %add3A_399 = arith.addf %add3A_373, %mul3A_398 : vector<16xf32>
      %add3A_400 = arith.constant 224 : i32
      %add3A_401 = vector.broadcast %add3A_400 : i32 to vector<16xi32>
      %add3A_402 = arith.addi %iota3A, %add3A_401 : vector<16xi32>
      %add3A_403 = vector.broadcast %mul3A_0 : i32 to vector<16xi32>
      %add3A_404 = arith.addi %add3A_402, %add3A_403 : vector<16xi32>
      %get3A_405 = arith.constant 224 : index
      %get3A_406 = tpu.vector_load %arg7[%get3A_405] {strides = array<i32>} : memref<432xf32, #tpu.memory_space<vmem>>, vector<16xf32>,
      %bitcast3A_407 = vector.bitcast %get3A_406 : vector<16xf32> to vector<16xi32>
      %gather3A_408 = tpu.vector_load_idx %arg4[%add3A_404] : memref<6890xf32, #tpu.memory_space<vmem>>[vector<16xi32>], vector<16xf32>,
      %gather3A_409 = tpu.vector_load_idx %arg5[%add3A_404] : memref<6890xf32, #tpu.memory_space<vmem>>[vector<16xi32>], vector<16xf32>,
      %gather3A_410 = tpu.vector_load_idx %arg6[%add3A_404] : memref<6890xf32, #tpu.memory_space<vmem>>[vector<16xi32>], vector<16xf32>,
      %gather3A_411 = tpu.vector_load_idx %arg4[%bitcast3A_407] : memref<6890xf32, #tpu.memory_space<vmem>>[vector<16xi32>], vector<16xf32>,
      %gather3A_412 = tpu.vector_load_idx %arg5[%bitcast3A_407] : memref<6890xf32, #tpu.memory_space<vmem>>[vector<16xi32>], vector<16xf32>,
      %gather3A_413 = tpu.vector_load_idx %arg6[%bitcast3A_407] : memref<6890xf32, #tpu.memory_space<vmem>>[vector<16xi32>], vector<16xf32>,
      %get3A_414 = arith.constant 224 : index
      %get3A_415 = tpu.vector_load %arg8[%get3A_414] {strides = array<i32>} : memref<432xf32, #tpu.memory_space<vmem>>, vector<16xf32>,
      %add3A_416 = arith.addf %gather3A_408, %gather3A_411 : vector<16xf32>
      %sub3A_417 = arith.subf %gather3A_409, %gather3A_412 : vector<16xf32>
      %sub3A_418 = arith.subf %gather3A_410, %gather3A_413 : vector<16xf32>
      %mul3A_419 = arith.mulf %add3A_416, %add3A_416 : vector<16xf32>
      %mul3A_420 = arith.mulf %sub3A_417, %sub3A_417 : vector<16xf32>
      %add3A_421 = arith.addf %mul3A_419, %mul3A_420 : vector<16xf32>
      %mul3A_422 = arith.mulf %sub3A_418, %sub3A_418 : vector<16xf32>
      %add3A_423 = arith.addf %add3A_421, %mul3A_422 : vector<16xf32>
      %mul3A_424 = arith.mulf %get3A_415, %add3A_423 : vector<16xf32>
      %add3A_425 = arith.addf %add3A_399, %mul3A_424 : vector<16xf32>
      %add3A_426 = arith.constant 240 : i32
      %add3A_427 = vector.broadcast %add3A_426 : i32 to vector<16xi32>
      %add3A_428 = arith.addi %iota3A, %add3A_427 : vector<16xi32>
      %add3A_429 = vector.broadcast %mul3A_0 : i32 to vector<16xi32>
      %add3A_430 = arith.addi %add3A_428, %add3A_429 : vector<16xi32>
      %get3A_431 = arith.constant 240 : index
      %get3A_432 = tpu.vector_load %arg7[%get3A_431] {strides = array<i32>} : memref<432xf32, #tpu.memory_space<vmem>>, vector<16xf32>,
      %bitcast3A_433 = vector.bitcast %get3A_432 : vector<16xf32> to vector<16xi32>
      %gather3A_434 = tpu.vector_load_idx %arg4[%add3A_430] : memref<6890xf32, #tpu.memory_space<vmem>>[vector<16xi32>], vector<16xf32>,
      %gather3A_435 = tpu.vector_load_idx %arg5[%add3A_430] : memref<6890xf32, #tpu.memory_space<vmem>>[vector<16xi32>], vector<16xf32>,
      %gather3A_436 = tpu.vector_load_idx %arg6[%add3A_430] : memref<6890xf32, #tpu.memory_space<vmem>>[vector<16xi32>], vector<16xf32>,
      %gather3A_437 = tpu.vector_load_idx %arg4[%bitcast3A_433] : memref<6890xf32, #tpu.memory_space<vmem>>[vector<16xi32>], vector<16xf32>,
      %gather3A_438 = tpu.vector_load_idx %arg5[%bitcast3A_433] : memref<6890xf32, #tpu.memory_space<vmem>>[vector<16xi32>], vector<16xf32>,
      %gather3A_439 = tpu.vector_load_idx %arg6[%bitcast3A_433] : memref<6890xf32, #tpu.memory_space<vmem>>[vector<16xi32>], vector<16xf32>,
      %get3A_440 = arith.constant 240 : index
      %get3A_441 = tpu.vector_load %arg8[%get3A_440] {strides = array<i32>} : memref<432xf32, #tpu.memory_space<vmem>>, vector<16xf32>,
      %add3A_442 = arith.addf %gather3A_434, %gather3A_437 : vector<16xf32>
      %sub3A_443 = arith.subf %gather3A_435, %gather3A_438 : vector<16xf32>
      %sub3A_444 = arith.subf %gather3A_436, %gather3A_439 : vector<16xf32>
      %mul3A_445 = arith.mulf %add3A_442, %add3A_442 : vector<16xf32>
      %mul3A_446 = arith.mulf %sub3A_443, %sub3A_443 : vector<16xf32>
      %add3A_447 = arith.addf %mul3A_445, %mul3A_446 : vector<16xf32>
      %mul3A_448 = arith.mulf %sub3A_444, %sub3A_444 : vector<16xf32>
      %add3A_449 = arith.addf %add3A_447, %mul3A_448 : vector<16xf32>
      %mul3A_450 = arith.mulf %get3A_441, %add3A_449 : vector<16xf32>
      %add3A_451 = arith.addf %add3A_425, %mul3A_450 : vector<16xf32>
      %add3A_452 = arith.constant 256 : i32
      %add3A_453 = vector.broadcast %add3A_452 : i32 to vector<16xi32>
      %add3A_454 = arith.addi %iota3A, %add3A_453 : vector<16xi32>
      %add3A_455 = vector.broadcast %mul3A_0 : i32 to vector<16xi32>
      %add3A_456 = arith.addi %add3A_454, %add3A_455 : vector<16xi32>
      %get3A_457 = arith.constant 256 : index
      %get3A_458 = tpu.vector_load %arg7[%get3A_457] {strides = array<i32>} : memref<432xf32, #tpu.memory_space<vmem>>, vector<16xf32>,
      %bitcast3A_459 = vector.bitcast %get3A_458 : vector<16xf32> to vector<16xi32>
      %gather3A_460 = tpu.vector_load_idx %arg4[%add3A_456] : memref<6890xf32, #tpu.memory_space<vmem>>[vector<16xi32>], vector<16xf32>,
      %gather3A_461 = tpu.vector_load_idx %arg5[%add3A_456] : memref<6890xf32, #tpu.memory_space<vmem>>[vector<16xi32>], vector<16xf32>,
      %gather3A_462 = tpu.vector_load_idx %arg6[%add3A_456] : memref<6890xf32, #tpu.memory_space<vmem>>[vector<16xi32>], vector<16xf32>,
      %gather3A_463 = tpu.vector_load_idx %arg4[%bitcast3A_459] : memref<6890xf32, #tpu.memory_space<vmem>>[vector<16xi32>], vector<16xf32>,
      %gather3A_464 = tpu.vector_load_idx %arg5[%bitcast3A_459] : memref<6890xf32, #tpu.memory_space<vmem>>[vector<16xi32>], vector<16xf32>,
      %gather3A_465 = tpu.vector_load_idx %arg6[%bitcast3A_459] : memref<6890xf32, #tpu.memory_space<vmem>>[vector<16xi32>], vector<16xf32>,
      %get3A_466 = arith.constant 256 : index
      %get3A_467 = tpu.vector_load %arg8[%get3A_466] {strides = array<i32>} : memref<432xf32, #tpu.memory_space<vmem>>, vector<16xf32>,
      %add3A_468 = arith.addf %gather3A_460, %gather3A_463 : vector<16xf32>
      %sub3A_469 = arith.subf %gather3A_461, %gather3A_464 : vector<16xf32>
      %sub3A_470 = arith.subf %gather3A_462, %gather3A_465 : vector<16xf32>
      %mul3A_471 = arith.mulf %add3A_468, %add3A_468 : vector<16xf32>
      %mul3A_472 = arith.mulf %sub3A_469, %sub3A_469 : vector<16xf32>
      %add3A_473 = arith.addf %mul3A_471, %mul3A_472 : vector<16xf32>
      %mul3A_474 = arith.mulf %sub3A_470, %sub3A_470 : vector<16xf32>
      %add3A_475 = arith.addf %add3A_473, %mul3A_474 : vector<16xf32>
      %mul3A_476 = arith.mulf %get3A_467, %add3A_475 : vector<16xf32>
      %add3A_477 = arith.addf %add3A_451, %mul3A_476 : vector<16xf32>
      %add3A_478 = arith.constant 272 : i32
      %add3A_479 = vector.broadcast %add3A_478 : i32 to vector<16xi32>
      %add3A_480 = arith.addi %iota3A, %add3A_479 : vector<16xi32>
      %add3A_481 = vector.broadcast %mul3A_0 : i32 to vector<16xi32>
      %add3A_482 = arith.addi %add3A_480, %add3A_481 : vector<16xi32>
      %get3A_483 = arith.constant 272 : index
      %get3A_484 = tpu.vector_load %arg7[%get3A_483] {strides = array<i32>} : memref<432xf32, #tpu.memory_space<vmem>>, vector<16xf32>,
      %bitcast3A_485 = vector.bitcast %get3A_484 : vector<16xf32> to vector<16xi32>
      %gather3A_486 = tpu.vector_load_idx %arg4[%add3A_482] : memref<6890xf32, #tpu.memory_space<vmem>>[vector<16xi32>], vector<16xf32>,
      %gather3A_487 = tpu.vector_load_idx %arg5[%add3A_482] : memref<6890xf32, #tpu.memory_space<vmem>>[vector<16xi32>], vector<16xf32>,
      %gather3A_488 = tpu.vector_load_idx %arg6[%add3A_482] : memref<6890xf32, #tpu.memory_space<vmem>>[vector<16xi32>], vector<16xf32>,
      %gather3A_489 = tpu.vector_load_idx %arg4[%bitcast3A_485] : memref<6890xf32, #tpu.memory_space<vmem>>[vector<16xi32>], vector<16xf32>,
      %gather3A_490 = tpu.vector_load_idx %arg5[%bitcast3A_485] : memref<6890xf32, #tpu.memory_space<vmem>>[vector<16xi32>], vector<16xf32>,
      %gather3A_491 = tpu.vector_load_idx %arg6[%bitcast3A_485] : memref<6890xf32, #tpu.memory_space<vmem>>[vector<16xi32>], vector<16xf32>,
      %get3A_492 = arith.constant 272 : index
      %get3A_493 = tpu.vector_load %arg8[%get3A_492] {strides = array<i32>} : memref<432xf32, #tpu.memory_space<vmem>>, vector<16xf32>,
      %add3A_494 = arith.addf %gather3A_486, %gather3A_489 : vector<16xf32>
      %sub3A_495 = arith.subf %gather3A_487, %gather3A_490 : vector<16xf32>
      %sub3A_496 = arith.subf %gather3A_488, %gather3A_491 : vector<16xf32>
      %mul3A_497 = arith.mulf %add3A_494, %add3A_494 : vector<16xf32>
      %mul3A_498 = arith.mulf %sub3A_495, %sub3A_495 : vector<16xf32>
      %add3A_499 = arith.addf %mul3A_497, %mul3A_498 : vector<16xf32>
      %mul3A_500 = arith.mulf %sub3A_496, %sub3A_496 : vector<16xf32>
      %add3A_501 = arith.addf %add3A_499, %mul3A_500 : vector<16xf32>
      %mul3A_502 = arith.mulf %get3A_493, %add3A_501 : vector<16xf32>
      %add3A_503 = arith.addf %add3A_477, %mul3A_502 : vector<16xf32>
      %add3A_504 = arith.constant 288 : i32
      %add3A_505 = vector.broadcast %add3A_504 : i32 to vector<16xi32>
      %add3A_506 = arith.addi %iota3A, %add3A_505 : vector<16xi32>
      %add3A_507 = vector.broadcast %mul3A_0 : i32 to vector<16xi32>
      %add3A_508 = arith.addi %add3A_506, %add3A_507 : vector<16xi32>
      %get3A_509 = arith.constant 288 : index
      %get3A_510 = tpu.vector_load %arg7[%get3A_509] {strides = array<i32>} : memref<432xf32, #tpu.memory_space<vmem>>, vector<16xf32>,
      %bitcast3A_511 = vector.bitcast %get3A_510 : vector<16xf32> to vector<16xi32>
      %gather3A_512 = tpu.vector_load_idx %arg4[%add3A_508] : memref<6890xf32, #tpu.memory_space<vmem>>[vector<16xi32>], vector<16xf32>,
      %gather3A_513 = tpu.vector_load_idx %arg5[%add3A_508] : memref<6890xf32, #tpu.memory_space<vmem>>[vector<16xi32>], vector<16xf32>,
      %gather3A_514 = tpu.vector_load_idx %arg6[%add3A_508] : memref<6890xf32, #tpu.memory_space<vmem>>[vector<16xi32>], vector<16xf32>,
      %gather3A_515 = tpu.vector_load_idx %arg4[%bitcast3A_511] : memref<6890xf32, #tpu.memory_space<vmem>>[vector<16xi32>], vector<16xf32>,
      %gather3A_516 = tpu.vector_load_idx %arg5[%bitcast3A_511] : memref<6890xf32, #tpu.memory_space<vmem>>[vector<16xi32>], vector<16xf32>,
      %gather3A_517 = tpu.vector_load_idx %arg6[%bitcast3A_511] : memref<6890xf32, #tpu.memory_space<vmem>>[vector<16xi32>], vector<16xf32>,
      %get3A_518 = arith.constant 288 : index
      %get3A_519 = tpu.vector_load %arg8[%get3A_518] {strides = array<i32>} : memref<432xf32, #tpu.memory_space<vmem>>, vector<16xf32>,
      %add3A_520 = arith.addf %gather3A_512, %gather3A_515 : vector<16xf32>
      %sub3A_521 = arith.subf %gather3A_513, %gather3A_516 : vector<16xf32>
      %sub3A_522 = arith.subf %gather3A_514, %gather3A_517 : vector<16xf32>
      %mul3A_523 = arith.mulf %add3A_520, %add3A_520 : vector<16xf32>
      %mul3A_524 = arith.mulf %sub3A_521, %sub3A_521 : vector<16xf32>
      %add3A_525 = arith.addf %mul3A_523, %mul3A_524 : vector<16xf32>
      %mul3A_526 = arith.mulf %sub3A_522, %sub3A_522 : vector<16xf32>
      %add3A_527 = arith.addf %add3A_525, %mul3A_526 : vector<16xf32>
      %mul3A_528 = arith.mulf %get3A_519, %add3A_527 : vector<16xf32>
      %add3A_529 = arith.addf %add3A_503, %mul3A_528 : vector<16xf32>
      %add3A_530 = arith.constant 304 : i32
      %add3A_531 = vector.broadcast %add3A_530 : i32 to vector<16xi32>
      %add3A_532 = arith.addi %iota3A, %add3A_531 : vector<16xi32>
      %add3A_533 = vector.broadcast %mul3A_0 : i32 to vector<16xi32>
      %add3A_534 = arith.addi %add3A_532, %add3A_533 : vector<16xi32>
      %get3A_535 = arith.constant 304 : index
      %get3A_536 = tpu.vector_load %arg7[%get3A_535] {strides = array<i32>} : memref<432xf32, #tpu.memory_space<vmem>>, vector<16xf32>,
      %bitcast3A_537 = vector.bitcast %get3A_536 : vector<16xf32> to vector<16xi32>
      %gather3A_538 = tpu.vector_load_idx %arg4[%add3A_534] : memref<6890xf32, #tpu.memory_space<vmem>>[vector<16xi32>], vector<16xf32>,
      %gather3A_539 = tpu.vector_load_idx %arg5[%add3A_534] : memref<6890xf32, #tpu.memory_space<vmem>>[vector<16xi32>], vector<16xf32>,
      %gather3A_540 = tpu.vector_load_idx %arg6[%add3A_534] : memref<6890xf32, #tpu.memory_space<vmem>>[vector<16xi32>], vector<16xf32>,
      %gather3A_541 = tpu.vector_load_idx %arg4[%bitcast3A_537] : memref<6890xf32, #tpu.memory_space<vmem>>[vector<16xi32>], vector<16xf32>,
      %gather3A_542 = tpu.vector_load_idx %arg5[%bitcast3A_537] : memref<6890xf32, #tpu.memory_space<vmem>>[vector<16xi32>], vector<16xf32>,
      %gather3A_543 = tpu.vector_load_idx %arg6[%bitcast3A_537] : memref<6890xf32, #tpu.memory_space<vmem>>[vector<16xi32>], vector<16xf32>,
      %get3A_544 = arith.constant 304 : index
      %get3A_545 = tpu.vector_load %arg8[%get3A_544] {strides = array<i32>} : memref<432xf32, #tpu.memory_space<vmem>>, vector<16xf32>,
      %add3A_546 = arith.addf %gather3A_538, %gather3A_541 : vector<16xf32>
      %sub3A_547 = arith.subf %gather3A_539, %gather3A_542 : vector<16xf32>
      %sub3A_548 = arith.subf %gather3A_540, %gather3A_543 : vector<16xf32>
      %mul3A_549 = arith.mulf %add3A_546, %add3A_546 : vector<16xf32>
      %mul3A_550 = arith.mulf %sub3A_547, %sub3A_547 : vector<16xf32>
      %add3A_551 = arith.addf %mul3A_549, %mul3A_550 : vector<16xf32>
      %mul3A_552 = arith.mulf %sub3A_548, %sub3A_548 : vector<16xf32>
      %add3A_553 = arith.addf %add3A_551, %mul3A_552 : vector<16xf32>
      %mul3A_554 = arith.mulf %get3A_545, %add3A_553 : vector<16xf32>
      %add3A_555 = arith.addf %add3A_529, %mul3A_554 : vector<16xf32>
      %add3A_556 = arith.constant 320 : i32
      %add3A_557 = vector.broadcast %add3A_556 : i32 to vector<16xi32>
      %add3A_558 = arith.addi %iota3A, %add3A_557 : vector<16xi32>
      %add3A_559 = vector.broadcast %mul3A_0 : i32 to vector<16xi32>
      %add3A_560 = arith.addi %add3A_558, %add3A_559 : vector<16xi32>
      %get3A_561 = arith.constant 320 : index
      %get3A_562 = tpu.vector_load %arg7[%get3A_561] {strides = array<i32>} : memref<432xf32, #tpu.memory_space<vmem>>, vector<16xf32>,
      %bitcast3A_563 = vector.bitcast %get3A_562 : vector<16xf32> to vector<16xi32>
      %gather3A_564 = tpu.vector_load_idx %arg4[%add3A_560] : memref<6890xf32, #tpu.memory_space<vmem>>[vector<16xi32>], vector<16xf32>,
      %gather3A_565 = tpu.vector_load_idx %arg5[%add3A_560] : memref<6890xf32, #tpu.memory_space<vmem>>[vector<16xi32>], vector<16xf32>,
      %gather3A_566 = tpu.vector_load_idx %arg6[%add3A_560] : memref<6890xf32, #tpu.memory_space<vmem>>[vector<16xi32>], vector<16xf32>,
      %gather3A_567 = tpu.vector_load_idx %arg4[%bitcast3A_563] : memref<6890xf32, #tpu.memory_space<vmem>>[vector<16xi32>], vector<16xf32>,
      %gather3A_568 = tpu.vector_load_idx %arg5[%bitcast3A_563] : memref<6890xf32, #tpu.memory_space<vmem>>[vector<16xi32>], vector<16xf32>,
      %gather3A_569 = tpu.vector_load_idx %arg6[%bitcast3A_563] : memref<6890xf32, #tpu.memory_space<vmem>>[vector<16xi32>], vector<16xf32>,
      %get3A_570 = arith.constant 320 : index
      %get3A_571 = tpu.vector_load %arg8[%get3A_570] {strides = array<i32>} : memref<432xf32, #tpu.memory_space<vmem>>, vector<16xf32>,
      %add3A_572 = arith.addf %gather3A_564, %gather3A_567 : vector<16xf32>
      %sub3A_573 = arith.subf %gather3A_565, %gather3A_568 : vector<16xf32>
      %sub3A_574 = arith.subf %gather3A_566, %gather3A_569 : vector<16xf32>
      %mul3A_575 = arith.mulf %add3A_572, %add3A_572 : vector<16xf32>
      %mul3A_576 = arith.mulf %sub3A_573, %sub3A_573 : vector<16xf32>
      %add3A_577 = arith.addf %mul3A_575, %mul3A_576 : vector<16xf32>
      %mul3A_578 = arith.mulf %sub3A_574, %sub3A_574 : vector<16xf32>
      %add3A_579 = arith.addf %add3A_577, %mul3A_578 : vector<16xf32>
      %mul3A_580 = arith.mulf %get3A_571, %add3A_579 : vector<16xf32>
      %add3A_581 = arith.addf %add3A_555, %mul3A_580 : vector<16xf32>
      %add3A_582 = arith.constant 336 : i32
      %add3A_583 = vector.broadcast %add3A_582 : i32 to vector<16xi32>
      %add3A_584 = arith.addi %iota3A, %add3A_583 : vector<16xi32>
      %add3A_585 = vector.broadcast %mul3A_0 : i32 to vector<16xi32>
      %add3A_586 = arith.addi %add3A_584, %add3A_585 : vector<16xi32>
      %get3A_587 = arith.constant 336 : index
      %get3A_588 = tpu.vector_load %arg7[%get3A_587] {strides = array<i32>} : memref<432xf32, #tpu.memory_space<vmem>>, vector<16xf32>,
      %bitcast3A_589 = vector.bitcast %get3A_588 : vector<16xf32> to vector<16xi32>
      %gather3A_590 = tpu.vector_load_idx %arg4[%add3A_586] : memref<6890xf32, #tpu.memory_space<vmem>>[vector<16xi32>], vector<16xf32>,
      %gather3A_591 = tpu.vector_load_idx %arg5[%add3A_586] : memref<6890xf32, #tpu.memory_space<vmem>>[vector<16xi32>], vector<16xf32>,
      %gather3A_592 = tpu.vector_load_idx %arg6[%add3A_586] : memref<6890xf32, #tpu.memory_space<vmem>>[vector<16xi32>], vector<16xf32>,
      %gather3A_593 = tpu.vector_load_idx %arg4[%bitcast3A_589] : memref<6890xf32, #tpu.memory_space<vmem>>[vector<16xi32>], vector<16xf32>,
      %gather3A_594 = tpu.vector_load_idx %arg5[%bitcast3A_589] : memref<6890xf32, #tpu.memory_space<vmem>>[vector<16xi32>], vector<16xf32>,
      %gather3A_595 = tpu.vector_load_idx %arg6[%bitcast3A_589] : memref<6890xf32, #tpu.memory_space<vmem>>[vector<16xi32>], vector<16xf32>,
      %get3A_596 = arith.constant 336 : index
      %get3A_597 = tpu.vector_load %arg8[%get3A_596] {strides = array<i32>} : memref<432xf32, #tpu.memory_space<vmem>>, vector<16xf32>,
      %add3A_598 = arith.addf %gather3A_590, %gather3A_593 : vector<16xf32>
      %sub3A_599 = arith.subf %gather3A_591, %gather3A_594 : vector<16xf32>
      %sub3A_600 = arith.subf %gather3A_592, %gather3A_595 : vector<16xf32>
      %mul3A_601 = arith.mulf %add3A_598, %add3A_598 : vector<16xf32>
      %mul3A_602 = arith.mulf %sub3A_599, %sub3A_599 : vector<16xf32>
      %add3A_603 = arith.addf %mul3A_601, %mul3A_602 : vector<16xf32>
      %mul3A_604 = arith.mulf %sub3A_600, %sub3A_600 : vector<16xf32>
      %add3A_605 = arith.addf %add3A_603, %mul3A_604 : vector<16xf32>
      %mul3A_606 = arith.mulf %get3A_597, %add3A_605 : vector<16xf32>
      %add3A_607 = arith.addf %add3A_581, %mul3A_606 : vector<16xf32>
      %add3A_608 = arith.constant 352 : i32
      %add3A_609 = vector.broadcast %add3A_608 : i32 to vector<16xi32>
      %add3A_610 = arith.addi %iota3A, %add3A_609 : vector<16xi32>
      %add3A_611 = vector.broadcast %mul3A_0 : i32 to vector<16xi32>
      %add3A_612 = arith.addi %add3A_610, %add3A_611 : vector<16xi32>
      %get3A_613 = arith.constant 352 : index
      %get3A_614 = tpu.vector_load %arg7[%get3A_613] {strides = array<i32>} : memref<432xf32, #tpu.memory_space<vmem>>, vector<16xf32>,
      %bitcast3A_615 = vector.bitcast %get3A_614 : vector<16xf32> to vector<16xi32>
      %gather3A_616 = tpu.vector_load_idx %arg4[%add3A_612] : memref<6890xf32, #tpu.memory_space<vmem>>[vector<16xi32>], vector<16xf32>,
      %gather3A_617 = tpu.vector_load_idx %arg5[%add3A_612] : memref<6890xf32, #tpu.memory_space<vmem>>[vector<16xi32>], vector<16xf32>,
      %gather3A_618 = tpu.vector_load_idx %arg6[%add3A_612] : memref<6890xf32, #tpu.memory_space<vmem>>[vector<16xi32>], vector<16xf32>,
      %gather3A_619 = tpu.vector_load_idx %arg4[%bitcast3A_615] : memref<6890xf32, #tpu.memory_space<vmem>>[vector<16xi32>], vector<16xf32>,
      %gather3A_620 = tpu.vector_load_idx %arg5[%bitcast3A_615] : memref<6890xf32, #tpu.memory_space<vmem>>[vector<16xi32>], vector<16xf32>,
      %gather3A_621 = tpu.vector_load_idx %arg6[%bitcast3A_615] : memref<6890xf32, #tpu.memory_space<vmem>>[vector<16xi32>], vector<16xf32>,
      %get3A_622 = arith.constant 352 : index
      %get3A_623 = tpu.vector_load %arg8[%get3A_622] {strides = array<i32>} : memref<432xf32, #tpu.memory_space<vmem>>, vector<16xf32>,
      %add3A_624 = arith.addf %gather3A_616, %gather3A_619 : vector<16xf32>
      %sub3A_625 = arith.subf %gather3A_617, %gather3A_620 : vector<16xf32>
      %sub3A_626 = arith.subf %gather3A_618, %gather3A_621 : vector<16xf32>
      %mul3A_627 = arith.mulf %add3A_624, %add3A_624 : vector<16xf32>
      %mul3A_628 = arith.mulf %sub3A_625, %sub3A_625 : vector<16xf32>
      %add3A_629 = arith.addf %mul3A_627, %mul3A_628 : vector<16xf32>
      %mul3A_630 = arith.mulf %sub3A_626, %sub3A_626 : vector<16xf32>
      %add3A_631 = arith.addf %add3A_629, %mul3A_630 : vector<16xf32>
      %mul3A_632 = arith.mulf %get3A_623, %add3A_631 : vector<16xf32>
      %add3A_633 = arith.addf %add3A_607, %mul3A_632 : vector<16xf32>
      %add3A_634 = arith.constant 368 : i32
      %add3A_635 = vector.broadcast %add3A_634 : i32 to vector<16xi32>
      %add3A_636 = arith.addi %iota3A, %add3A_635 : vector<16xi32>
      %add3A_637 = vector.broadcast %mul3A_0 : i32 to vector<16xi32>
      %add3A_638 = arith.addi %add3A_636, %add3A_637 : vector<16xi32>
      %get3A_639 = arith.constant 368 : index
      %get3A_640 = tpu.vector_load %arg7[%get3A_639] {strides = array<i32>} : memref<432xf32, #tpu.memory_space<vmem>>, vector<16xf32>,
      %bitcast3A_641 = vector.bitcast %get3A_640 : vector<16xf32> to vector<16xi32>
      %gather3A_642 = tpu.vector_load_idx %arg4[%add3A_638] : memref<6890xf32, #tpu.memory_space<vmem>>[vector<16xi32>], vector<16xf32>,
      %gather3A_643 = tpu.vector_load_idx %arg5[%add3A_638] : memref<6890xf32, #tpu.memory_space<vmem>>[vector<16xi32>], vector<16xf32>,
      %gather3A_644 = tpu.vector_load_idx %arg6[%add3A_638] : memref<6890xf32, #tpu.memory_space<vmem>>[vector<16xi32>], vector<16xf32>,
      %gather3A_645 = tpu.vector_load_idx %arg4[%bitcast3A_641] : memref<6890xf32, #tpu.memory_space<vmem>>[vector<16xi32>], vector<16xf32>,
      %gather3A_646 = tpu.vector_load_idx %arg5[%bitcast3A_641] : memref<6890xf32, #tpu.memory_space<vmem>>[vector<16xi32>], vector<16xf32>,
      %gather3A_647 = tpu.vector_load_idx %arg6[%bitcast3A_641] : memref<6890xf32, #tpu.memory_space<vmem>>[vector<16xi32>], vector<16xf32>,
      %get3A_648 = arith.constant 368 : index
      %get3A_649 = tpu.vector_load %arg8[%get3A_648] {strides = array<i32>} : memref<432xf32, #tpu.memory_space<vmem>>, vector<16xf32>,
      %add3A_650 = arith.addf %gather3A_642, %gather3A_645 : vector<16xf32>
      %sub3A_651 = arith.subf %gather3A_643, %gather3A_646 : vector<16xf32>
      %sub3A_652 = arith.subf %gather3A_644, %gather3A_647 : vector<16xf32>
      %mul3A_653 = arith.mulf %add3A_650, %add3A_650 : vector<16xf32>
      %mul3A_654 = arith.mulf %sub3A_651, %sub3A_651 : vector<16xf32>
      %add3A_655 = arith.addf %mul3A_653, %mul3A_654 : vector<16xf32>
      %mul3A_656 = arith.mulf %sub3A_652, %sub3A_652 : vector<16xf32>
      %add3A_657 = arith.addf %add3A_655, %mul3A_656 : vector<16xf32>
      %mul3A_658 = arith.mulf %get3A_649, %add3A_657 : vector<16xf32>
      %add3A_659 = arith.addf %add3A_633, %mul3A_658 : vector<16xf32>
      %add3A_660 = arith.constant 384 : i32
      %add3A_661 = vector.broadcast %add3A_660 : i32 to vector<16xi32>
      %add3A_662 = arith.addi %iota3A, %add3A_661 : vector<16xi32>
      %add3A_663 = vector.broadcast %mul3A_0 : i32 to vector<16xi32>
      %add3A_664 = arith.addi %add3A_662, %add3A_663 : vector<16xi32>
      %get3A_665 = arith.constant 384 : index
      %get3A_666 = tpu.vector_load %arg7[%get3A_665] {strides = array<i32>} : memref<432xf32, #tpu.memory_space<vmem>>, vector<16xf32>,
      %bitcast3A_667 = vector.bitcast %get3A_666 : vector<16xf32> to vector<16xi32>
      %gather3A_668 = tpu.vector_load_idx %arg4[%add3A_664] : memref<6890xf32, #tpu.memory_space<vmem>>[vector<16xi32>], vector<16xf32>,
      %gather3A_669 = tpu.vector_load_idx %arg5[%add3A_664] : memref<6890xf32, #tpu.memory_space<vmem>>[vector<16xi32>], vector<16xf32>,
      %gather3A_670 = tpu.vector_load_idx %arg6[%add3A_664] : memref<6890xf32, #tpu.memory_space<vmem>>[vector<16xi32>], vector<16xf32>,
      %gather3A_671 = tpu.vector_load_idx %arg4[%bitcast3A_667] : memref<6890xf32, #tpu.memory_space<vmem>>[vector<16xi32>], vector<16xf32>,
      %gather3A_672 = tpu.vector_load_idx %arg5[%bitcast3A_667] : memref<6890xf32, #tpu.memory_space<vmem>>[vector<16xi32>], vector<16xf32>,
      %gather3A_673 = tpu.vector_load_idx %arg6[%bitcast3A_667] : memref<6890xf32, #tpu.memory_space<vmem>>[vector<16xi32>], vector<16xf32>,
      %get3A_674 = arith.constant 384 : index
      %get3A_675 = tpu.vector_load %arg8[%get3A_674] {strides = array<i32>} : memref<432xf32, #tpu.memory_space<vmem>>, vector<16xf32>,
      %add3A_676 = arith.addf %gather3A_668, %gather3A_671 : vector<16xf32>
      %sub3A_677 = arith.subf %gather3A_669, %gather3A_672 : vector<16xf32>
      %sub3A_678 = arith.subf %gather3A_670, %gather3A_673 : vector<16xf32>
      %mul3A_679 = arith.mulf %add3A_676, %add3A_676 : vector<16xf32>
      %mul3A_680 = arith.mulf %sub3A_677, %sub3A_677 : vector<16xf32>
      %add3A_681 = arith.addf %mul3A_679, %mul3A_680 : vector<16xf32>
      %mul3A_682 = arith.mulf %sub3A_678, %sub3A_678 : vector<16xf32>
      %add3A_683 = arith.addf %add3A_681, %mul3A_682 : vector<16xf32>
      %mul3A_684 = arith.mulf %get3A_675, %add3A_683 : vector<16xf32>
      %add3A_685 = arith.addf %add3A_659, %mul3A_684 : vector<16xf32>
      %add3A_686 = arith.constant 400 : i32
      %add3A_687 = vector.broadcast %add3A_686 : i32 to vector<16xi32>
      %add3A_688 = arith.addi %iota3A, %add3A_687 : vector<16xi32>
      %add3A_689 = vector.broadcast %mul3A_0 : i32 to vector<16xi32>
      %add3A_690 = arith.addi %add3A_688, %add3A_689 : vector<16xi32>
      %get3A_691 = arith.constant 400 : index
      %get3A_692 = tpu.vector_load %arg7[%get3A_691] {strides = array<i32>} : memref<432xf32, #tpu.memory_space<vmem>>, vector<16xf32>,
      %bitcast3A_693 = vector.bitcast %get3A_692 : vector<16xf32> to vector<16xi32>
      %gather3A_694 = tpu.vector_load_idx %arg4[%add3A_690] : memref<6890xf32, #tpu.memory_space<vmem>>[vector<16xi32>], vector<16xf32>,
      %gather3A_695 = tpu.vector_load_idx %arg5[%add3A_690] : memref<6890xf32, #tpu.memory_space<vmem>>[vector<16xi32>], vector<16xf32>,
      %gather3A_696 = tpu.vector_load_idx %arg6[%add3A_690] : memref<6890xf32, #tpu.memory_space<vmem>>[vector<16xi32>], vector<16xf32>,
      %gather3A_697 = tpu.vector_load_idx %arg4[%bitcast3A_693] : memref<6890xf32, #tpu.memory_space<vmem>>[vector<16xi32>], vector<16xf32>,
      %gather3A_698 = tpu.vector_load_idx %arg5[%bitcast3A_693] : memref<6890xf32, #tpu.memory_space<vmem>>[vector<16xi32>], vector<16xf32>,
      %gather3A_699 = tpu.vector_load_idx %arg6[%bitcast3A_693] : memref<6890xf32, #tpu.memory_space<vmem>>[vector<16xi32>], vector<16xf32>,
      %get3A_700 = arith.constant 400 : index
      %get3A_701 = tpu.vector_load %arg8[%get3A_700] {strides = array<i32>} : memref<432xf32, #tpu.memory_space<vmem>>, vector<16xf32>,
      %add3A_702 = arith.addf %gather3A_694, %gather3A_697 : vector<16xf32>
      %sub3A_703 = arith.subf %gather3A_695, %gather3A_698 : vector<16xf32>
      %sub3A_704 = arith.subf %gather3A_696, %gather3A_699 : vector<16xf32>
      %mul3A_705 = arith.mulf %add3A_702, %add3A_702 : vector<16xf32>
      %mul3A_706 = arith.mulf %sub3A_703, %sub3A_703 : vector<16xf32>
      %add3A_707 = arith.addf %mul3A_705, %mul3A_706 : vector<16xf32>
      %mul3A_708 = arith.mulf %sub3A_704, %sub3A_704 : vector<16xf32>
      %add3A_709 = arith.addf %add3A_707, %mul3A_708 : vector<16xf32>
      %mul3A_710 = arith.mulf %get3A_701, %add3A_709 : vector<16xf32>
      %add3A_711 = arith.addf %add3A_685, %mul3A_710 : vector<16xf32>
      %add3A_712 = arith.constant 416 : i32
      %add3A_713 = vector.broadcast %add3A_712 : i32 to vector<16xi32>
      %add3A_714 = arith.addi %iota3A, %add3A_713 : vector<16xi32>
      %add3A_715 = vector.broadcast %mul3A_0 : i32 to vector<16xi32>
      %add3A_716 = arith.addi %add3A_714, %add3A_715 : vector<16xi32>
      %get3A_717 = arith.constant 416 : index
      %get3A_718 = tpu.vector_load %arg7[%get3A_717] {strides = array<i32>} : memref<432xf32, #tpu.memory_space<vmem>>, vector<16xf32>,
      %bitcast3A_719 = vector.bitcast %get3A_718 : vector<16xf32> to vector<16xi32>
      %gather3A_720 = tpu.vector_load_idx %arg4[%add3A_716] : memref<6890xf32, #tpu.memory_space<vmem>>[vector<16xi32>], vector<16xf32>,
      %gather3A_721 = tpu.vector_load_idx %arg5[%add3A_716] : memref<6890xf32, #tpu.memory_space<vmem>>[vector<16xi32>], vector<16xf32>,
      %gather3A_722 = tpu.vector_load_idx %arg6[%add3A_716] : memref<6890xf32, #tpu.memory_space<vmem>>[vector<16xi32>], vector<16xf32>,
      %gather3A_723 = tpu.vector_load_idx %arg4[%bitcast3A_719] : memref<6890xf32, #tpu.memory_space<vmem>>[vector<16xi32>], vector<16xf32>,
      %gather3A_724 = tpu.vector_load_idx %arg5[%bitcast3A_719] : memref<6890xf32, #tpu.memory_space<vmem>>[vector<16xi32>], vector<16xf32>,
      %gather3A_725 = tpu.vector_load_idx %arg6[%bitcast3A_719] : memref<6890xf32, #tpu.memory_space<vmem>>[vector<16xi32>], vector<16xf32>,
      %get3A_726 = arith.constant 416 : index
      %get3A_727 = tpu.vector_load %arg8[%get3A_726] {strides = array<i32>} : memref<432xf32, #tpu.memory_space<vmem>>, vector<16xf32>,
      %add3A_728 = arith.addf %gather3A_720, %gather3A_723 : vector<16xf32>
      %sub3A_729 = arith.subf %gather3A_721, %gather3A_724 : vector<16xf32>
      %sub3A_730 = arith.subf %gather3A_722, %gather3A_725 : vector<16xf32>
      %mul3A_731 = arith.mulf %add3A_728, %add3A_728 : vector<16xf32>
      %mul3A_732 = arith.mulf %sub3A_729, %sub3A_729 : vector<16xf32>
      %add3A_733 = arith.addf %mul3A_731, %mul3A_732 : vector<16xf32>
      %mul3A_734 = arith.mulf %sub3A_730, %sub3A_730 : vector<16xf32>
      %add3A_735 = arith.addf %add3A_733, %mul3A_734 : vector<16xf32>
      %mul3A_736 = arith.mulf %get3A_727, %add3A_735 : vector<16xf32>
      %add3A_737 = arith.addf %add3A_711, %mul3A_736 : vector<16xf32>
      %swap3A = arith.constant 0 : index
      %swap3A_738 = tpu.vector_load %arg9[%swap3A] {strides = array<i32>} : memref<16xf32, #tpu.memory_space<vmem>>, vector<16xf32>,
      tpu.vector_store %arg9[%swap3A], %add3A_737 {strides = array<i32>} : memref<16xf32, #tpu.memory_space<vmem>>, vector<16xf32>,
    } else {
    }
    %eq3A = arith.constant 15 : i32
    %eq3A_4 = arith.cmpi eq, %arg1, %eq3A : i32
    %convert_element_type3A_5 = arith.extui %eq3A_4 : i1 to i32
    %cond3A_6 = arith.constant 0 : i32
    %cond3A_7 = arith.cmpi ne, %convert_element_type3A_5, %cond3A_6 : i32
    scf.if %cond3A_7 {
      %dma_start3A = arith.constant 0 : i32
      %dma_start3A_13 = tpu.memref_slice %arg2[%dma_start3A] : memref<34474xf32, #tpu.memory_space<hbm>> -> memref<6890xf32, #tpu.memory_space<hbm>>
      %dma_start3A_14 = arith.constant 0 : i32
      %dma_start3A_15 = tpu.memref_slice %arg2[%dma_start3A_14] : memref<34474xf32, #tpu.memory_space<hbm>> -> memref<6890xf32, #tpu.memory_space<hbm>>
      tpu.enqueue_dma source(%dma_start3A_15 : memref<6890xf32, #tpu.memory_space<hbm>>) target(%arg4 : memref<6890xf32, #tpu.memory_space<vmem>>) target_semaphore(%arg12 : memref<!tpu.dma_semaphore, #tpu.memory_space<semaphore_mem>>)
      %dma_start3A_16 = arith.constant 6896 : i32
      %dma_start3A_17 = tpu.memref_slice %arg2[%dma_start3A_16] : memref<34474xf32, #tpu.memory_space<hbm>> -> memref<6890xf32, #tpu.memory_space<hbm>>
      %dma_start3A_18 = arith.constant 6896 : i32
      %dma_start3A_19 = tpu.memref_slice %arg2[%dma_start3A_18] : memref<34474xf32, #tpu.memory_space<hbm>> -> memref<6890xf32, #tpu.memory_space<hbm>>
      tpu.enqueue_dma source(%dma_start3A_19 : memref<6890xf32, #tpu.memory_space<hbm>>) target(%arg5 : memref<6890xf32, #tpu.memory_space<vmem>>) target_semaphore(%arg12 : memref<!tpu.dma_semaphore, #tpu.memory_space<semaphore_mem>>)
      %dma_start3A_20 = arith.constant 13792 : i32
      %dma_start3A_21 = tpu.memref_slice %arg2[%dma_start3A_20] : memref<34474xf32, #tpu.memory_space<hbm>> -> memref<6890xf32, #tpu.memory_space<hbm>>
      %dma_start3A_22 = arith.constant 13792 : i32
      %dma_start3A_23 = tpu.memref_slice %arg2[%dma_start3A_22] : memref<34474xf32, #tpu.memory_space<hbm>> -> memref<6890xf32, #tpu.memory_space<hbm>>
      tpu.enqueue_dma source(%dma_start3A_23 : memref<6890xf32, #tpu.memory_space<hbm>>) target(%arg6 : memref<6890xf32, #tpu.memory_space<vmem>>) target_semaphore(%arg12 : memref<!tpu.dma_semaphore, #tpu.memory_space<semaphore_mem>>)
      %swap3A = arith.constant 400 : index
      %swap3A_24 = tpu.vector_load %arg7[%swap3A] {strides = array<i32>} : memref<432xf32, #tpu.memory_space<vmem>>, vector<16xf32>,
      tpu.vector_store %arg7[%swap3A], %broadcast_in_dim3A_1 {strides = array<i32>} : memref<432xf32, #tpu.memory_space<vmem>>, vector<16xf32>,
      %swap3A_25 = arith.constant 416 : index
      %swap3A_26 = tpu.vector_load %arg7[%swap3A_25] {strides = array<i32>} : memref<432xf32, #tpu.memory_space<vmem>>, vector<16xf32>,
      tpu.vector_store %arg7[%swap3A_25], %broadcast_in_dim3A_1 {strides = array<i32>} : memref<432xf32, #tpu.memory_space<vmem>>, vector<16xf32>,
      "tpu.region"() ({
        %run_scoped3A = tpu.sem_alloc : memref<!tpu.dma_semaphore, #tpu.memory_space<semaphore_mem>>
        %dma_start3A_744 = arith.constant 0 : i32
        %dma_start3A_745 = tpu.memref_slice %arg7[%dma_start3A_744] : memref<432xf32, #tpu.memory_space<vmem>> -> memref<410xf32, #tpu.memory_space<vmem>>
        %dma_start3A_746 = arith.constant 34064 : i32
        %dma_start3A_747 = tpu.memref_slice %arg2[%dma_start3A_746] : memref<34474xf32, #tpu.memory_space<hbm>> -> memref<410xf32, #tpu.memory_space<hbm>>
        %dma_start3A_748 = arith.constant 0 : i32
        %dma_start3A_749 = tpu.memref_slice %arg7[%dma_start3A_748] : memref<432xf32, #tpu.memory_space<vmem>> -> memref<410xf32, #tpu.memory_space<vmem>>
        %dma_start3A_750 = arith.constant 34064 : i32
        %dma_start3A_751 = tpu.memref_slice %arg2[%dma_start3A_750] : memref<34474xf32, #tpu.memory_space<hbm>> -> memref<410xf32, #tpu.memory_space<hbm>>
        tpu.enqueue_dma source(%dma_start3A_751 : memref<410xf32, #tpu.memory_space<hbm>>) target(%dma_start3A_749 : memref<410xf32, #tpu.memory_space<vmem>>) target_semaphore(%run_scoped3A : memref<!tpu.dma_semaphore, #tpu.memory_space<semaphore_mem>>)
        %dma_wait3A_752 = arith.constant 0 : i32
        %dma_wait3A_753 = tpu.memref_slice %arg7[%dma_wait3A_752] : memref<432xf32, #tpu.memory_space<vmem>> -> memref<410xf32, #tpu.memory_space<vmem>>
        %dma_wait3A_754 = arith.constant 34064 : i32
        %dma_wait3A_755 = tpu.memref_slice %arg2[%dma_wait3A_754] : memref<34474xf32, #tpu.memory_space<hbm>> -> memref<410xf32, #tpu.memory_space<hbm>>
        %dma_wait3A_756 = arith.constant 0 : i32
        %dma_wait3A_757 = tpu.memref_slice %arg7[%dma_wait3A_756] : memref<432xf32, #tpu.memory_space<vmem>> -> memref<410xf32, #tpu.memory_space<vmem>>
        %dma_wait3A_758 = arith.constant 34064 : i32
        %dma_wait3A_759 = tpu.memref_slice %arg2[%dma_wait3A_758] : memref<34474xf32, #tpu.memory_space<hbm>> -> memref<410xf32, #tpu.memory_space<hbm>>
        tpu.wait_dma2 semaphore(%run_scoped3A : memref<!tpu.dma_semaphore, #tpu.memory_space<semaphore_mem>>) src(%dma_wait3A_759 : memref<410xf32, #tpu.memory_space<hbm>>) dst(%dma_wait3A_757 : memref<410xf32, #tpu.memory_space<vmem>>)
        tpu.yield
      }) : () -> ()
      "tpu.region"() ({
        %run_scoped3A = tpu.sem_alloc : memref<!tpu.dma_semaphore, #tpu.memory_space<semaphore_mem>>
        %dma_start3A_744 = arith.constant 0 : i32
        %dma_start3A_745 = tpu.memref_slice %arg8[%dma_start3A_744] : memref<432xf32, #tpu.memory_space<vmem>> -> memref<410xf32, #tpu.memory_space<vmem>>
        %dma_start3A_746 = arith.constant 27168 : i32
        %dma_start3A_747 = tpu.memref_slice %arg2[%dma_start3A_746] : memref<34474xf32, #tpu.memory_space<hbm>> -> memref<410xf32, #tpu.memory_space<hbm>>
        %dma_start3A_748 = arith.constant 0 : i32
        %dma_start3A_749 = tpu.memref_slice %arg8[%dma_start3A_748] : memref<432xf32, #tpu.memory_space<vmem>> -> memref<410xf32, #tpu.memory_space<vmem>>
        %dma_start3A_750 = arith.constant 27168 : i32
        %dma_start3A_751 = tpu.memref_slice %arg2[%dma_start3A_750] : memref<34474xf32, #tpu.memory_space<hbm>> -> memref<410xf32, #tpu.memory_space<hbm>>
        tpu.enqueue_dma source(%dma_start3A_751 : memref<410xf32, #tpu.memory_space<hbm>>) target(%dma_start3A_749 : memref<410xf32, #tpu.memory_space<vmem>>) target_semaphore(%run_scoped3A : memref<!tpu.dma_semaphore, #tpu.memory_space<semaphore_mem>>)
        %dma_wait3A_752 = arith.constant 0 : i32
        %dma_wait3A_753 = tpu.memref_slice %arg8[%dma_wait3A_752] : memref<432xf32, #tpu.memory_space<vmem>> -> memref<410xf32, #tpu.memory_space<vmem>>
        %dma_wait3A_754 = arith.constant 27168 : i32
        %dma_wait3A_755 = tpu.memref_slice %arg2[%dma_wait3A_754] : memref<34474xf32, #tpu.memory_space<hbm>> -> memref<410xf32, #tpu.memory_space<hbm>>
        %dma_wait3A_756 = arith.constant 0 : i32
        %dma_wait3A_757 = tpu.memref_slice %arg8[%dma_wait3A_756] : memref<432xf32, #tpu.memory_space<vmem>> -> memref<410xf32, #tpu.memory_space<vmem>>
        %dma_wait3A_758 = arith.constant 27168 : i32
        %dma_wait3A_759 = tpu.memref_slice %arg2[%dma_wait3A_758] : memref<34474xf32, #tpu.memory_space<hbm>> -> memref<410xf32, #tpu.memory_space<hbm>>
        tpu.wait_dma2 semaphore(%run_scoped3A : memref<!tpu.dma_semaphore, #tpu.memory_space<semaphore_mem>>) src(%dma_wait3A_759 : memref<410xf32, #tpu.memory_space<hbm>>) dst(%dma_wait3A_757 : memref<410xf32, #tpu.memory_space<vmem>>)
        tpu.yield
      }) : () -> ()
      %dma_wait3A = arith.constant 0 : i32
      %dma_wait3A_27 = tpu.memref_slice %arg2[%dma_wait3A] : memref<34474xf32, #tpu.memory_space<hbm>> -> memref<6890xf32, #tpu.memory_space<hbm>>
      %dma_wait3A_28 = arith.constant 0 : i32
      %dma_wait3A_29 = tpu.memref_slice %arg2[%dma_wait3A_28] : memref<34474xf32, #tpu.memory_space<hbm>> -> memref<6890xf32, #tpu.memory_space<hbm>>
      tpu.wait_dma2 semaphore(%arg12 : memref<!tpu.dma_semaphore, #tpu.memory_space<semaphore_mem>>) src(%dma_wait3A_29 : memref<6890xf32, #tpu.memory_space<hbm>>) dst(%arg4 : memref<6890xf32, #tpu.memory_space<vmem>>)
      %dma_wait3A_30 = arith.constant 6896 : i32
      %dma_wait3A_31 = tpu.memref_slice %arg2[%dma_wait3A_30] : memref<34474xf32, #tpu.memory_space<hbm>> -> memref<6890xf32, #tpu.memory_space<hbm>>
      %dma_wait3A_32 = arith.constant 6896 : i32
      %dma_wait3A_33 = tpu.memref_slice %arg2[%dma_wait3A_32] : memref<34474xf32, #tpu.memory_space<hbm>> -> memref<6890xf32, #tpu.memory_space<hbm>>
      tpu.wait_dma2 semaphore(%arg12 : memref<!tpu.dma_semaphore, #tpu.memory_space<semaphore_mem>>) src(%dma_wait3A_33 : memref<6890xf32, #tpu.memory_space<hbm>>) dst(%arg5 : memref<6890xf32, #tpu.memory_space<vmem>>)
      %dma_wait3A_34 = arith.constant 13792 : i32
      %dma_wait3A_35 = tpu.memref_slice %arg2[%dma_wait3A_34] : memref<34474xf32, #tpu.memory_space<hbm>> -> memref<6890xf32, #tpu.memory_space<hbm>>
      %dma_wait3A_36 = arith.constant 13792 : i32
      %dma_wait3A_37 = tpu.memref_slice %arg2[%dma_wait3A_36] : memref<34474xf32, #tpu.memory_space<hbm>> -> memref<6890xf32, #tpu.memory_space<hbm>>
      tpu.wait_dma2 semaphore(%arg12 : memref<!tpu.dma_semaphore, #tpu.memory_space<semaphore_mem>>) src(%dma_wait3A_37 : memref<6890xf32, #tpu.memory_space<hbm>>) dst(%arg6 : memref<6890xf32, #tpu.memory_space<vmem>>)
      %broadcast_in_dim3A_38 = arith.constant 0.000000e+00 : f32
      %broadcast_in_dim3A_39 = vector.broadcast %broadcast_in_dim3A_38 : f32 to vector<16xf32>
      %add3A = arith.constant 0 : i32
      %add3A_40 = vector.broadcast %add3A : i32 to vector<16xi32>
      %add3A_41 = arith.addi %iota3A, %add3A_40 : vector<16xi32>
      %add3A_42 = arith.constant 6480 : i32
      %add3A_43 = vector.broadcast %add3A_42 : i32 to vector<16xi32>
      %add3A_44 = arith.addi %add3A_41, %add3A_43 : vector<16xi32>
      %get3A = arith.constant 0 : index
      %get3A_45 = tpu.vector_load %arg7[%get3A] {strides = array<i32>} : memref<432xf32, #tpu.memory_space<vmem>>, vector<16xf32>,
      %bitcast3A = vector.bitcast %get3A_45 : vector<16xf32> to vector<16xi32>
      %gather3A = tpu.vector_load_idx %arg4[%add3A_44] : memref<6890xf32, #tpu.memory_space<vmem>>[vector<16xi32>], vector<16xf32>,
      %gather3A_46 = tpu.vector_load_idx %arg5[%add3A_44] : memref<6890xf32, #tpu.memory_space<vmem>>[vector<16xi32>], vector<16xf32>,
      %gather3A_47 = tpu.vector_load_idx %arg6[%add3A_44] : memref<6890xf32, #tpu.memory_space<vmem>>[vector<16xi32>], vector<16xf32>,
      %gather3A_48 = tpu.vector_load_idx %arg4[%bitcast3A] : memref<6890xf32, #tpu.memory_space<vmem>>[vector<16xi32>], vector<16xf32>,
      %gather3A_49 = tpu.vector_load_idx %arg5[%bitcast3A] : memref<6890xf32, #tpu.memory_space<vmem>>[vector<16xi32>], vector<16xf32>,
      %gather3A_50 = tpu.vector_load_idx %arg6[%bitcast3A] : memref<6890xf32, #tpu.memory_space<vmem>>[vector<16xi32>], vector<16xf32>,
      %get3A_51 = arith.constant 0 : index
      %get3A_52 = tpu.vector_load %arg8[%get3A_51] {strides = array<i32>} : memref<432xf32, #tpu.memory_space<vmem>>, vector<16xf32>,
      %add3A_53 = arith.addf %gather3A, %gather3A_48 : vector<16xf32>
      %sub3A = arith.subf %gather3A_46, %gather3A_49 : vector<16xf32>
      %sub3A_54 = arith.subf %gather3A_47, %gather3A_50 : vector<16xf32>
      %mul3A_55 = arith.mulf %add3A_53, %add3A_53 : vector<16xf32>
      %mul3A_56 = arith.mulf %sub3A, %sub3A : vector<16xf32>
      %add3A_57 = arith.addf %mul3A_55, %mul3A_56 : vector<16xf32>
      %mul3A_58 = arith.mulf %sub3A_54, %sub3A_54 : vector<16xf32>
      %add3A_59 = arith.addf %add3A_57, %mul3A_58 : vector<16xf32>
      %mul3A_60 = arith.mulf %get3A_52, %add3A_59 : vector<16xf32>
      %add3A_61 = arith.addf %broadcast_in_dim3A_39, %mul3A_60 : vector<16xf32>
      %add3A_62 = arith.constant 16 : i32
      %add3A_63 = vector.broadcast %add3A_62 : i32 to vector<16xi32>
      %add3A_64 = arith.addi %iota3A, %add3A_63 : vector<16xi32>
      %add3A_65 = arith.constant 6480 : i32
      %add3A_66 = vector.broadcast %add3A_65 : i32 to vector<16xi32>
      %add3A_67 = arith.addi %add3A_64, %add3A_66 : vector<16xi32>
      %get3A_68 = arith.constant 16 : index
      %get3A_69 = tpu.vector_load %arg7[%get3A_68] {strides = array<i32>} : memref<432xf32, #tpu.memory_space<vmem>>, vector<16xf32>,
      %bitcast3A_70 = vector.bitcast %get3A_69 : vector<16xf32> to vector<16xi32>
      %gather3A_71 = tpu.vector_load_idx %arg4[%add3A_67] : memref<6890xf32, #tpu.memory_space<vmem>>[vector<16xi32>], vector<16xf32>,
      %gather3A_72 = tpu.vector_load_idx %arg5[%add3A_67] : memref<6890xf32, #tpu.memory_space<vmem>>[vector<16xi32>], vector<16xf32>,
      %gather3A_73 = tpu.vector_load_idx %arg6[%add3A_67] : memref<6890xf32, #tpu.memory_space<vmem>>[vector<16xi32>], vector<16xf32>,
      %gather3A_74 = tpu.vector_load_idx %arg4[%bitcast3A_70] : memref<6890xf32, #tpu.memory_space<vmem>>[vector<16xi32>], vector<16xf32>,
      %gather3A_75 = tpu.vector_load_idx %arg5[%bitcast3A_70] : memref<6890xf32, #tpu.memory_space<vmem>>[vector<16xi32>], vector<16xf32>,
      %gather3A_76 = tpu.vector_load_idx %arg6[%bitcast3A_70] : memref<6890xf32, #tpu.memory_space<vmem>>[vector<16xi32>], vector<16xf32>,
      %get3A_77 = arith.constant 16 : index
      %get3A_78 = tpu.vector_load %arg8[%get3A_77] {strides = array<i32>} : memref<432xf32, #tpu.memory_space<vmem>>, vector<16xf32>,
      %add3A_79 = arith.addf %gather3A_71, %gather3A_74 : vector<16xf32>
      %sub3A_80 = arith.subf %gather3A_72, %gather3A_75 : vector<16xf32>
      %sub3A_81 = arith.subf %gather3A_73, %gather3A_76 : vector<16xf32>
      %mul3A_82 = arith.mulf %add3A_79, %add3A_79 : vector<16xf32>
      %mul3A_83 = arith.mulf %sub3A_80, %sub3A_80 : vector<16xf32>
      %add3A_84 = arith.addf %mul3A_82, %mul3A_83 : vector<16xf32>
      %mul3A_85 = arith.mulf %sub3A_81, %sub3A_81 : vector<16xf32>
      %add3A_86 = arith.addf %add3A_84, %mul3A_85 : vector<16xf32>
      %mul3A_87 = arith.mulf %get3A_78, %add3A_86 : vector<16xf32>
      %add3A_88 = arith.addf %add3A_61, %mul3A_87 : vector<16xf32>
      %add3A_89 = arith.constant 32 : i32
      %add3A_90 = vector.broadcast %add3A_89 : i32 to vector<16xi32>
      %add3A_91 = arith.addi %iota3A, %add3A_90 : vector<16xi32>
      %add3A_92 = arith.constant 6480 : i32
      %add3A_93 = vector.broadcast %add3A_92 : i32 to vector<16xi32>
      %add3A_94 = arith.addi %add3A_91, %add3A_93 : vector<16xi32>
      %get3A_95 = arith.constant 32 : index
      %get3A_96 = tpu.vector_load %arg7[%get3A_95] {strides = array<i32>} : memref<432xf32, #tpu.memory_space<vmem>>, vector<16xf32>,
      %bitcast3A_97 = vector.bitcast %get3A_96 : vector<16xf32> to vector<16xi32>
      %gather3A_98 = tpu.vector_load_idx %arg4[%add3A_94] : memref<6890xf32, #tpu.memory_space<vmem>>[vector<16xi32>], vector<16xf32>,
      %gather3A_99 = tpu.vector_load_idx %arg5[%add3A_94] : memref<6890xf32, #tpu.memory_space<vmem>>[vector<16xi32>], vector<16xf32>,
      %gather3A_100 = tpu.vector_load_idx %arg6[%add3A_94] : memref<6890xf32, #tpu.memory_space<vmem>>[vector<16xi32>], vector<16xf32>,
      %gather3A_101 = tpu.vector_load_idx %arg4[%bitcast3A_97] : memref<6890xf32, #tpu.memory_space<vmem>>[vector<16xi32>], vector<16xf32>,
      %gather3A_102 = tpu.vector_load_idx %arg5[%bitcast3A_97] : memref<6890xf32, #tpu.memory_space<vmem>>[vector<16xi32>], vector<16xf32>,
      %gather3A_103 = tpu.vector_load_idx %arg6[%bitcast3A_97] : memref<6890xf32, #tpu.memory_space<vmem>>[vector<16xi32>], vector<16xf32>,
      %get3A_104 = arith.constant 32 : index
      %get3A_105 = tpu.vector_load %arg8[%get3A_104] {strides = array<i32>} : memref<432xf32, #tpu.memory_space<vmem>>, vector<16xf32>,
      %add3A_106 = arith.addf %gather3A_98, %gather3A_101 : vector<16xf32>
      %sub3A_107 = arith.subf %gather3A_99, %gather3A_102 : vector<16xf32>
      %sub3A_108 = arith.subf %gather3A_100, %gather3A_103 : vector<16xf32>
      %mul3A_109 = arith.mulf %add3A_106, %add3A_106 : vector<16xf32>
      %mul3A_110 = arith.mulf %sub3A_107, %sub3A_107 : vector<16xf32>
      %add3A_111 = arith.addf %mul3A_109, %mul3A_110 : vector<16xf32>
      %mul3A_112 = arith.mulf %sub3A_108, %sub3A_108 : vector<16xf32>
      %add3A_113 = arith.addf %add3A_111, %mul3A_112 : vector<16xf32>
      %mul3A_114 = arith.mulf %get3A_105, %add3A_113 : vector<16xf32>
      %add3A_115 = arith.addf %add3A_88, %mul3A_114 : vector<16xf32>
      %add3A_116 = arith.constant 48 : i32
      %add3A_117 = vector.broadcast %add3A_116 : i32 to vector<16xi32>
      %add3A_118 = arith.addi %iota3A, %add3A_117 : vector<16xi32>
      %add3A_119 = arith.constant 6480 : i32
      %add3A_120 = vector.broadcast %add3A_119 : i32 to vector<16xi32>
      %add3A_121 = arith.addi %add3A_118, %add3A_120 : vector<16xi32>
      %get3A_122 = arith.constant 48 : index
      %get3A_123 = tpu.vector_load %arg7[%get3A_122] {strides = array<i32>} : memref<432xf32, #tpu.memory_space<vmem>>, vector<16xf32>,
      %bitcast3A_124 = vector.bitcast %get3A_123 : vector<16xf32> to vector<16xi32>
      %gather3A_125 = tpu.vector_load_idx %arg4[%add3A_121] : memref<6890xf32, #tpu.memory_space<vmem>>[vector<16xi32>], vector<16xf32>,
      %gather3A_126 = tpu.vector_load_idx %arg5[%add3A_121] : memref<6890xf32, #tpu.memory_space<vmem>>[vector<16xi32>], vector<16xf32>,
      %gather3A_127 = tpu.vector_load_idx %arg6[%add3A_121] : memref<6890xf32, #tpu.memory_space<vmem>>[vector<16xi32>], vector<16xf32>,
      %gather3A_128 = tpu.vector_load_idx %arg4[%bitcast3A_124] : memref<6890xf32, #tpu.memory_space<vmem>>[vector<16xi32>], vector<16xf32>,
      %gather3A_129 = tpu.vector_load_idx %arg5[%bitcast3A_124] : memref<6890xf32, #tpu.memory_space<vmem>>[vector<16xi32>], vector<16xf32>,
      %gather3A_130 = tpu.vector_load_idx %arg6[%bitcast3A_124] : memref<6890xf32, #tpu.memory_space<vmem>>[vector<16xi32>], vector<16xf32>,
      %get3A_131 = arith.constant 48 : index
      %get3A_132 = tpu.vector_load %arg8[%get3A_131] {strides = array<i32>} : memref<432xf32, #tpu.memory_space<vmem>>, vector<16xf32>,
      %add3A_133 = arith.addf %gather3A_125, %gather3A_128 : vector<16xf32>
      %sub3A_134 = arith.subf %gather3A_126, %gather3A_129 : vector<16xf32>
      %sub3A_135 = arith.subf %gather3A_127, %gather3A_130 : vector<16xf32>
      %mul3A_136 = arith.mulf %add3A_133, %add3A_133 : vector<16xf32>
      %mul3A_137 = arith.mulf %sub3A_134, %sub3A_134 : vector<16xf32>
      %add3A_138 = arith.addf %mul3A_136, %mul3A_137 : vector<16xf32>
      %mul3A_139 = arith.mulf %sub3A_135, %sub3A_135 : vector<16xf32>
      %add3A_140 = arith.addf %add3A_138, %mul3A_139 : vector<16xf32>
      %mul3A_141 = arith.mulf %get3A_132, %add3A_140 : vector<16xf32>
      %add3A_142 = arith.addf %add3A_115, %mul3A_141 : vector<16xf32>
      %add3A_143 = arith.constant 64 : i32
      %add3A_144 = vector.broadcast %add3A_143 : i32 to vector<16xi32>
      %add3A_145 = arith.addi %iota3A, %add3A_144 : vector<16xi32>
      %add3A_146 = arith.constant 6480 : i32
      %add3A_147 = vector.broadcast %add3A_146 : i32 to vector<16xi32>
      %add3A_148 = arith.addi %add3A_145, %add3A_147 : vector<16xi32>
      %get3A_149 = arith.constant 64 : index
      %get3A_150 = tpu.vector_load %arg7[%get3A_149] {strides = array<i32>} : memref<432xf32, #tpu.memory_space<vmem>>, vector<16xf32>,
      %bitcast3A_151 = vector.bitcast %get3A_150 : vector<16xf32> to vector<16xi32>
      %gather3A_152 = tpu.vector_load_idx %arg4[%add3A_148] : memref<6890xf32, #tpu.memory_space<vmem>>[vector<16xi32>], vector<16xf32>,
      %gather3A_153 = tpu.vector_load_idx %arg5[%add3A_148] : memref<6890xf32, #tpu.memory_space<vmem>>[vector<16xi32>], vector<16xf32>,
      %gather3A_154 = tpu.vector_load_idx %arg6[%add3A_148] : memref<6890xf32, #tpu.memory_space<vmem>>[vector<16xi32>], vector<16xf32>,
      %gather3A_155 = tpu.vector_load_idx %arg4[%bitcast3A_151] : memref<6890xf32, #tpu.memory_space<vmem>>[vector<16xi32>], vector<16xf32>,
      %gather3A_156 = tpu.vector_load_idx %arg5[%bitcast3A_151] : memref<6890xf32, #tpu.memory_space<vmem>>[vector<16xi32>], vector<16xf32>,
      %gather3A_157 = tpu.vector_load_idx %arg6[%bitcast3A_151] : memref<6890xf32, #tpu.memory_space<vmem>>[vector<16xi32>], vector<16xf32>,
      %get3A_158 = arith.constant 64 : index
      %get3A_159 = tpu.vector_load %arg8[%get3A_158] {strides = array<i32>} : memref<432xf32, #tpu.memory_space<vmem>>, vector<16xf32>,
      %add3A_160 = arith.addf %gather3A_152, %gather3A_155 : vector<16xf32>
      %sub3A_161 = arith.subf %gather3A_153, %gather3A_156 : vector<16xf32>
      %sub3A_162 = arith.subf %gather3A_154, %gather3A_157 : vector<16xf32>
      %mul3A_163 = arith.mulf %add3A_160, %add3A_160 : vector<16xf32>
      %mul3A_164 = arith.mulf %sub3A_161, %sub3A_161 : vector<16xf32>
      %add3A_165 = arith.addf %mul3A_163, %mul3A_164 : vector<16xf32>
      %mul3A_166 = arith.mulf %sub3A_162, %sub3A_162 : vector<16xf32>
      %add3A_167 = arith.addf %add3A_165, %mul3A_166 : vector<16xf32>
      %mul3A_168 = arith.mulf %get3A_159, %add3A_167 : vector<16xf32>
      %add3A_169 = arith.addf %add3A_142, %mul3A_168 : vector<16xf32>
      %add3A_170 = arith.constant 80 : i32
      %add3A_171 = vector.broadcast %add3A_170 : i32 to vector<16xi32>
      %add3A_172 = arith.addi %iota3A, %add3A_171 : vector<16xi32>
      %add3A_173 = arith.constant 6480 : i32
      %add3A_174 = vector.broadcast %add3A_173 : i32 to vector<16xi32>
      %add3A_175 = arith.addi %add3A_172, %add3A_174 : vector<16xi32>
      %get3A_176 = arith.constant 80 : index
      %get3A_177 = tpu.vector_load %arg7[%get3A_176] {strides = array<i32>} : memref<432xf32, #tpu.memory_space<vmem>>, vector<16xf32>,
      %bitcast3A_178 = vector.bitcast %get3A_177 : vector<16xf32> to vector<16xi32>
      %gather3A_179 = tpu.vector_load_idx %arg4[%add3A_175] : memref<6890xf32, #tpu.memory_space<vmem>>[vector<16xi32>], vector<16xf32>,
      %gather3A_180 = tpu.vector_load_idx %arg5[%add3A_175] : memref<6890xf32, #tpu.memory_space<vmem>>[vector<16xi32>], vector<16xf32>,
      %gather3A_181 = tpu.vector_load_idx %arg6[%add3A_175] : memref<6890xf32, #tpu.memory_space<vmem>>[vector<16xi32>], vector<16xf32>,
      %gather3A_182 = tpu.vector_load_idx %arg4[%bitcast3A_178] : memref<6890xf32, #tpu.memory_space<vmem>>[vector<16xi32>], vector<16xf32>,
      %gather3A_183 = tpu.vector_load_idx %arg5[%bitcast3A_178] : memref<6890xf32, #tpu.memory_space<vmem>>[vector<16xi32>], vector<16xf32>,
      %gather3A_184 = tpu.vector_load_idx %arg6[%bitcast3A_178] : memref<6890xf32, #tpu.memory_space<vmem>>[vector<16xi32>], vector<16xf32>,
      %get3A_185 = arith.constant 80 : index
      %get3A_186 = tpu.vector_load %arg8[%get3A_185] {strides = array<i32>} : memref<432xf32, #tpu.memory_space<vmem>>, vector<16xf32>,
      %add3A_187 = arith.addf %gather3A_179, %gather3A_182 : vector<16xf32>
      %sub3A_188 = arith.subf %gather3A_180, %gather3A_183 : vector<16xf32>
      %sub3A_189 = arith.subf %gather3A_181, %gather3A_184 : vector<16xf32>
      %mul3A_190 = arith.mulf %add3A_187, %add3A_187 : vector<16xf32>
      %mul3A_191 = arith.mulf %sub3A_188, %sub3A_188 : vector<16xf32>
      %add3A_192 = arith.addf %mul3A_190, %mul3A_191 : vector<16xf32>
      %mul3A_193 = arith.mulf %sub3A_189, %sub3A_189 : vector<16xf32>
      %add3A_194 = arith.addf %add3A_192, %mul3A_193 : vector<16xf32>
      %mul3A_195 = arith.mulf %get3A_186, %add3A_194 : vector<16xf32>
      %add3A_196 = arith.addf %add3A_169, %mul3A_195 : vector<16xf32>
      %add3A_197 = arith.constant 96 : i32
      %add3A_198 = vector.broadcast %add3A_197 : i32 to vector<16xi32>
      %add3A_199 = arith.addi %iota3A, %add3A_198 : vector<16xi32>
      %add3A_200 = arith.constant 6480 : i32
      %add3A_201 = vector.broadcast %add3A_200 : i32 to vector<16xi32>
      %add3A_202 = arith.addi %add3A_199, %add3A_201 : vector<16xi32>
      %get3A_203 = arith.constant 96 : index
      %get3A_204 = tpu.vector_load %arg7[%get3A_203] {strides = array<i32>} : memref<432xf32, #tpu.memory_space<vmem>>, vector<16xf32>,
      %bitcast3A_205 = vector.bitcast %get3A_204 : vector<16xf32> to vector<16xi32>
      %gather3A_206 = tpu.vector_load_idx %arg4[%add3A_202] : memref<6890xf32, #tpu.memory_space<vmem>>[vector<16xi32>], vector<16xf32>,
      %gather3A_207 = tpu.vector_load_idx %arg5[%add3A_202] : memref<6890xf32, #tpu.memory_space<vmem>>[vector<16xi32>], vector<16xf32>,
      %gather3A_208 = tpu.vector_load_idx %arg6[%add3A_202] : memref<6890xf32, #tpu.memory_space<vmem>>[vector<16xi32>], vector<16xf32>,
      %gather3A_209 = tpu.vector_load_idx %arg4[%bitcast3A_205] : memref<6890xf32, #tpu.memory_space<vmem>>[vector<16xi32>], vector<16xf32>,
      %gather3A_210 = tpu.vector_load_idx %arg5[%bitcast3A_205] : memref<6890xf32, #tpu.memory_space<vmem>>[vector<16xi32>], vector<16xf32>,
      %gather3A_211 = tpu.vector_load_idx %arg6[%bitcast3A_205] : memref<6890xf32, #tpu.memory_space<vmem>>[vector<16xi32>], vector<16xf32>,
      %get3A_212 = arith.constant 96 : index
      %get3A_213 = tpu.vector_load %arg8[%get3A_212] {strides = array<i32>} : memref<432xf32, #tpu.memory_space<vmem>>, vector<16xf32>,
      %add3A_214 = arith.addf %gather3A_206, %gather3A_209 : vector<16xf32>
      %sub3A_215 = arith.subf %gather3A_207, %gather3A_210 : vector<16xf32>
      %sub3A_216 = arith.subf %gather3A_208, %gather3A_211 : vector<16xf32>
      %mul3A_217 = arith.mulf %add3A_214, %add3A_214 : vector<16xf32>
      %mul3A_218 = arith.mulf %sub3A_215, %sub3A_215 : vector<16xf32>
      %add3A_219 = arith.addf %mul3A_217, %mul3A_218 : vector<16xf32>
      %mul3A_220 = arith.mulf %sub3A_216, %sub3A_216 : vector<16xf32>
      %add3A_221 = arith.addf %add3A_219, %mul3A_220 : vector<16xf32>
      %mul3A_222 = arith.mulf %get3A_213, %add3A_221 : vector<16xf32>
      %add3A_223 = arith.addf %add3A_196, %mul3A_222 : vector<16xf32>
      %add3A_224 = arith.constant 112 : i32
      %add3A_225 = vector.broadcast %add3A_224 : i32 to vector<16xi32>
      %add3A_226 = arith.addi %iota3A, %add3A_225 : vector<16xi32>
      %add3A_227 = arith.constant 6480 : i32
      %add3A_228 = vector.broadcast %add3A_227 : i32 to vector<16xi32>
      %add3A_229 = arith.addi %add3A_226, %add3A_228 : vector<16xi32>
      %get3A_230 = arith.constant 112 : index
      %get3A_231 = tpu.vector_load %arg7[%get3A_230] {strides = array<i32>} : memref<432xf32, #tpu.memory_space<vmem>>, vector<16xf32>,
      %bitcast3A_232 = vector.bitcast %get3A_231 : vector<16xf32> to vector<16xi32>
      %gather3A_233 = tpu.vector_load_idx %arg4[%add3A_229] : memref<6890xf32, #tpu.memory_space<vmem>>[vector<16xi32>], vector<16xf32>,
      %gather3A_234 = tpu.vector_load_idx %arg5[%add3A_229] : memref<6890xf32, #tpu.memory_space<vmem>>[vector<16xi32>], vector<16xf32>,
      %gather3A_235 = tpu.vector_load_idx %arg6[%add3A_229] : memref<6890xf32, #tpu.memory_space<vmem>>[vector<16xi32>], vector<16xf32>,
      %gather3A_236 = tpu.vector_load_idx %arg4[%bitcast3A_232] : memref<6890xf32, #tpu.memory_space<vmem>>[vector<16xi32>], vector<16xf32>,
      %gather3A_237 = tpu.vector_load_idx %arg5[%bitcast3A_232] : memref<6890xf32, #tpu.memory_space<vmem>>[vector<16xi32>], vector<16xf32>,
      %gather3A_238 = tpu.vector_load_idx %arg6[%bitcast3A_232] : memref<6890xf32, #tpu.memory_space<vmem>>[vector<16xi32>], vector<16xf32>,
      %get3A_239 = arith.constant 112 : index
      %get3A_240 = tpu.vector_load %arg8[%get3A_239] {strides = array<i32>} : memref<432xf32, #tpu.memory_space<vmem>>, vector<16xf32>,
      %add3A_241 = arith.addf %gather3A_233, %gather3A_236 : vector<16xf32>
      %sub3A_242 = arith.subf %gather3A_234, %gather3A_237 : vector<16xf32>
      %sub3A_243 = arith.subf %gather3A_235, %gather3A_238 : vector<16xf32>
      %mul3A_244 = arith.mulf %add3A_241, %add3A_241 : vector<16xf32>
      %mul3A_245 = arith.mulf %sub3A_242, %sub3A_242 : vector<16xf32>
      %add3A_246 = arith.addf %mul3A_244, %mul3A_245 : vector<16xf32>
      %mul3A_247 = arith.mulf %sub3A_243, %sub3A_243 : vector<16xf32>
      %add3A_248 = arith.addf %add3A_246, %mul3A_247 : vector<16xf32>
      %mul3A_249 = arith.mulf %get3A_240, %add3A_248 : vector<16xf32>
      %add3A_250 = arith.addf %add3A_223, %mul3A_249 : vector<16xf32>
      %add3A_251 = arith.constant 128 : i32
      %add3A_252 = vector.broadcast %add3A_251 : i32 to vector<16xi32>
      %add3A_253 = arith.addi %iota3A, %add3A_252 : vector<16xi32>
      %add3A_254 = arith.constant 6480 : i32
      %add3A_255 = vector.broadcast %add3A_254 : i32 to vector<16xi32>
      %add3A_256 = arith.addi %add3A_253, %add3A_255 : vector<16xi32>
      %get3A_257 = arith.constant 128 : index
      %get3A_258 = tpu.vector_load %arg7[%get3A_257] {strides = array<i32>} : memref<432xf32, #tpu.memory_space<vmem>>, vector<16xf32>,
      %bitcast3A_259 = vector.bitcast %get3A_258 : vector<16xf32> to vector<16xi32>
      %gather3A_260 = tpu.vector_load_idx %arg4[%add3A_256] : memref<6890xf32, #tpu.memory_space<vmem>>[vector<16xi32>], vector<16xf32>,
      %gather3A_261 = tpu.vector_load_idx %arg5[%add3A_256] : memref<6890xf32, #tpu.memory_space<vmem>>[vector<16xi32>], vector<16xf32>,
      %gather3A_262 = tpu.vector_load_idx %arg6[%add3A_256] : memref<6890xf32, #tpu.memory_space<vmem>>[vector<16xi32>], vector<16xf32>,
      %gather3A_263 = tpu.vector_load_idx %arg4[%bitcast3A_259] : memref<6890xf32, #tpu.memory_space<vmem>>[vector<16xi32>], vector<16xf32>,
      %gather3A_264 = tpu.vector_load_idx %arg5[%bitcast3A_259] : memref<6890xf32, #tpu.memory_space<vmem>>[vector<16xi32>], vector<16xf32>,
      %gather3A_265 = tpu.vector_load_idx %arg6[%bitcast3A_259] : memref<6890xf32, #tpu.memory_space<vmem>>[vector<16xi32>], vector<16xf32>,
      %get3A_266 = arith.constant 128 : index
      %get3A_267 = tpu.vector_load %arg8[%get3A_266] {strides = array<i32>} : memref<432xf32, #tpu.memory_space<vmem>>, vector<16xf32>,
      %add3A_268 = arith.addf %gather3A_260, %gather3A_263 : vector<16xf32>
      %sub3A_269 = arith.subf %gather3A_261, %gather3A_264 : vector<16xf32>
      %sub3A_270 = arith.subf %gather3A_262, %gather3A_265 : vector<16xf32>
      %mul3A_271 = arith.mulf %add3A_268, %add3A_268 : vector<16xf32>
      %mul3A_272 = arith.mulf %sub3A_269, %sub3A_269 : vector<16xf32>
      %add3A_273 = arith.addf %mul3A_271, %mul3A_272 : vector<16xf32>
      %mul3A_274 = arith.mulf %sub3A_270, %sub3A_270 : vector<16xf32>
      %add3A_275 = arith.addf %add3A_273, %mul3A_274 : vector<16xf32>
      %mul3A_276 = arith.mulf %get3A_267, %add3A_275 : vector<16xf32>
      %add3A_277 = arith.addf %add3A_250, %mul3A_276 : vector<16xf32>
      %add3A_278 = arith.constant 144 : i32
      %add3A_279 = vector.broadcast %add3A_278 : i32 to vector<16xi32>
      %add3A_280 = arith.addi %iota3A, %add3A_279 : vector<16xi32>
      %add3A_281 = arith.constant 6480 : i32
      %add3A_282 = vector.broadcast %add3A_281 : i32 to vector<16xi32>
      %add3A_283 = arith.addi %add3A_280, %add3A_282 : vector<16xi32>
      %get3A_284 = arith.constant 144 : index
      %get3A_285 = tpu.vector_load %arg7[%get3A_284] {strides = array<i32>} : memref<432xf32, #tpu.memory_space<vmem>>, vector<16xf32>,
      %bitcast3A_286 = vector.bitcast %get3A_285 : vector<16xf32> to vector<16xi32>
      %gather3A_287 = tpu.vector_load_idx %arg4[%add3A_283] : memref<6890xf32, #tpu.memory_space<vmem>>[vector<16xi32>], vector<16xf32>,
      %gather3A_288 = tpu.vector_load_idx %arg5[%add3A_283] : memref<6890xf32, #tpu.memory_space<vmem>>[vector<16xi32>], vector<16xf32>,
      %gather3A_289 = tpu.vector_load_idx %arg6[%add3A_283] : memref<6890xf32, #tpu.memory_space<vmem>>[vector<16xi32>], vector<16xf32>,
      %gather3A_290 = tpu.vector_load_idx %arg4[%bitcast3A_286] : memref<6890xf32, #tpu.memory_space<vmem>>[vector<16xi32>], vector<16xf32>,
      %gather3A_291 = tpu.vector_load_idx %arg5[%bitcast3A_286] : memref<6890xf32, #tpu.memory_space<vmem>>[vector<16xi32>], vector<16xf32>,
      %gather3A_292 = tpu.vector_load_idx %arg6[%bitcast3A_286] : memref<6890xf32, #tpu.memory_space<vmem>>[vector<16xi32>], vector<16xf32>,
      %get3A_293 = arith.constant 144 : index
      %get3A_294 = tpu.vector_load %arg8[%get3A_293] {strides = array<i32>} : memref<432xf32, #tpu.memory_space<vmem>>, vector<16xf32>,
      %add3A_295 = arith.addf %gather3A_287, %gather3A_290 : vector<16xf32>
      %sub3A_296 = arith.subf %gather3A_288, %gather3A_291 : vector<16xf32>
      %sub3A_297 = arith.subf %gather3A_289, %gather3A_292 : vector<16xf32>
      %mul3A_298 = arith.mulf %add3A_295, %add3A_295 : vector<16xf32>
      %mul3A_299 = arith.mulf %sub3A_296, %sub3A_296 : vector<16xf32>
      %add3A_300 = arith.addf %mul3A_298, %mul3A_299 : vector<16xf32>
      %mul3A_301 = arith.mulf %sub3A_297, %sub3A_297 : vector<16xf32>
      %add3A_302 = arith.addf %add3A_300, %mul3A_301 : vector<16xf32>
      %mul3A_303 = arith.mulf %get3A_294, %add3A_302 : vector<16xf32>
      %add3A_304 = arith.addf %add3A_277, %mul3A_303 : vector<16xf32>
      %add3A_305 = arith.constant 160 : i32
      %add3A_306 = vector.broadcast %add3A_305 : i32 to vector<16xi32>
      %add3A_307 = arith.addi %iota3A, %add3A_306 : vector<16xi32>
      %add3A_308 = arith.constant 6480 : i32
      %add3A_309 = vector.broadcast %add3A_308 : i32 to vector<16xi32>
      %add3A_310 = arith.addi %add3A_307, %add3A_309 : vector<16xi32>
      %get3A_311 = arith.constant 160 : index
      %get3A_312 = tpu.vector_load %arg7[%get3A_311] {strides = array<i32>} : memref<432xf32, #tpu.memory_space<vmem>>, vector<16xf32>,
      %bitcast3A_313 = vector.bitcast %get3A_312 : vector<16xf32> to vector<16xi32>
      %gather3A_314 = tpu.vector_load_idx %arg4[%add3A_310] : memref<6890xf32, #tpu.memory_space<vmem>>[vector<16xi32>], vector<16xf32>,
      %gather3A_315 = tpu.vector_load_idx %arg5[%add3A_310] : memref<6890xf32, #tpu.memory_space<vmem>>[vector<16xi32>], vector<16xf32>,
      %gather3A_316 = tpu.vector_load_idx %arg6[%add3A_310] : memref<6890xf32, #tpu.memory_space<vmem>>[vector<16xi32>], vector<16xf32>,
      %gather3A_317 = tpu.vector_load_idx %arg4[%bitcast3A_313] : memref<6890xf32, #tpu.memory_space<vmem>>[vector<16xi32>], vector<16xf32>,
      %gather3A_318 = tpu.vector_load_idx %arg5[%bitcast3A_313] : memref<6890xf32, #tpu.memory_space<vmem>>[vector<16xi32>], vector<16xf32>,
      %gather3A_319 = tpu.vector_load_idx %arg6[%bitcast3A_313] : memref<6890xf32, #tpu.memory_space<vmem>>[vector<16xi32>], vector<16xf32>,
      %get3A_320 = arith.constant 160 : index
      %get3A_321 = tpu.vector_load %arg8[%get3A_320] {strides = array<i32>} : memref<432xf32, #tpu.memory_space<vmem>>, vector<16xf32>,
      %add3A_322 = arith.addf %gather3A_314, %gather3A_317 : vector<16xf32>
      %sub3A_323 = arith.subf %gather3A_315, %gather3A_318 : vector<16xf32>
      %sub3A_324 = arith.subf %gather3A_316, %gather3A_319 : vector<16xf32>
      %mul3A_325 = arith.mulf %add3A_322, %add3A_322 : vector<16xf32>
      %mul3A_326 = arith.mulf %sub3A_323, %sub3A_323 : vector<16xf32>
      %add3A_327 = arith.addf %mul3A_325, %mul3A_326 : vector<16xf32>
      %mul3A_328 = arith.mulf %sub3A_324, %sub3A_324 : vector<16xf32>
      %add3A_329 = arith.addf %add3A_327, %mul3A_328 : vector<16xf32>
      %mul3A_330 = arith.mulf %get3A_321, %add3A_329 : vector<16xf32>
      %add3A_331 = arith.addf %add3A_304, %mul3A_330 : vector<16xf32>
      %add3A_332 = arith.constant 176 : i32
      %add3A_333 = vector.broadcast %add3A_332 : i32 to vector<16xi32>
      %add3A_334 = arith.addi %iota3A, %add3A_333 : vector<16xi32>
      %add3A_335 = arith.constant 6480 : i32
      %add3A_336 = vector.broadcast %add3A_335 : i32 to vector<16xi32>
      %add3A_337 = arith.addi %add3A_334, %add3A_336 : vector<16xi32>
      %get3A_338 = arith.constant 176 : index
      %get3A_339 = tpu.vector_load %arg7[%get3A_338] {strides = array<i32>} : memref<432xf32, #tpu.memory_space<vmem>>, vector<16xf32>,
      %bitcast3A_340 = vector.bitcast %get3A_339 : vector<16xf32> to vector<16xi32>
      %gather3A_341 = tpu.vector_load_idx %arg4[%add3A_337] : memref<6890xf32, #tpu.memory_space<vmem>>[vector<16xi32>], vector<16xf32>,
      %gather3A_342 = tpu.vector_load_idx %arg5[%add3A_337] : memref<6890xf32, #tpu.memory_space<vmem>>[vector<16xi32>], vector<16xf32>,
      %gather3A_343 = tpu.vector_load_idx %arg6[%add3A_337] : memref<6890xf32, #tpu.memory_space<vmem>>[vector<16xi32>], vector<16xf32>,
      %gather3A_344 = tpu.vector_load_idx %arg4[%bitcast3A_340] : memref<6890xf32, #tpu.memory_space<vmem>>[vector<16xi32>], vector<16xf32>,
      %gather3A_345 = tpu.vector_load_idx %arg5[%bitcast3A_340] : memref<6890xf32, #tpu.memory_space<vmem>>[vector<16xi32>], vector<16xf32>,
      %gather3A_346 = tpu.vector_load_idx %arg6[%bitcast3A_340] : memref<6890xf32, #tpu.memory_space<vmem>>[vector<16xi32>], vector<16xf32>,
      %get3A_347 = arith.constant 176 : index
      %get3A_348 = tpu.vector_load %arg8[%get3A_347] {strides = array<i32>} : memref<432xf32, #tpu.memory_space<vmem>>, vector<16xf32>,
      %add3A_349 = arith.addf %gather3A_341, %gather3A_344 : vector<16xf32>
      %sub3A_350 = arith.subf %gather3A_342, %gather3A_345 : vector<16xf32>
      %sub3A_351 = arith.subf %gather3A_343, %gather3A_346 : vector<16xf32>
      %mul3A_352 = arith.mulf %add3A_349, %add3A_349 : vector<16xf32>
      %mul3A_353 = arith.mulf %sub3A_350, %sub3A_350 : vector<16xf32>
      %add3A_354 = arith.addf %mul3A_352, %mul3A_353 : vector<16xf32>
      %mul3A_355 = arith.mulf %sub3A_351, %sub3A_351 : vector<16xf32>
      %add3A_356 = arith.addf %add3A_354, %mul3A_355 : vector<16xf32>
      %mul3A_357 = arith.mulf %get3A_348, %add3A_356 : vector<16xf32>
      %add3A_358 = arith.addf %add3A_331, %mul3A_357 : vector<16xf32>
      %add3A_359 = arith.constant 192 : i32
      %add3A_360 = vector.broadcast %add3A_359 : i32 to vector<16xi32>
      %add3A_361 = arith.addi %iota3A, %add3A_360 : vector<16xi32>
      %add3A_362 = arith.constant 6480 : i32
      %add3A_363 = vector.broadcast %add3A_362 : i32 to vector<16xi32>
      %add3A_364 = arith.addi %add3A_361, %add3A_363 : vector<16xi32>
      %get3A_365 = arith.constant 192 : index
      %get3A_366 = tpu.vector_load %arg7[%get3A_365] {strides = array<i32>} : memref<432xf32, #tpu.memory_space<vmem>>, vector<16xf32>,
      %bitcast3A_367 = vector.bitcast %get3A_366 : vector<16xf32> to vector<16xi32>
      %gather3A_368 = tpu.vector_load_idx %arg4[%add3A_364] : memref<6890xf32, #tpu.memory_space<vmem>>[vector<16xi32>], vector<16xf32>,
      %gather3A_369 = tpu.vector_load_idx %arg5[%add3A_364] : memref<6890xf32, #tpu.memory_space<vmem>>[vector<16xi32>], vector<16xf32>,
      %gather3A_370 = tpu.vector_load_idx %arg6[%add3A_364] : memref<6890xf32, #tpu.memory_space<vmem>>[vector<16xi32>], vector<16xf32>,
      %gather3A_371 = tpu.vector_load_idx %arg4[%bitcast3A_367] : memref<6890xf32, #tpu.memory_space<vmem>>[vector<16xi32>], vector<16xf32>,
      %gather3A_372 = tpu.vector_load_idx %arg5[%bitcast3A_367] : memref<6890xf32, #tpu.memory_space<vmem>>[vector<16xi32>], vector<16xf32>,
      %gather3A_373 = tpu.vector_load_idx %arg6[%bitcast3A_367] : memref<6890xf32, #tpu.memory_space<vmem>>[vector<16xi32>], vector<16xf32>,
      %get3A_374 = arith.constant 192 : index
      %get3A_375 = tpu.vector_load %arg8[%get3A_374] {strides = array<i32>} : memref<432xf32, #tpu.memory_space<vmem>>, vector<16xf32>,
      %add3A_376 = arith.addf %gather3A_368, %gather3A_371 : vector<16xf32>
      %sub3A_377 = arith.subf %gather3A_369, %gather3A_372 : vector<16xf32>
      %sub3A_378 = arith.subf %gather3A_370, %gather3A_373 : vector<16xf32>
      %mul3A_379 = arith.mulf %add3A_376, %add3A_376 : vector<16xf32>
      %mul3A_380 = arith.mulf %sub3A_377, %sub3A_377 : vector<16xf32>
      %add3A_381 = arith.addf %mul3A_379, %mul3A_380 : vector<16xf32>
      %mul3A_382 = arith.mulf %sub3A_378, %sub3A_378 : vector<16xf32>
      %add3A_383 = arith.addf %add3A_381, %mul3A_382 : vector<16xf32>
      %mul3A_384 = arith.mulf %get3A_375, %add3A_383 : vector<16xf32>
      %add3A_385 = arith.addf %add3A_358, %mul3A_384 : vector<16xf32>
      %add3A_386 = arith.constant 208 : i32
      %add3A_387 = vector.broadcast %add3A_386 : i32 to vector<16xi32>
      %add3A_388 = arith.addi %iota3A, %add3A_387 : vector<16xi32>
      %add3A_389 = arith.constant 6480 : i32
      %add3A_390 = vector.broadcast %add3A_389 : i32 to vector<16xi32>
      %add3A_391 = arith.addi %add3A_388, %add3A_390 : vector<16xi32>
      %get3A_392 = arith.constant 208 : index
      %get3A_393 = tpu.vector_load %arg7[%get3A_392] {strides = array<i32>} : memref<432xf32, #tpu.memory_space<vmem>>, vector<16xf32>,
      %bitcast3A_394 = vector.bitcast %get3A_393 : vector<16xf32> to vector<16xi32>
      %gather3A_395 = tpu.vector_load_idx %arg4[%add3A_391] : memref<6890xf32, #tpu.memory_space<vmem>>[vector<16xi32>], vector<16xf32>,
      %gather3A_396 = tpu.vector_load_idx %arg5[%add3A_391] : memref<6890xf32, #tpu.memory_space<vmem>>[vector<16xi32>], vector<16xf32>,
      %gather3A_397 = tpu.vector_load_idx %arg6[%add3A_391] : memref<6890xf32, #tpu.memory_space<vmem>>[vector<16xi32>], vector<16xf32>,
      %gather3A_398 = tpu.vector_load_idx %arg4[%bitcast3A_394] : memref<6890xf32, #tpu.memory_space<vmem>>[vector<16xi32>], vector<16xf32>,
      %gather3A_399 = tpu.vector_load_idx %arg5[%bitcast3A_394] : memref<6890xf32, #tpu.memory_space<vmem>>[vector<16xi32>], vector<16xf32>,
      %gather3A_400 = tpu.vector_load_idx %arg6[%bitcast3A_394] : memref<6890xf32, #tpu.memory_space<vmem>>[vector<16xi32>], vector<16xf32>,
      %get3A_401 = arith.constant 208 : index
      %get3A_402 = tpu.vector_load %arg8[%get3A_401] {strides = array<i32>} : memref<432xf32, #tpu.memory_space<vmem>>, vector<16xf32>,
      %add3A_403 = arith.addf %gather3A_395, %gather3A_398 : vector<16xf32>
      %sub3A_404 = arith.subf %gather3A_396, %gather3A_399 : vector<16xf32>
      %sub3A_405 = arith.subf %gather3A_397, %gather3A_400 : vector<16xf32>
      %mul3A_406 = arith.mulf %add3A_403, %add3A_403 : vector<16xf32>
      %mul3A_407 = arith.mulf %sub3A_404, %sub3A_404 : vector<16xf32>
      %add3A_408 = arith.addf %mul3A_406, %mul3A_407 : vector<16xf32>
      %mul3A_409 = arith.mulf %sub3A_405, %sub3A_405 : vector<16xf32>
      %add3A_410 = arith.addf %add3A_408, %mul3A_409 : vector<16xf32>
      %mul3A_411 = arith.mulf %get3A_402, %add3A_410 : vector<16xf32>
      %add3A_412 = arith.addf %add3A_385, %mul3A_411 : vector<16xf32>
      %add3A_413 = arith.constant 224 : i32
      %add3A_414 = vector.broadcast %add3A_413 : i32 to vector<16xi32>
      %add3A_415 = arith.addi %iota3A, %add3A_414 : vector<16xi32>
      %add3A_416 = arith.constant 6480 : i32
      %add3A_417 = vector.broadcast %add3A_416 : i32 to vector<16xi32>
      %add3A_418 = arith.addi %add3A_415, %add3A_417 : vector<16xi32>
      %get3A_419 = arith.constant 224 : index
      %get3A_420 = tpu.vector_load %arg7[%get3A_419] {strides = array<i32>} : memref<432xf32, #tpu.memory_space<vmem>>, vector<16xf32>,
      %bitcast3A_421 = vector.bitcast %get3A_420 : vector<16xf32> to vector<16xi32>
      %gather3A_422 = tpu.vector_load_idx %arg4[%add3A_418] : memref<6890xf32, #tpu.memory_space<vmem>>[vector<16xi32>], vector<16xf32>,
      %gather3A_423 = tpu.vector_load_idx %arg5[%add3A_418] : memref<6890xf32, #tpu.memory_space<vmem>>[vector<16xi32>], vector<16xf32>,
      %gather3A_424 = tpu.vector_load_idx %arg6[%add3A_418] : memref<6890xf32, #tpu.memory_space<vmem>>[vector<16xi32>], vector<16xf32>,
      %gather3A_425 = tpu.vector_load_idx %arg4[%bitcast3A_421] : memref<6890xf32, #tpu.memory_space<vmem>>[vector<16xi32>], vector<16xf32>,
      %gather3A_426 = tpu.vector_load_idx %arg5[%bitcast3A_421] : memref<6890xf32, #tpu.memory_space<vmem>>[vector<16xi32>], vector<16xf32>,
      %gather3A_427 = tpu.vector_load_idx %arg6[%bitcast3A_421] : memref<6890xf32, #tpu.memory_space<vmem>>[vector<16xi32>], vector<16xf32>,
      %get3A_428 = arith.constant 224 : index
      %get3A_429 = tpu.vector_load %arg8[%get3A_428] {strides = array<i32>} : memref<432xf32, #tpu.memory_space<vmem>>, vector<16xf32>,
      %add3A_430 = arith.addf %gather3A_422, %gather3A_425 : vector<16xf32>
      %sub3A_431 = arith.subf %gather3A_423, %gather3A_426 : vector<16xf32>
      %sub3A_432 = arith.subf %gather3A_424, %gather3A_427 : vector<16xf32>
      %mul3A_433 = arith.mulf %add3A_430, %add3A_430 : vector<16xf32>
      %mul3A_434 = arith.mulf %sub3A_431, %sub3A_431 : vector<16xf32>
      %add3A_435 = arith.addf %mul3A_433, %mul3A_434 : vector<16xf32>
      %mul3A_436 = arith.mulf %sub3A_432, %sub3A_432 : vector<16xf32>
      %add3A_437 = arith.addf %add3A_435, %mul3A_436 : vector<16xf32>
      %mul3A_438 = arith.mulf %get3A_429, %add3A_437 : vector<16xf32>
      %add3A_439 = arith.addf %add3A_412, %mul3A_438 : vector<16xf32>
      %add3A_440 = arith.constant 240 : i32
      %add3A_441 = vector.broadcast %add3A_440 : i32 to vector<16xi32>
      %add3A_442 = arith.addi %iota3A, %add3A_441 : vector<16xi32>
      %add3A_443 = arith.constant 6480 : i32
      %add3A_444 = vector.broadcast %add3A_443 : i32 to vector<16xi32>
      %add3A_445 = arith.addi %add3A_442, %add3A_444 : vector<16xi32>
      %get3A_446 = arith.constant 240 : index
      %get3A_447 = tpu.vector_load %arg7[%get3A_446] {strides = array<i32>} : memref<432xf32, #tpu.memory_space<vmem>>, vector<16xf32>,
      %bitcast3A_448 = vector.bitcast %get3A_447 : vector<16xf32> to vector<16xi32>
      %gather3A_449 = tpu.vector_load_idx %arg4[%add3A_445] : memref<6890xf32, #tpu.memory_space<vmem>>[vector<16xi32>], vector<16xf32>,
      %gather3A_450 = tpu.vector_load_idx %arg5[%add3A_445] : memref<6890xf32, #tpu.memory_space<vmem>>[vector<16xi32>], vector<16xf32>,
      %gather3A_451 = tpu.vector_load_idx %arg6[%add3A_445] : memref<6890xf32, #tpu.memory_space<vmem>>[vector<16xi32>], vector<16xf32>,
      %gather3A_452 = tpu.vector_load_idx %arg4[%bitcast3A_448] : memref<6890xf32, #tpu.memory_space<vmem>>[vector<16xi32>], vector<16xf32>,
      %gather3A_453 = tpu.vector_load_idx %arg5[%bitcast3A_448] : memref<6890xf32, #tpu.memory_space<vmem>>[vector<16xi32>], vector<16xf32>,
      %gather3A_454 = tpu.vector_load_idx %arg6[%bitcast3A_448] : memref<6890xf32, #tpu.memory_space<vmem>>[vector<16xi32>], vector<16xf32>,
      %get3A_455 = arith.constant 240 : index
      %get3A_456 = tpu.vector_load %arg8[%get3A_455] {strides = array<i32>} : memref<432xf32, #tpu.memory_space<vmem>>, vector<16xf32>,
      %add3A_457 = arith.addf %gather3A_449, %gather3A_452 : vector<16xf32>
      %sub3A_458 = arith.subf %gather3A_450, %gather3A_453 : vector<16xf32>
      %sub3A_459 = arith.subf %gather3A_451, %gather3A_454 : vector<16xf32>
      %mul3A_460 = arith.mulf %add3A_457, %add3A_457 : vector<16xf32>
      %mul3A_461 = arith.mulf %sub3A_458, %sub3A_458 : vector<16xf32>
      %add3A_462 = arith.addf %mul3A_460, %mul3A_461 : vector<16xf32>
      %mul3A_463 = arith.mulf %sub3A_459, %sub3A_459 : vector<16xf32>
      %add3A_464 = arith.addf %add3A_462, %mul3A_463 : vector<16xf32>
      %mul3A_465 = arith.mulf %get3A_456, %add3A_464 : vector<16xf32>
      %add3A_466 = arith.addf %add3A_439, %mul3A_465 : vector<16xf32>
      %add3A_467 = arith.constant 256 : i32
      %add3A_468 = vector.broadcast %add3A_467 : i32 to vector<16xi32>
      %add3A_469 = arith.addi %iota3A, %add3A_468 : vector<16xi32>
      %add3A_470 = arith.constant 6480 : i32
      %add3A_471 = vector.broadcast %add3A_470 : i32 to vector<16xi32>
      %add3A_472 = arith.addi %add3A_469, %add3A_471 : vector<16xi32>
      %get3A_473 = arith.constant 256 : index
      %get3A_474 = tpu.vector_load %arg7[%get3A_473] {strides = array<i32>} : memref<432xf32, #tpu.memory_space<vmem>>, vector<16xf32>,
      %bitcast3A_475 = vector.bitcast %get3A_474 : vector<16xf32> to vector<16xi32>
      %gather3A_476 = tpu.vector_load_idx %arg4[%add3A_472] : memref<6890xf32, #tpu.memory_space<vmem>>[vector<16xi32>], vector<16xf32>,
      %gather3A_477 = tpu.vector_load_idx %arg5[%add3A_472] : memref<6890xf32, #tpu.memory_space<vmem>>[vector<16xi32>], vector<16xf32>,
      %gather3A_478 = tpu.vector_load_idx %arg6[%add3A_472] : memref<6890xf32, #tpu.memory_space<vmem>>[vector<16xi32>], vector<16xf32>,
      %gather3A_479 = tpu.vector_load_idx %arg4[%bitcast3A_475] : memref<6890xf32, #tpu.memory_space<vmem>>[vector<16xi32>], vector<16xf32>,
      %gather3A_480 = tpu.vector_load_idx %arg5[%bitcast3A_475] : memref<6890xf32, #tpu.memory_space<vmem>>[vector<16xi32>], vector<16xf32>,
      %gather3A_481 = tpu.vector_load_idx %arg6[%bitcast3A_475] : memref<6890xf32, #tpu.memory_space<vmem>>[vector<16xi32>], vector<16xf32>,
      %get3A_482 = arith.constant 256 : index
      %get3A_483 = tpu.vector_load %arg8[%get3A_482] {strides = array<i32>} : memref<432xf32, #tpu.memory_space<vmem>>, vector<16xf32>,
      %add3A_484 = arith.addf %gather3A_476, %gather3A_479 : vector<16xf32>
      %sub3A_485 = arith.subf %gather3A_477, %gather3A_480 : vector<16xf32>
      %sub3A_486 = arith.subf %gather3A_478, %gather3A_481 : vector<16xf32>
      %mul3A_487 = arith.mulf %add3A_484, %add3A_484 : vector<16xf32>
      %mul3A_488 = arith.mulf %sub3A_485, %sub3A_485 : vector<16xf32>
      %add3A_489 = arith.addf %mul3A_487, %mul3A_488 : vector<16xf32>
      %mul3A_490 = arith.mulf %sub3A_486, %sub3A_486 : vector<16xf32>
      %add3A_491 = arith.addf %add3A_489, %mul3A_490 : vector<16xf32>
      %mul3A_492 = arith.mulf %get3A_483, %add3A_491 : vector<16xf32>
      %add3A_493 = arith.addf %add3A_466, %mul3A_492 : vector<16xf32>
      %add3A_494 = arith.constant 272 : i32
      %add3A_495 = vector.broadcast %add3A_494 : i32 to vector<16xi32>
      %add3A_496 = arith.addi %iota3A, %add3A_495 : vector<16xi32>
      %add3A_497 = arith.constant 6480 : i32
      %add3A_498 = vector.broadcast %add3A_497 : i32 to vector<16xi32>
      %add3A_499 = arith.addi %add3A_496, %add3A_498 : vector<16xi32>
      %get3A_500 = arith.constant 272 : index
      %get3A_501 = tpu.vector_load %arg7[%get3A_500] {strides = array<i32>} : memref<432xf32, #tpu.memory_space<vmem>>, vector<16xf32>,
      %bitcast3A_502 = vector.bitcast %get3A_501 : vector<16xf32> to vector<16xi32>
      %gather3A_503 = tpu.vector_load_idx %arg4[%add3A_499] : memref<6890xf32, #tpu.memory_space<vmem>>[vector<16xi32>], vector<16xf32>,
      %gather3A_504 = tpu.vector_load_idx %arg5[%add3A_499] : memref<6890xf32, #tpu.memory_space<vmem>>[vector<16xi32>], vector<16xf32>,
      %gather3A_505 = tpu.vector_load_idx %arg6[%add3A_499] : memref<6890xf32, #tpu.memory_space<vmem>>[vector<16xi32>], vector<16xf32>,
      %gather3A_506 = tpu.vector_load_idx %arg4[%bitcast3A_502] : memref<6890xf32, #tpu.memory_space<vmem>>[vector<16xi32>], vector<16xf32>,
      %gather3A_507 = tpu.vector_load_idx %arg5[%bitcast3A_502] : memref<6890xf32, #tpu.memory_space<vmem>>[vector<16xi32>], vector<16xf32>,
      %gather3A_508 = tpu.vector_load_idx %arg6[%bitcast3A_502] : memref<6890xf32, #tpu.memory_space<vmem>>[vector<16xi32>], vector<16xf32>,
      %get3A_509 = arith.constant 272 : index
      %get3A_510 = tpu.vector_load %arg8[%get3A_509] {strides = array<i32>} : memref<432xf32, #tpu.memory_space<vmem>>, vector<16xf32>,
      %add3A_511 = arith.addf %gather3A_503, %gather3A_506 : vector<16xf32>
      %sub3A_512 = arith.subf %gather3A_504, %gather3A_507 : vector<16xf32>
      %sub3A_513 = arith.subf %gather3A_505, %gather3A_508 : vector<16xf32>
      %mul3A_514 = arith.mulf %add3A_511, %add3A_511 : vector<16xf32>
      %mul3A_515 = arith.mulf %sub3A_512, %sub3A_512 : vector<16xf32>
      %add3A_516 = arith.addf %mul3A_514, %mul3A_515 : vector<16xf32>
      %mul3A_517 = arith.mulf %sub3A_513, %sub3A_513 : vector<16xf32>
      %add3A_518 = arith.addf %add3A_516, %mul3A_517 : vector<16xf32>
      %mul3A_519 = arith.mulf %get3A_510, %add3A_518 : vector<16xf32>
      %add3A_520 = arith.addf %add3A_493, %mul3A_519 : vector<16xf32>
      %add3A_521 = arith.constant 288 : i32
      %add3A_522 = vector.broadcast %add3A_521 : i32 to vector<16xi32>
      %add3A_523 = arith.addi %iota3A, %add3A_522 : vector<16xi32>
      %add3A_524 = arith.constant 6480 : i32
      %add3A_525 = vector.broadcast %add3A_524 : i32 to vector<16xi32>
      %add3A_526 = arith.addi %add3A_523, %add3A_525 : vector<16xi32>
      %get3A_527 = arith.constant 288 : index
      %get3A_528 = tpu.vector_load %arg7[%get3A_527] {strides = array<i32>} : memref<432xf32, #tpu.memory_space<vmem>>, vector<16xf32>,
      %bitcast3A_529 = vector.bitcast %get3A_528 : vector<16xf32> to vector<16xi32>
      %gather3A_530 = tpu.vector_load_idx %arg4[%add3A_526] : memref<6890xf32, #tpu.memory_space<vmem>>[vector<16xi32>], vector<16xf32>,
      %gather3A_531 = tpu.vector_load_idx %arg5[%add3A_526] : memref<6890xf32, #tpu.memory_space<vmem>>[vector<16xi32>], vector<16xf32>,
      %gather3A_532 = tpu.vector_load_idx %arg6[%add3A_526] : memref<6890xf32, #tpu.memory_space<vmem>>[vector<16xi32>], vector<16xf32>,
      %gather3A_533 = tpu.vector_load_idx %arg4[%bitcast3A_529] : memref<6890xf32, #tpu.memory_space<vmem>>[vector<16xi32>], vector<16xf32>,
      %gather3A_534 = tpu.vector_load_idx %arg5[%bitcast3A_529] : memref<6890xf32, #tpu.memory_space<vmem>>[vector<16xi32>], vector<16xf32>,
      %gather3A_535 = tpu.vector_load_idx %arg6[%bitcast3A_529] : memref<6890xf32, #tpu.memory_space<vmem>>[vector<16xi32>], vector<16xf32>,
      %get3A_536 = arith.constant 288 : index
      %get3A_537 = tpu.vector_load %arg8[%get3A_536] {strides = array<i32>} : memref<432xf32, #tpu.memory_space<vmem>>, vector<16xf32>,
      %add3A_538 = arith.addf %gather3A_530, %gather3A_533 : vector<16xf32>
      %sub3A_539 = arith.subf %gather3A_531, %gather3A_534 : vector<16xf32>
      %sub3A_540 = arith.subf %gather3A_532, %gather3A_535 : vector<16xf32>
      %mul3A_541 = arith.mulf %add3A_538, %add3A_538 : vector<16xf32>
      %mul3A_542 = arith.mulf %sub3A_539, %sub3A_539 : vector<16xf32>
      %add3A_543 = arith.addf %mul3A_541, %mul3A_542 : vector<16xf32>
      %mul3A_544 = arith.mulf %sub3A_540, %sub3A_540 : vector<16xf32>
      %add3A_545 = arith.addf %add3A_543, %mul3A_544 : vector<16xf32>
      %mul3A_546 = arith.mulf %get3A_537, %add3A_545 : vector<16xf32>
      %add3A_547 = arith.addf %add3A_520, %mul3A_546 : vector<16xf32>
      %add3A_548 = arith.constant 304 : i32
      %add3A_549 = vector.broadcast %add3A_548 : i32 to vector<16xi32>
      %add3A_550 = arith.addi %iota3A, %add3A_549 : vector<16xi32>
      %add3A_551 = arith.constant 6480 : i32
      %add3A_552 = vector.broadcast %add3A_551 : i32 to vector<16xi32>
      %add3A_553 = arith.addi %add3A_550, %add3A_552 : vector<16xi32>
      %get3A_554 = arith.constant 304 : index
      %get3A_555 = tpu.vector_load %arg7[%get3A_554] {strides = array<i32>} : memref<432xf32, #tpu.memory_space<vmem>>, vector<16xf32>,
      %bitcast3A_556 = vector.bitcast %get3A_555 : vector<16xf32> to vector<16xi32>
      %gather3A_557 = tpu.vector_load_idx %arg4[%add3A_553] : memref<6890xf32, #tpu.memory_space<vmem>>[vector<16xi32>], vector<16xf32>,
      %gather3A_558 = tpu.vector_load_idx %arg5[%add3A_553] : memref<6890xf32, #tpu.memory_space<vmem>>[vector<16xi32>], vector<16xf32>,
      %gather3A_559 = tpu.vector_load_idx %arg6[%add3A_553] : memref<6890xf32, #tpu.memory_space<vmem>>[vector<16xi32>], vector<16xf32>,
      %gather3A_560 = tpu.vector_load_idx %arg4[%bitcast3A_556] : memref<6890xf32, #tpu.memory_space<vmem>>[vector<16xi32>], vector<16xf32>,
      %gather3A_561 = tpu.vector_load_idx %arg5[%bitcast3A_556] : memref<6890xf32, #tpu.memory_space<vmem>>[vector<16xi32>], vector<16xf32>,
      %gather3A_562 = tpu.vector_load_idx %arg6[%bitcast3A_556] : memref<6890xf32, #tpu.memory_space<vmem>>[vector<16xi32>], vector<16xf32>,
      %get3A_563 = arith.constant 304 : index
      %get3A_564 = tpu.vector_load %arg8[%get3A_563] {strides = array<i32>} : memref<432xf32, #tpu.memory_space<vmem>>, vector<16xf32>,
      %add3A_565 = arith.addf %gather3A_557, %gather3A_560 : vector<16xf32>
      %sub3A_566 = arith.subf %gather3A_558, %gather3A_561 : vector<16xf32>
      %sub3A_567 = arith.subf %gather3A_559, %gather3A_562 : vector<16xf32>
      %mul3A_568 = arith.mulf %add3A_565, %add3A_565 : vector<16xf32>
      %mul3A_569 = arith.mulf %sub3A_566, %sub3A_566 : vector<16xf32>
      %add3A_570 = arith.addf %mul3A_568, %mul3A_569 : vector<16xf32>
      %mul3A_571 = arith.mulf %sub3A_567, %sub3A_567 : vector<16xf32>
      %add3A_572 = arith.addf %add3A_570, %mul3A_571 : vector<16xf32>
      %mul3A_573 = arith.mulf %get3A_564, %add3A_572 : vector<16xf32>
      %add3A_574 = arith.addf %add3A_547, %mul3A_573 : vector<16xf32>
      %add3A_575 = arith.constant 320 : i32
      %add3A_576 = vector.broadcast %add3A_575 : i32 to vector<16xi32>
      %add3A_577 = arith.addi %iota3A, %add3A_576 : vector<16xi32>
      %add3A_578 = arith.constant 6480 : i32
      %add3A_579 = vector.broadcast %add3A_578 : i32 to vector<16xi32>
      %add3A_580 = arith.addi %add3A_577, %add3A_579 : vector<16xi32>
      %get3A_581 = arith.constant 320 : index
      %get3A_582 = tpu.vector_load %arg7[%get3A_581] {strides = array<i32>} : memref<432xf32, #tpu.memory_space<vmem>>, vector<16xf32>,
      %bitcast3A_583 = vector.bitcast %get3A_582 : vector<16xf32> to vector<16xi32>
      %gather3A_584 = tpu.vector_load_idx %arg4[%add3A_580] : memref<6890xf32, #tpu.memory_space<vmem>>[vector<16xi32>], vector<16xf32>,
      %gather3A_585 = tpu.vector_load_idx %arg5[%add3A_580] : memref<6890xf32, #tpu.memory_space<vmem>>[vector<16xi32>], vector<16xf32>,
      %gather3A_586 = tpu.vector_load_idx %arg6[%add3A_580] : memref<6890xf32, #tpu.memory_space<vmem>>[vector<16xi32>], vector<16xf32>,
      %gather3A_587 = tpu.vector_load_idx %arg4[%bitcast3A_583] : memref<6890xf32, #tpu.memory_space<vmem>>[vector<16xi32>], vector<16xf32>,
      %gather3A_588 = tpu.vector_load_idx %arg5[%bitcast3A_583] : memref<6890xf32, #tpu.memory_space<vmem>>[vector<16xi32>], vector<16xf32>,
      %gather3A_589 = tpu.vector_load_idx %arg6[%bitcast3A_583] : memref<6890xf32, #tpu.memory_space<vmem>>[vector<16xi32>], vector<16xf32>,
      %get3A_590 = arith.constant 320 : index
      %get3A_591 = tpu.vector_load %arg8[%get3A_590] {strides = array<i32>} : memref<432xf32, #tpu.memory_space<vmem>>, vector<16xf32>,
      %add3A_592 = arith.addf %gather3A_584, %gather3A_587 : vector<16xf32>
      %sub3A_593 = arith.subf %gather3A_585, %gather3A_588 : vector<16xf32>
      %sub3A_594 = arith.subf %gather3A_586, %gather3A_589 : vector<16xf32>
      %mul3A_595 = arith.mulf %add3A_592, %add3A_592 : vector<16xf32>
      %mul3A_596 = arith.mulf %sub3A_593, %sub3A_593 : vector<16xf32>
      %add3A_597 = arith.addf %mul3A_595, %mul3A_596 : vector<16xf32>
      %mul3A_598 = arith.mulf %sub3A_594, %sub3A_594 : vector<16xf32>
      %add3A_599 = arith.addf %add3A_597, %mul3A_598 : vector<16xf32>
      %mul3A_600 = arith.mulf %get3A_591, %add3A_599 : vector<16xf32>
      %add3A_601 = arith.addf %add3A_574, %mul3A_600 : vector<16xf32>
      %add3A_602 = arith.constant 336 : i32
      %add3A_603 = vector.broadcast %add3A_602 : i32 to vector<16xi32>
      %add3A_604 = arith.addi %iota3A, %add3A_603 : vector<16xi32>
      %add3A_605 = arith.constant 6480 : i32
      %add3A_606 = vector.broadcast %add3A_605 : i32 to vector<16xi32>
      %add3A_607 = arith.addi %add3A_604, %add3A_606 : vector<16xi32>
      %get3A_608 = arith.constant 336 : index
      %get3A_609 = tpu.vector_load %arg7[%get3A_608] {strides = array<i32>} : memref<432xf32, #tpu.memory_space<vmem>>, vector<16xf32>,
      %bitcast3A_610 = vector.bitcast %get3A_609 : vector<16xf32> to vector<16xi32>
      %gather3A_611 = tpu.vector_load_idx %arg4[%add3A_607] : memref<6890xf32, #tpu.memory_space<vmem>>[vector<16xi32>], vector<16xf32>,
      %gather3A_612 = tpu.vector_load_idx %arg5[%add3A_607] : memref<6890xf32, #tpu.memory_space<vmem>>[vector<16xi32>], vector<16xf32>,
      %gather3A_613 = tpu.vector_load_idx %arg6[%add3A_607] : memref<6890xf32, #tpu.memory_space<vmem>>[vector<16xi32>], vector<16xf32>,
      %gather3A_614 = tpu.vector_load_idx %arg4[%bitcast3A_610] : memref<6890xf32, #tpu.memory_space<vmem>>[vector<16xi32>], vector<16xf32>,
      %gather3A_615 = tpu.vector_load_idx %arg5[%bitcast3A_610] : memref<6890xf32, #tpu.memory_space<vmem>>[vector<16xi32>], vector<16xf32>,
      %gather3A_616 = tpu.vector_load_idx %arg6[%bitcast3A_610] : memref<6890xf32, #tpu.memory_space<vmem>>[vector<16xi32>], vector<16xf32>,
      %get3A_617 = arith.constant 336 : index
      %get3A_618 = tpu.vector_load %arg8[%get3A_617] {strides = array<i32>} : memref<432xf32, #tpu.memory_space<vmem>>, vector<16xf32>,
      %add3A_619 = arith.addf %gather3A_611, %gather3A_614 : vector<16xf32>
      %sub3A_620 = arith.subf %gather3A_612, %gather3A_615 : vector<16xf32>
      %sub3A_621 = arith.subf %gather3A_613, %gather3A_616 : vector<16xf32>
      %mul3A_622 = arith.mulf %add3A_619, %add3A_619 : vector<16xf32>
      %mul3A_623 = arith.mulf %sub3A_620, %sub3A_620 : vector<16xf32>
      %add3A_624 = arith.addf %mul3A_622, %mul3A_623 : vector<16xf32>
      %mul3A_625 = arith.mulf %sub3A_621, %sub3A_621 : vector<16xf32>
      %add3A_626 = arith.addf %add3A_624, %mul3A_625 : vector<16xf32>
      %mul3A_627 = arith.mulf %get3A_618, %add3A_626 : vector<16xf32>
      %add3A_628 = arith.addf %add3A_601, %mul3A_627 : vector<16xf32>
      %add3A_629 = arith.constant 352 : i32
      %add3A_630 = vector.broadcast %add3A_629 : i32 to vector<16xi32>
      %add3A_631 = arith.addi %iota3A, %add3A_630 : vector<16xi32>
      %add3A_632 = arith.constant 6480 : i32
      %add3A_633 = vector.broadcast %add3A_632 : i32 to vector<16xi32>
      %add3A_634 = arith.addi %add3A_631, %add3A_633 : vector<16xi32>
      %get3A_635 = arith.constant 352 : index
      %get3A_636 = tpu.vector_load %arg7[%get3A_635] {strides = array<i32>} : memref<432xf32, #tpu.memory_space<vmem>>, vector<16xf32>,
      %bitcast3A_637 = vector.bitcast %get3A_636 : vector<16xf32> to vector<16xi32>
      %gather3A_638 = tpu.vector_load_idx %arg4[%add3A_634] : memref<6890xf32, #tpu.memory_space<vmem>>[vector<16xi32>], vector<16xf32>,
      %gather3A_639 = tpu.vector_load_idx %arg5[%add3A_634] : memref<6890xf32, #tpu.memory_space<vmem>>[vector<16xi32>], vector<16xf32>,
      %gather3A_640 = tpu.vector_load_idx %arg6[%add3A_634] : memref<6890xf32, #tpu.memory_space<vmem>>[vector<16xi32>], vector<16xf32>,
      %gather3A_641 = tpu.vector_load_idx %arg4[%bitcast3A_637] : memref<6890xf32, #tpu.memory_space<vmem>>[vector<16xi32>], vector<16xf32>,
      %gather3A_642 = tpu.vector_load_idx %arg5[%bitcast3A_637] : memref<6890xf32, #tpu.memory_space<vmem>>[vector<16xi32>], vector<16xf32>,
      %gather3A_643 = tpu.vector_load_idx %arg6[%bitcast3A_637] : memref<6890xf32, #tpu.memory_space<vmem>>[vector<16xi32>], vector<16xf32>,
      %get3A_644 = arith.constant 352 : index
      %get3A_645 = tpu.vector_load %arg8[%get3A_644] {strides = array<i32>} : memref<432xf32, #tpu.memory_space<vmem>>, vector<16xf32>,
      %add3A_646 = arith.addf %gather3A_638, %gather3A_641 : vector<16xf32>
      %sub3A_647 = arith.subf %gather3A_639, %gather3A_642 : vector<16xf32>
      %sub3A_648 = arith.subf %gather3A_640, %gather3A_643 : vector<16xf32>
      %mul3A_649 = arith.mulf %add3A_646, %add3A_646 : vector<16xf32>
      %mul3A_650 = arith.mulf %sub3A_647, %sub3A_647 : vector<16xf32>
      %add3A_651 = arith.addf %mul3A_649, %mul3A_650 : vector<16xf32>
      %mul3A_652 = arith.mulf %sub3A_648, %sub3A_648 : vector<16xf32>
      %add3A_653 = arith.addf %add3A_651, %mul3A_652 : vector<16xf32>
      %mul3A_654 = arith.mulf %get3A_645, %add3A_653 : vector<16xf32>
      %add3A_655 = arith.addf %add3A_628, %mul3A_654 : vector<16xf32>
      %add3A_656 = arith.constant 368 : i32
      %add3A_657 = vector.broadcast %add3A_656 : i32 to vector<16xi32>
      %add3A_658 = arith.addi %iota3A, %add3A_657 : vector<16xi32>
      %add3A_659 = arith.constant 6480 : i32
      %add3A_660 = vector.broadcast %add3A_659 : i32 to vector<16xi32>
      %add3A_661 = arith.addi %add3A_658, %add3A_660 : vector<16xi32>
      %get3A_662 = arith.constant 368 : index
      %get3A_663 = tpu.vector_load %arg7[%get3A_662] {strides = array<i32>} : memref<432xf32, #tpu.memory_space<vmem>>, vector<16xf32>,
      %bitcast3A_664 = vector.bitcast %get3A_663 : vector<16xf32> to vector<16xi32>
      %gather3A_665 = tpu.vector_load_idx %arg4[%add3A_661] : memref<6890xf32, #tpu.memory_space<vmem>>[vector<16xi32>], vector<16xf32>,
      %gather3A_666 = tpu.vector_load_idx %arg5[%add3A_661] : memref<6890xf32, #tpu.memory_space<vmem>>[vector<16xi32>], vector<16xf32>,
      %gather3A_667 = tpu.vector_load_idx %arg6[%add3A_661] : memref<6890xf32, #tpu.memory_space<vmem>>[vector<16xi32>], vector<16xf32>,
      %gather3A_668 = tpu.vector_load_idx %arg4[%bitcast3A_664] : memref<6890xf32, #tpu.memory_space<vmem>>[vector<16xi32>], vector<16xf32>,
      %gather3A_669 = tpu.vector_load_idx %arg5[%bitcast3A_664] : memref<6890xf32, #tpu.memory_space<vmem>>[vector<16xi32>], vector<16xf32>,
      %gather3A_670 = tpu.vector_load_idx %arg6[%bitcast3A_664] : memref<6890xf32, #tpu.memory_space<vmem>>[vector<16xi32>], vector<16xf32>,
      %get3A_671 = arith.constant 368 : index
      %get3A_672 = tpu.vector_load %arg8[%get3A_671] {strides = array<i32>} : memref<432xf32, #tpu.memory_space<vmem>>, vector<16xf32>,
      %add3A_673 = arith.addf %gather3A_665, %gather3A_668 : vector<16xf32>
      %sub3A_674 = arith.subf %gather3A_666, %gather3A_669 : vector<16xf32>
      %sub3A_675 = arith.subf %gather3A_667, %gather3A_670 : vector<16xf32>
      %mul3A_676 = arith.mulf %add3A_673, %add3A_673 : vector<16xf32>
      %mul3A_677 = arith.mulf %sub3A_674, %sub3A_674 : vector<16xf32>
      %add3A_678 = arith.addf %mul3A_676, %mul3A_677 : vector<16xf32>
      %mul3A_679 = arith.mulf %sub3A_675, %sub3A_675 : vector<16xf32>
      %add3A_680 = arith.addf %add3A_678, %mul3A_679 : vector<16xf32>
      %mul3A_681 = arith.mulf %get3A_672, %add3A_680 : vector<16xf32>
      %add3A_682 = arith.addf %add3A_655, %mul3A_681 : vector<16xf32>
      %add3A_683 = arith.constant 384 : i32
      %add3A_684 = vector.broadcast %add3A_683 : i32 to vector<16xi32>
      %add3A_685 = arith.addi %iota3A, %add3A_684 : vector<16xi32>
      %add3A_686 = arith.constant 6480 : i32
      %add3A_687 = vector.broadcast %add3A_686 : i32 to vector<16xi32>
      %add3A_688 = arith.addi %add3A_685, %add3A_687 : vector<16xi32>
      %get3A_689 = arith.constant 384 : index
      %get3A_690 = tpu.vector_load %arg7[%get3A_689] {strides = array<i32>} : memref<432xf32, #tpu.memory_space<vmem>>, vector<16xf32>,
      %bitcast3A_691 = vector.bitcast %get3A_690 : vector<16xf32> to vector<16xi32>
      %gather3A_692 = tpu.vector_load_idx %arg4[%add3A_688] : memref<6890xf32, #tpu.memory_space<vmem>>[vector<16xi32>], vector<16xf32>,
      %gather3A_693 = tpu.vector_load_idx %arg5[%add3A_688] : memref<6890xf32, #tpu.memory_space<vmem>>[vector<16xi32>], vector<16xf32>,
      %gather3A_694 = tpu.vector_load_idx %arg6[%add3A_688] : memref<6890xf32, #tpu.memory_space<vmem>>[vector<16xi32>], vector<16xf32>,
      %gather3A_695 = tpu.vector_load_idx %arg4[%bitcast3A_691] : memref<6890xf32, #tpu.memory_space<vmem>>[vector<16xi32>], vector<16xf32>,
      %gather3A_696 = tpu.vector_load_idx %arg5[%bitcast3A_691] : memref<6890xf32, #tpu.memory_space<vmem>>[vector<16xi32>], vector<16xf32>,
      %gather3A_697 = tpu.vector_load_idx %arg6[%bitcast3A_691] : memref<6890xf32, #tpu.memory_space<vmem>>[vector<16xi32>], vector<16xf32>,
      %get3A_698 = arith.constant 384 : index
      %get3A_699 = tpu.vector_load %arg8[%get3A_698] {strides = array<i32>} : memref<432xf32, #tpu.memory_space<vmem>>, vector<16xf32>,
      %add3A_700 = arith.addf %gather3A_692, %gather3A_695 : vector<16xf32>
      %sub3A_701 = arith.subf %gather3A_693, %gather3A_696 : vector<16xf32>
      %sub3A_702 = arith.subf %gather3A_694, %gather3A_697 : vector<16xf32>
      %mul3A_703 = arith.mulf %add3A_700, %add3A_700 : vector<16xf32>
      %mul3A_704 = arith.mulf %sub3A_701, %sub3A_701 : vector<16xf32>
      %add3A_705 = arith.addf %mul3A_703, %mul3A_704 : vector<16xf32>
      %mul3A_706 = arith.mulf %sub3A_702, %sub3A_702 : vector<16xf32>
      %add3A_707 = arith.addf %add3A_705, %mul3A_706 : vector<16xf32>
      %mul3A_708 = arith.mulf %get3A_699, %add3A_707 : vector<16xf32>
      %add3A_709 = arith.addf %add3A_682, %mul3A_708 : vector<16xf32>
      %add3A_710 = arith.constant 400 : i32
      %add3A_711 = vector.broadcast %add3A_710 : i32 to vector<16xi32>
      %add3A_712 = arith.addi %iota3A, %add3A_711 : vector<16xi32>
      %min3A = arith.constant 409 : i32
      %min3A_713 = vector.broadcast %min3A : i32 to vector<16xi32>
      %min3A_714 = arith.minsi %add3A_712, %min3A_713 : vector<16xi32>
      %add3A_715 = arith.constant 6480 : i32
      %add3A_716 = vector.broadcast %add3A_715 : i32 to vector<16xi32>
      %add3A_717 = arith.addi %min3A_714, %add3A_716 : vector<16xi32>
      %get3A_718 = arith.constant 400 : index
      %get3A_719 = tpu.vector_load %arg7[%get3A_718] {strides = array<i32>} : memref<432xf32, #tpu.memory_space<vmem>>, vector<16xf32>,
      %bitcast3A_720 = vector.bitcast %get3A_719 : vector<16xf32> to vector<16xi32>
      %gather3A_721 = tpu.vector_load_idx %arg4[%add3A_717] : memref<6890xf32, #tpu.memory_space<vmem>>[vector<16xi32>], vector<16xf32>,
      %gather3A_722 = tpu.vector_load_idx %arg5[%add3A_717] : memref<6890xf32, #tpu.memory_space<vmem>>[vector<16xi32>], vector<16xf32>,
      %gather3A_723 = tpu.vector_load_idx %arg6[%add3A_717] : memref<6890xf32, #tpu.memory_space<vmem>>[vector<16xi32>], vector<16xf32>,
      %gather3A_724 = tpu.vector_load_idx %arg4[%bitcast3A_720] : memref<6890xf32, #tpu.memory_space<vmem>>[vector<16xi32>], vector<16xf32>,
      %gather3A_725 = tpu.vector_load_idx %arg5[%bitcast3A_720] : memref<6890xf32, #tpu.memory_space<vmem>>[vector<16xi32>], vector<16xf32>,
      %gather3A_726 = tpu.vector_load_idx %arg6[%bitcast3A_720] : memref<6890xf32, #tpu.memory_space<vmem>>[vector<16xi32>], vector<16xf32>,
      %get3A_727 = arith.constant 400 : index
      %get3A_728 = tpu.vector_load %arg8[%get3A_727] {strides = array<i32>} : memref<432xf32, #tpu.memory_space<vmem>>, vector<16xf32>,
      %add3A_729 = arith.addf %gather3A_721, %gather3A_724 : vector<16xf32>
      %sub3A_730 = arith.subf %gather3A_722, %gather3A_725 : vector<16xf32>
      %sub3A_731 = arith.subf %gather3A_723, %gather3A_726 : vector<16xf32>
      %mul3A_732 = arith.mulf %add3A_729, %add3A_729 : vector<16xf32>
      %mul3A_733 = arith.mulf %sub3A_730, %sub3A_730 : vector<16xf32>
      %add3A_734 = arith.addf %mul3A_732, %mul3A_733 : vector<16xf32>
      %mul3A_735 = arith.mulf %sub3A_731, %sub3A_731 : vector<16xf32>
      %add3A_736 = arith.addf %add3A_734, %mul3A_735 : vector<16xf32>
      %mul3A_737 = arith.mulf %get3A_728, %add3A_736 : vector<16xf32>
      %lt3A_738 = arith.constant 10 : i32
      %lt3A_739 = vector.broadcast %lt3A_738 : i32 to vector<16xi32>
      %lt3A_740 = arith.cmpi slt, %iota3A, %lt3A_739 : vector<16xi32>
      %select_n3A = arith.select %lt3A_740, %mul3A_737, %broadcast_in_dim3A_1 : vector<16xi1>, vector<16xf32>
      %add3A_741 = arith.addf %add3A_709, %select_n3A : vector<16xf32>
      %swap3A_742 = arith.constant 0 : index
      %swap3A_743 = tpu.vector_load %arg9[%swap3A_742] {strides = array<i32>} : memref<16xf32, #tpu.memory_space<vmem>>, vector<16xf32>,
      tpu.vector_store %arg9[%swap3A_742], %add3A_741 {strides = array<i32>} : memref<16xf32, #tpu.memory_space<vmem>>, vector<16xf32>,
    } else {
    }
    "tpu.region"() ({
      %run_scoped3A = tpu.sem_alloc : memref<!tpu.dma_semaphore, #tpu.memory_space<semaphore_mem>>
      %dma_start3A = arith.constant 0 : i32
      %dma_start3A_13 = tpu.memref_slice %arg11[%arg1, %dma_start3A] : memref<16x16xf32, #tpu.memory_space<hbm>> -> memref<1x16xf32, #tpu.memory_space<hbm>>
      %dma_start3A_14 = tpu.memref_squeeze %dma_start3A_13 : memref<1x16xf32, #tpu.memory_space<hbm>> -> memref<16xf32, #tpu.memory_space<hbm>>
      %dma_start3A_15 = arith.constant 0 : i32
      %dma_start3A_16 = tpu.memref_slice %arg11[%arg1, %dma_start3A_15] : memref<16x16xf32, #tpu.memory_space<hbm>> -> memref<1x16xf32, #tpu.memory_space<hbm>>
      %dma_start3A_17 = tpu.memref_squeeze %dma_start3A_16 : memref<1x16xf32, #tpu.memory_space<hbm>> -> memref<16xf32, #tpu.memory_space<hbm>>
      tpu.enqueue_dma source(%arg9 : memref<16xf32, #tpu.memory_space<vmem>>) target(%dma_start3A_17 : memref<16xf32, #tpu.memory_space<hbm>>) target_semaphore(%run_scoped3A : memref<!tpu.dma_semaphore, #tpu.memory_space<semaphore_mem>>)
      %dma_wait3A = arith.constant 0 : i32
      %dma_wait3A_18 = tpu.memref_slice %arg11[%arg1, %dma_wait3A] : memref<16x16xf32, #tpu.memory_space<hbm>> -> memref<1x16xf32, #tpu.memory_space<hbm>>
      %dma_wait3A_19 = tpu.memref_squeeze %dma_wait3A_18 : memref<1x16xf32, #tpu.memory_space<hbm>> -> memref<16xf32, #tpu.memory_space<hbm>>
      %dma_wait3A_20 = arith.constant 0 : i32
      %dma_wait3A_21 = tpu.memref_slice %arg11[%arg1, %dma_wait3A_20] : memref<16x16xf32, #tpu.memory_space<hbm>> -> memref<1x16xf32, #tpu.memory_space<hbm>>
      %dma_wait3A_22 = tpu.memref_squeeze %dma_wait3A_21 : memref<1x16xf32, #tpu.memory_space<hbm>> -> memref<16xf32, #tpu.memory_space<hbm>>
      tpu.wait_dma2 semaphore(%run_scoped3A : memref<!tpu.dma_semaphore, #tpu.memory_space<semaphore_mem>>) src(%arg9 : memref<16xf32, #tpu.memory_space<vmem>>) dst(%dma_wait3A_22 : memref<16xf32, #tpu.memory_space<hbm>>)
      tpu.yield
    }) : () -> ()
    %barrier3A = arith.constant 0 : index
    tpu.barrier barrier_id(%barrier3A)
    %eq3A_8 = arith.constant 0 : i32
    %eq3A_9 = arith.cmpi eq, %arg1, %eq3A_8 : i32
    %convert_element_type3A_10 = arith.extui %eq3A_9 : i1 to i32
    %cond3A_11 = arith.constant 0 : i32
    %cond3A_12 = arith.cmpi ne, %convert_element_type3A_10, %cond3A_11 : i32
    scf.if %cond3A_12 {
      "tpu.region"() ({
        %run_scoped3A = tpu.sem_alloc : memref<!tpu.dma_semaphore, #tpu.memory_space<semaphore_mem>>
        tpu.enqueue_dma source(%arg11 : memref<16x16xf32, #tpu.memory_space<hbm>>) target(%arg10 : memref<16x16xf32, #tpu.memory_space<vmem>>) target_semaphore(%run_scoped3A : memref<!tpu.dma_semaphore, #tpu.memory_space<semaphore_mem>>)
        tpu.wait_dma2 semaphore(%run_scoped3A : memref<!tpu.dma_semaphore, #tpu.memory_space<semaphore_mem>>) src(%arg11 : memref<16x16xf32, #tpu.memory_space<hbm>>) dst(%arg10 : memref<16x16xf32, #tpu.memory_space<vmem>>)
        tpu.yield
      }) : () -> ()
      %get3A = arith.constant 0 : i32
      %get3A_13 = arith.index_cast %get3A : i32 to index
      %get3A_14 = arith.constant 0 : index
      %get3A_15 = tpu.vector_load %arg10[%get3A_13, %get3A_14] {strides = array<i32>} : memref<16x16xf32, #tpu.memory_space<vmem>>, vector<16xf32>,
      %get3A_16 = arith.constant 1 : i32
      %get3A_17 = arith.index_cast %get3A_16 : i32 to index
      %get3A_18 = arith.constant 0 : index
      %get3A_19 = tpu.vector_load %arg10[%get3A_17, %get3A_18] {strides = array<i32>} : memref<16x16xf32, #tpu.memory_space<vmem>>, vector<16xf32>,
      %add3A = arith.addf %get3A_15, %get3A_19 : vector<16xf32>
      %get3A_20 = arith.constant 2 : i32
      %get3A_21 = arith.index_cast %get3A_20 : i32 to index
      %get3A_22 = arith.constant 0 : index
      %get3A_23 = tpu.vector_load %arg10[%get3A_21, %get3A_22] {strides = array<i32>} : memref<16x16xf32, #tpu.memory_space<vmem>>, vector<16xf32>,
      %add3A_24 = arith.addf %add3A, %get3A_23 : vector<16xf32>
      %get3A_25 = arith.constant 3 : i32
      %get3A_26 = arith.index_cast %get3A_25 : i32 to index
      %get3A_27 = arith.constant 0 : index
      %get3A_28 = tpu.vector_load %arg10[%get3A_26, %get3A_27] {strides = array<i32>} : memref<16x16xf32, #tpu.memory_space<vmem>>, vector<16xf32>,
      %add3A_29 = arith.addf %add3A_24, %get3A_28 : vector<16xf32>
      %get3A_30 = arith.constant 4 : i32
      %get3A_31 = arith.index_cast %get3A_30 : i32 to index
      %get3A_32 = arith.constant 0 : index
      %get3A_33 = tpu.vector_load %arg10[%get3A_31, %get3A_32] {strides = array<i32>} : memref<16x16xf32, #tpu.memory_space<vmem>>, vector<16xf32>,
      %add3A_34 = arith.addf %add3A_29, %get3A_33 : vector<16xf32>
      %get3A_35 = arith.constant 5 : i32
      %get3A_36 = arith.index_cast %get3A_35 : i32 to index
      %get3A_37 = arith.constant 0 : index
      %get3A_38 = tpu.vector_load %arg10[%get3A_36, %get3A_37] {strides = array<i32>} : memref<16x16xf32, #tpu.memory_space<vmem>>, vector<16xf32>,
      %add3A_39 = arith.addf %add3A_34, %get3A_38 : vector<16xf32>
      %get3A_40 = arith.constant 6 : i32
      %get3A_41 = arith.index_cast %get3A_40 : i32 to index
      %get3A_42 = arith.constant 0 : index
      %get3A_43 = tpu.vector_load %arg10[%get3A_41, %get3A_42] {strides = array<i32>} : memref<16x16xf32, #tpu.memory_space<vmem>>, vector<16xf32>,
      %add3A_44 = arith.addf %add3A_39, %get3A_43 : vector<16xf32>
      %get3A_45 = arith.constant 7 : i32
      %get3A_46 = arith.index_cast %get3A_45 : i32 to index
      %get3A_47 = arith.constant 0 : index
      %get3A_48 = tpu.vector_load %arg10[%get3A_46, %get3A_47] {strides = array<i32>} : memref<16x16xf32, #tpu.memory_space<vmem>>, vector<16xf32>,
      %add3A_49 = arith.addf %add3A_44, %get3A_48 : vector<16xf32>
      %get3A_50 = arith.constant 8 : i32
      %get3A_51 = arith.index_cast %get3A_50 : i32 to index
      %get3A_52 = arith.constant 0 : index
      %get3A_53 = tpu.vector_load %arg10[%get3A_51, %get3A_52] {strides = array<i32>} : memref<16x16xf32, #tpu.memory_space<vmem>>, vector<16xf32>,
      %add3A_54 = arith.addf %add3A_49, %get3A_53 : vector<16xf32>
      %get3A_55 = arith.constant 9 : i32
      %get3A_56 = arith.index_cast %get3A_55 : i32 to index
      %get3A_57 = arith.constant 0 : index
      %get3A_58 = tpu.vector_load %arg10[%get3A_56, %get3A_57] {strides = array<i32>} : memref<16x16xf32, #tpu.memory_space<vmem>>, vector<16xf32>,
      %add3A_59 = arith.addf %add3A_54, %get3A_58 : vector<16xf32>
      %get3A_60 = arith.constant 10 : i32
      %get3A_61 = arith.index_cast %get3A_60 : i32 to index
      %get3A_62 = arith.constant 0 : index
      %get3A_63 = tpu.vector_load %arg10[%get3A_61, %get3A_62] {strides = array<i32>} : memref<16x16xf32, #tpu.memory_space<vmem>>, vector<16xf32>,
      %add3A_64 = arith.addf %add3A_59, %get3A_63 : vector<16xf32>
      %get3A_65 = arith.constant 11 : i32
      %get3A_66 = arith.index_cast %get3A_65 : i32 to index
      %get3A_67 = arith.constant 0 : index
      %get3A_68 = tpu.vector_load %arg10[%get3A_66, %get3A_67] {strides = array<i32>} : memref<16x16xf32, #tpu.memory_space<vmem>>, vector<16xf32>,
      %add3A_69 = arith.addf %add3A_64, %get3A_68 : vector<16xf32>
      %get3A_70 = arith.constant 12 : i32
      %get3A_71 = arith.index_cast %get3A_70 : i32 to index
      %get3A_72 = arith.constant 0 : index
      %get3A_73 = tpu.vector_load %arg10[%get3A_71, %get3A_72] {strides = array<i32>} : memref<16x16xf32, #tpu.memory_space<vmem>>, vector<16xf32>,
      %add3A_74 = arith.addf %add3A_69, %get3A_73 : vector<16xf32>
      %get3A_75 = arith.constant 13 : i32
      %get3A_76 = arith.index_cast %get3A_75 : i32 to index
      %get3A_77 = arith.constant 0 : index
      %get3A_78 = tpu.vector_load %arg10[%get3A_76, %get3A_77] {strides = array<i32>} : memref<16x16xf32, #tpu.memory_space<vmem>>, vector<16xf32>,
      %add3A_79 = arith.addf %add3A_74, %get3A_78 : vector<16xf32>
      %get3A_80 = arith.constant 14 : i32
      %get3A_81 = arith.index_cast %get3A_80 : i32 to index
      %get3A_82 = arith.constant 0 : index
      %get3A_83 = tpu.vector_load %arg10[%get3A_81, %get3A_82] {strides = array<i32>} : memref<16x16xf32, #tpu.memory_space<vmem>>, vector<16xf32>,
      %add3A_84 = arith.addf %add3A_79, %get3A_83 : vector<16xf32>
      %get3A_85 = arith.constant 15 : i32
      %get3A_86 = arith.index_cast %get3A_85 : i32 to index
      %get3A_87 = arith.constant 0 : index
      %get3A_88 = tpu.vector_load %arg10[%get3A_86, %get3A_87] {strides = array<i32>} : memref<16x16xf32, #tpu.memory_space<vmem>>, vector<16xf32>,
      %add3A_89 = arith.addf %add3A_84, %get3A_88 : vector<16xf32>
      %reduce_sum3A = arith.constant true
      %reduce_sum3A_90 = vector.broadcast %reduce_sum3A : i1 to vector<16xi1>
      %reduce_sum3A_91 = tpu.scan <sum>, %add3A_89 masked %reduce_sum3A_90 : vector<16xf32>, vector<16xi1> -> vector<16xf32>
      %reduce_sum3A_92 = vector.extract %reduce_sum3A_91[15] : f32 from vector<16xf32>
      %mul3A_93 = arith.constant 4.83792937E-5 : f32
      %mul3A_94 = arith.mulf %reduce_sum3A_92, %mul3A_93 : f32
      %broadcast_in_dim3A_95 = vector.broadcast %mul3A_94 : f32 to vector<16xf32>
      %swap3A = arith.constant 0 : index
      %swap3A_96 = tpu.vector_load %arg9[%swap3A] {strides = array<i32>} : memref<16xf32, #tpu.memory_space<vmem>>, vector<16xf32>,
      tpu.vector_store %arg9[%swap3A], %broadcast_in_dim3A_95 {strides = array<i32>} : memref<16xf32, #tpu.memory_space<vmem>>, vector<16xf32>,
      "tpu.region"() ({
        %run_scoped3A = tpu.sem_alloc : memref<!tpu.dma_semaphore, #tpu.memory_space<semaphore_mem>>
        %dma_start3A = arith.constant 0 : i32
        %dma_start3A_97 = tpu.memref_slice %arg9[%dma_start3A] : memref<16xf32, #tpu.memory_space<vmem>> -> memref<1xf32, #tpu.memory_space<vmem>>
        %dma_start3A_98 = arith.constant 0 : i32
        %dma_start3A_99 = tpu.memref_slice %arg9[%dma_start3A_98] : memref<16xf32, #tpu.memory_space<vmem>> -> memref<1xf32, #tpu.memory_space<vmem>>
        tpu.enqueue_dma source(%dma_start3A_99 : memref<1xf32, #tpu.memory_space<vmem>>) target(%arg3 : memref<1xf32, #tpu.memory_space<hbm>>) target_semaphore(%run_scoped3A : memref<!tpu.dma_semaphore, #tpu.memory_space<semaphore_mem>>)
        %dma_wait3A = arith.constant 0 : i32
        %dma_wait3A_100 = tpu.memref_slice %arg9[%dma_wait3A] : memref<16xf32, #tpu.memory_space<vmem>> -> memref<1xf32, #tpu.memory_space<vmem>>
        %dma_wait3A_101 = arith.constant 0 : i32
        %dma_wait3A_102 = tpu.memref_slice %arg9[%dma_wait3A_101] : memref<16xf32, #tpu.memory_space<vmem>> -> memref<1xf32, #tpu.memory_space<vmem>>
        tpu.wait_dma2 semaphore(%run_scoped3A : memref<!tpu.dma_semaphore, #tpu.memory_space<semaphore_mem>>) src(%dma_wait3A_102 : memref<1xf32, #tpu.memory_space<vmem>>) dst(%arg3 : memref<1xf32, #tpu.memory_space<hbm>>)
        tpu.yield
      }) : () -> ()
    } else {
    }
    return
  }
}

</mosaic_0001>

<sc_bundles>
// kernel: kernel.3.cloned.1.call-start
scs
__scs_entry_jumppad:
0x0: {  	(pc) =	sbr.rel $0x88, $3  }
0x1: {  	(tag) =	ssettag $0x0;
	lr =	simm.s32 $0x1  }
0x2: {  	[smem:$0x3F9E] =	sst lr;
	_ =	strace $0xD0000000  }
0x3: {  	_ = 	snop  }
0x4: {  	_ = 	snop  }
0x5: {  	_ = 	snop  }
0x6: {  	_ = 	snop  }
0x7: {  	_ = 	snop  }
__scs_overlays_trampoline_lowered:
0x8: {  	[smem:$0x3FAD] =	sst s0  }
0x9: {  	[smem:$0x3FAE] =	sst s1  }
0xa: {  	[smem:$0x3FAF] =	sst s2  }
0xb: {  	[smem:$0x3FB0] =	sst s3  }
0xc: {  	[smem:$0x3FB1] =	sst s4  }
0xd: {  	[smem:$0x3FB2] =	sst s5  }
0xe: {  	[smem:$0x3FB3] =	sst s6  }
0xf: {  	[smem:$0x3FB4] =	sst s7  }
0x10: {  	[smem:$0x3FB5] =	sst s8  }
0x11: {  	[smem:$0x3FB6] =	sst s9;
	s0 =	simm.s32 @!p0 $0x0  }
0x12: {  	s1 =	sld [smem:$0x3F9C];
	s0 =	simm.s32 @p0 $0x1  }
0x13: {  	[smem:$0x3FB7] =	sst s0;
	s0 =	simm.s32 @!p1 $0x0  }
0x14: {  	s2 =	sld [smem:$0x3F9B];
	s0 =	simm.s32 @p1 $0x1  }
0x15: {  	[smem:$0x3FB8] =	sst s0;
	s0 =	simm.s32 @!p2 $0x0  }
0x16: {  	s3 =	sld [smem:$0x3FDB];
	s0 =	simm.s32 @p2 $0x1  }
0x17: {  	s4 =	simm.s32 $0x1BF5;
	[smem:$0x3FBA] =	sst s0  }
0x18: {  	s0 =	sld [smem:$0x3F9D];
	_ =	swait.ge [sflag:s4], $0x0  }
0x19: {  	s7 =	sld [smem:$0x3F9E]  }
0x1a: {  	s8 =	sadd.s32 $0xFFFFE003, lr  }
0x1b: {  	s9 =	sadd.s32 $0xFFFFFEF7, lr;
	s5 =	simm.s32 $0xFFFFFFFF;
	p2 =	slt.u32 s8, $0xFFFFF086  }
0x1c: {  	p1 =	slt.u32 s9, $0xF7A;
	s5 =	simm.s32 @!p2 $0x0  }
0x1d: {  	s5 =	simm.s32 @p1 $0x1;
	p0 =	seq.s32 s7, s2  }
0x1e: {  	s7 =	smul.u32 @!p0 $0xF7A, s2;
	p2 =	seq.s32 @!p0 s5, $0x0  }
0x1f: {  	s9 =	smul.u32 $0xF7A, s1;
	s8 =	simm.s32 @!p0 $0x1BF5;
	p2 =	por !p2, p0  }
0x20: {  	[sflag:s8] =	ssyncset.s32 @!p0 $0xFFFFF086;
	s6 =	sadd.s32 @!p0 s3, s7;
	s7 =	simm.s32 @!p0 $0x108  }
0x21: {  	s3 =	sadd.s32 s3, s9;
	s6 =	sadd.s32 @!p0 $0x88, s6;
	s7 =	simm.s32 @p2 $0x1082  }
0x22: {  	[simem:s7], [sflag:s8] =	dma.local @!p0 [hbm:s6], $0xF7A  }
0x23: {  	s9 =	sor.u32 $0xD0000000, s2;
	s6 =	simm.s32 $0x108;
	_ =	swait.ge @!p0 [sflag:s8], $0x0  }
0x24: {  	s3 =	sadd.s32 $0x88, s3;
	s6 =	simm.s32 @!p1 $0x1082;
	[sflag:s4] =	ssyncset.s32 $0xFFFFF086  }
0x25: {  	[simem:s6], [sflag:s4] =	dma.local [hbm:s3], $0xF7A  }
0x26: {  	[smem:$0x3F9E] =	sst s1;
	(tag) =	ssettag s2;
	_ =	strace s9  }
0x27: {  	s1 =	sld [smem:$0x3FAE]  }
0x28: {  	s2 =	sld [smem:$0x3FAF]  }
0x29: {  	s4 =	sld [smem:$0x3FB1]  }
0x2a: {  	p0 =	seq.s32 s5, $0x0;
	s5 =	sld [smem:$0x3FB2]  }
0x2b: {  	s6 =	sld [smem:$0x3FB3]  }
0x2c: {  	s7 =	sld [smem:$0x3FB4]  }
0x2d: {  	s3 =	simm.s32 $0x108;
	s8 =	sld [smem:$0x3FB5]  }
0x2e: {  	s3 =	simm.s32 @!p0 $0x1082;
	s9 =	sld [smem:$0x3FB6]  }
0x2f: {  	lr =	sadd.s32 s0, s3;
	s0 =	sld [smem:$0x3FAD]  }
0x30: {  	s3 =	sld [smem:$0x3FB0]  }
0x31: {  	[smem:$0x3FB9] =	sst s10  }
0x32: {  	s10 =	sld [smem:$0x3FB7];
	_ =	sdelay $0x3  }
0x33: {  	p0 =	seq.s32 s10, $0x1;
	s10 =	sld [smem:$0x3FB9];
	_ =	sdelay $0x3  }
0x34: {  	[smem:$0x3FB9] =	sst s10  }
0x35: {  	s10 =	sld [smem:$0x3FB8];
	_ =	sdelay $0x3  }
0x36: {  	p1 =	seq.s32 s10, $0x1;
	s10 =	sld [smem:$0x3FB9];
	_ =	sdelay $0x3  }
0x37: {  	[smem:$0x3FB9] =	sst s10  }
0x38: {  	s10 =	sld [smem:$0x3FBA]  }
0x39: {  	_ = 	snop;
	(pc) =	sbr.ind lr, $3  }
0x3a: {  	_ = 	snop  }
0x3b: {  	_ = 	snop  }
0x3c: {  	p2 =	seq.s32 s10, $0x1;
	s10 =	sld [smem:$0x3FB9]  }
0x3d: {  	_ =	shalt  }
0x3e: {  	_ =	shalt  }
0x3f: {  	_ =	shalt  }
0x40: {  	_ =	shalt  }
0x41: {  	_ =	shalt  }
0x42: {  	_ =	shalt  }
0x43: {  	_ =	shalt  }
0x44: {  	_ =	shalt  }
0x45: {  	_ =	shalt  }
0x46: {  	_ =	shalt  }
0x47: {  	_ =	shalt  }
0x48: {  	_ =	shalt  }
0x49: {  	_ =	shalt  }
0x4a: {  	_ =	shalt  }
0x4b: {  	_ =	shalt  }
0x4c: {  	_ =	shalt  }
0x4d: {  	_ =	shalt  }
0x4e: {  	_ =	shalt  }
0x4f: {  	_ =	shalt  }
0x50: {  	_ =	shalt  }
0x51: {  	_ =	shalt  }
0x52: {  	_ =	shalt  }
0x53: {  	_ =	shalt  }
0x54: {  	_ =	shalt  }
0x55: {  	_ =	shalt  }
0x56: {  	_ =	shalt  }
0x57: {  	_ =	shalt  }
0x58: {  	_ =	shalt  }
0x59: {  	_ =	shalt  }
0x5a: {  	_ =	shalt  }
0x5b: {  	_ =	shalt  }
0x5c: {  	_ =	shalt  }
0x5d: {  	_ =	shalt  }
0x5e: {  	_ =	shalt  }
0x5f: {  	_ =	shalt  }
0x60: {  	_ =	shalt  }
0x61: {  	_ =	shalt  }
0x62: {  	_ =	shalt  }
0x63: {  	_ =	shalt  }
0x64: {  	_ =	shalt  }
0x65: {  	_ =	shalt  }
0x66: {  	_ =	shalt  }
0x67: {  	_ =	shalt  }
0x68: {  	_ =	shalt  }
0x69: {  	_ =	shalt  }
0x6a: {  	_ =	shalt  }
0x6b: {  	_ =	shalt  }
0x6c: {  	_ =	shalt  }
0x6d: {  	_ =	shalt  }
0x6e: {  	_ =	shalt  }
0x6f: {  	_ =	shalt  }
0x70: {  	_ =	shalt  }
0x71: {  	_ =	shalt  }
0x72: {  	_ =	shalt  }
0x73: {  	_ =	shalt  }
0x74: {  	_ =	shalt  }
0x75: {  	_ =	shalt  }
0x76: {  	_ =	shalt  }
0x77: {  	_ =	shalt  }
0x78: {  	_ =	shalt  }
0x79: {  	_ =	shalt  }
0x7a: {  	_ =	shalt  }
0x7b: {  	_ =	shalt  }
0x7c: {  	_ =	shalt  }
0x7d: {  	_ =	shalt  }
0x7e: {  	_ =	shalt  }
0x7f: {  	_ =	shalt  }
0x80: {  	_ =	shalt  }
0x81: {  	_ =	shalt  }
0x82: {  	_ =	shalt  }
0x83: {  	_ =	shalt  }
0x84: {  	_ =	shalt  }
0x85: {  	_ =	shalt  }
0x86: {  	_ =	shalt  }
0x87: {  	_ =	shalt  }
.Lfunc_end0:
.L_simem_size_0:
called_computation_lowered:
.L_overlay_start_0:
0x88: {  	s0 =	sld [smem:$0x3FD9]  }
0x89: {  	s1 =	sld [smem:$0x3FFE];
	_ =	sdelay $0x3  }
0x8a: {  	s0 =	sadd.s32 s1, s0  }
0x8b: {  	[smem:$0x3FC5] =	sst s0  }
0x8c: {  	_ = 	snop  }
0x8d: {  	s16 =	sld [smem:$0x3FD0];
	(tm) =	ssettm $0x1  }
0x8e: {  	s2 =	sld [smem:$0x3FFB];
	_ =	sdelay $0x3  }
0x8f: {  	_ =	strace s2  }
0x90: {  	s2 =	sld [smem:$0x3FFC];
	_ =	sdelay $0x3  }
0x91: {  	_ =	strace s2  }
0x92: {  	s2 =	sld [smem:$0x3FFD];
	_ =	sdelay $0x3  }
0x93: {  	_ =	strace s2  }
0x94: {  	_ =	strace $0x8FFFFFFF  }
0x95: {  	s17 =	sld [smem:$0x3FDB];
	_ =	sdelay $0x1  }
0x96: {  	s3 =	simm.s32 $_scs_section_size  }
0x97: {  	s4 =	simm.s32 $_size__tile_overlayer_lowered;
	s5 =	simm.s32 $_tile_overlayer_lowered  }
0x98: {  	s20 =	simm.s32 $0x1BFF;
	s19 =	sshll.u32 s5, $0x1;
	s2 =	sadd.s32 s3, s17  }
0x99: {  	s6 =	simm.s32 $0x0;
	s18 =	sshll.u32 s4, $0x1;
	s4 =	sadd.s32 s19, s2  }
0x9a: {  	[timem:s6], [sflag:s20] =	dma.local [hbm:s4], s18  }
0x9b: {  	_ =	swait.ge [sflag:s20], s18  }
0x9c: {  	s3 =	ssub.s32 $0x0, s18;
	[sflag:s20] =	ssyncset.done $0x0  }
0x9d: {  	[sflag:s20] =	ssyncadd.s32 s3;
	_ =	sdelay $0x1  }
0x9e: {  	s21 =	simm.s32 $0x1B8B  }
0x9f: {  	_ =	swait.ge [sflag:s21], $0x1  }
0xa0: {  	[sflag:s21] =	ssyncset.done $0x0  }
0xa1: {  	s23 =	simm.s32 $0x1B8E;
	s22 =	sld [smem:$0x3FFE];
	[sflag:s21] =	ssyncadd.s32 $0xFFFFFFFF  }
0xa2: {  	s24 =	simm.s32 $execute0_lowered;
	[smem:$0x3FD2] =	sst s23  }
0xa3: {  	s4 =	sshll.u32 s24, $0x1;
	_ =	strace $0x80000046;
	[dreg:$0x1] =	wrdreg $0xFFFFFFFF  }
0xa4: {  	s25 =	simm.s32 $_size_execute0_lowered;
	s2 =	sadd.s32 s2, s4;
	[dreg:$0x0] =	wrdreg $0x0  }
0xa5: {  	s4 =	sshll.u32 s25, $0x1;
	[dreg:$0x2] =	wrdreg s2  }
0xa6: {  	[dreg:$0x3] =	wrdreg s4  }
0xa7: {  	[dreg:$0x4] =	wrdreg $0xC0  }
0xa8: {  	_ =	task [dreg:s6], $0x5FFFF  }
0xa9: {  	[dreg:$0x1] =	wrdreg $0xFFFFFFFF  }
0xaa: {  	[dreg:$0x0] =	wrdreg $0x60  }
0xab: {  	[dreg:$0x2] =	wrdreg s22  }
0xac: {  	s0 =	sadd.s32 $0x400, s0;
	[dreg:$0x3] =	wrdreg s16  }
0xad: {  	[dreg:$0x4] =	wrdreg s0  }
0xae: {  	[dreg:$0x5] =	wrdreg $0x9  }
0xaf: {  	_ =	task.clear_ibuf [dreg:s6], $0x6FFFF;
	_ =	strace $0x90000046  }
0xb0: {  	s26 =	simm.s32 $0x9;
	_ =	strace $0x80000048  }
0xb1: {  	_ =	swait.ge [sflag:s26], $0x1  }
0xb2: {  	[sflag:s26] =	ssyncadd.s32 $0xFFFFFFFF  }
0xb3: {  	_ =	strace $0x90000048  }
0xb4: {  	_ =	sfence  }
0xb5: {  	s28 =	sld [smem:$0x0];
	_ =	sdelay $0x1  }
0xb6: {  	s29 =	srdreg.scid  }
0xb7: {  	s30 =	sshll.u32 s29, $0xD;
	s31 =	sshrl.u32 s29, $0x2  }
0xb8: {  	s1 =	sand.u32 $0x1, s29;
	s2 =	sand.u32 $0x4000, s30;
	s0 =	sadd.s32 s31, s28  }
0xb9: {  	s1 =	sor.u32 s2, s1;
	s0 =	sshll.u32 s0, $0x11  }
0xba: {  	s0 =	sor.u32 s0, s1  }
0xbb: {  	s0 =	sadd.s32 $0x8F2B, s0  }
0xbc: {  	[sflag:s0] =	ssyncadd.remote.s32 $0x1  }
0xbd: {  	_ =	sfence.sel $0xFFFF  }
0xbe: {  	[dreg:$0x0] =	wrdreg $0xFFFFFFFF;
	(pc) =	sbr.abs _section_cstart, $3  }
0xbf: {  	[dreg:$0x1] =	wrdreg $0xFFFFFFFF  }
0xc0: {  	_ =	task.clear_ibuf [dreg:s6], $0x2FFFF;
	_ =	strace $0x9FFFFFFF  }
0xc1: {  	(tm) =	ssettm $0x7FFFFFFF  }
tec
execute0_lowered:
.L_overlay_start_1:
0x0: {  	(tag) =	ssettag $0x1  }
0x1: {  	s3 =	stileid.u32  }
0x2: {  	p0 =	seq.s32 s3, $0xF  }
.Ltmp0:
0x3: {  	s9 =	rddreg [dreg:$0x0];
	(pc) =	sbr.rel @!p0 .LBB2_1-.Ltmp0, $4  }
0x4: {  	s1 =	rddreg [dreg:$0x1]  }
0x5: {  	s2 =	rddreg [dreg:$0x2];
	s5 =	simm.s32 $0x0  }
0x6: {  	[smem:$0x7FF] =	sst s5  }
0x7: {  	s0 =	rddreg [dreg:$0x3];
	s4 =	sshll.u32 s3, $0x1;
	_ =	strace $0x80000047  }
0x8: {  	[tilespmem:s5], [sflag:$0x1] =	stream.linear.gather [hbm4b:s9+s5], $0x1AEA, $0x38;
	[tilespmem:$0x5540] =	vst v63  }
0x9: {  	s6 =	sadd.s32 $0x35E, s9;
	s7 =	simm.s32 $0x1AF0  }
0xa: {  	[tilespmem:s7], [sflag:$0x1] =	stream.linear.gather [hbm4b:s6+s5], $0x1AEA, $0x38;
	[tilespmem:$0x5540] =	vst v63  }
0xb: {  	s8 =	sadd.s32 $0x6BC, s9;
	s25 =	simm.s32 $0x35E0  }
0xc: {  	v0 =	vimm.f32 $0.0e+00;
	[tilespmem:s25], [sflag:$0x1] =	stream.linear.gather [hbm4b:s8+s5], $0x1AEA, $0x38;
	[tilespmem:$0x5540] =	vst v63  }
0xd: {  	[tilespmem:$0x5260] =	vst v0  }
0xe: {  	s26 =	sadd.s32 $0x10A2, s9;
	s10 =	simm.s32 $0x50D0;
	s28 =	simm.s32 $0x2;
	[tilespmem:$0x5270] =	vst v0  }
0xf: {  	[tilespmem:s10], [sflag:$0x2] =	stream.linear.gather [hbm4b:s26+s5], $0x19A, $0x38;
	[tilespmem:$0x5540] =	vst v63  }
0x10: {  	_ =	swait.ge [sflag:s28], $0x19A  }
0x11: {  	[sflag:s28] =	ssyncset.done $0x0  }
0x12: {  	s29 =	sadd.s32 $0xD44, s9;
	s30 =	simm.s32 $0x5280;
	[sflag:s28] =	ssyncadd.s32 $0xFFFFFE66  }
0x13: {  	[tilespmem:s30], [sflag:$0x2] =	stream.linear.gather [hbm4b:s29+s5], $0x19A, $0x38;
	[tilespmem:$0x5540] =	vst v63  }
0x14: {  	_ =	swait.ge [sflag:s28], $0x19A  }
0x15: {  	[sflag:s28] =	ssyncset.done $0x0  }
0x16: {  	s31 =	simm.s32 $0x1;
	[sflag:s28] =	ssyncadd.s32 $0xFFFFFE66  }
0x17: {  	_ =	swait.ge [sflag:s31], $0x1AEA  }
0x18: {  	[sflag:s31] =	ssyncset.done $0x0  }
0x19: {  	[sflag:s31] =	ssyncadd.s32 $0xFFFFE516  }
0x1a: {  	_ =	swait.ge [sflag:s31], $0x1AEA  }
0x1b: {  	v4 =	vlaneseq.u32;
	[sflag:s31] =	ssyncset.done $0x0  }
0x1c: {  	v1 =	vor.u32 $0x1950, v4;
	[sflag:s31] =	ssyncadd.s32 $0xFFFFE516  }
0x1d: {  	_ =	swait.ge [sflag:s31], $0x1AEA  }
0x1e: {  	[sflag:s31] =	ssyncset.done $0x0  }
0x1f: {  	[sflag:s31] =	ssyncadd.s32 $0xFFFFE516  }
0x20: {  	v2 =	vld [tilespmem:$0x50D0]  }
0x21: {  	v31 =	vor.u32 $0x19C0, v4;
	v11 =	vld.idx.msk [tilespmem:v1+s5+$0x0], $0xffff  }
0x22: {  	v12 =	vld.idx.msk [tilespmem:v1+s7+$0x0], $0xffff  }
0x23: {  	v42 =	vor.u32 $0x19E0, v4;
	v19 =	vld.idx.msk [tilespmem:v1+s25+$0x0], $0xffff  }
0x24: {  	v3 =	vld [tilespmem:$0x50E0]  }
0x25: {  	v1 =	vor.u32 $0x1960, v4;
	v7 =	vld [tilespmem:$0x5100]  }
0x26: {  	v52 =	vld.idx.msk [tilespmem:v31+s5+$0x0], $0xffff  }
0x27: {  	v53 =	vld.idx.msk [tilespmem:v31+s7+$0x0], $0xffff  }
0x28: {  	v0 =	vld.idx.msk [tilespmem:v42+s5+$0x0], $0xffff  }
0x29: {  	v47 =	vld.idx.msk [tilespmem:v31+s25+$0x0], $0xffff  }
0x2a: {  	v36 =	vld.idx.msk [tilespmem:v1+s5+$0x0], $0xffff  }
0x2b: {  	v37 =	vld.idx.msk [tilespmem:v1+s7+$0x0], $0xffff  }
0x2c: {  	v43 =	vld.idx.msk [tilespmem:v1+s25+$0x0], $0xffff  }
0x2d: {  	v1 =	vor.u32 $0x1970, v4;
	[tilespmem:$0x1FC10] =	vst v0;
	v0 =	vld.idx.msk [tilespmem:v42+s25+$0x0], $0xffff  }
0x2e: {  	v21 =	vld.idx.msk [tilespmem:v2+s5+$0x0], $0xffff  }
0x2f: {  	v22 =	vld.idx.msk [tilespmem:v2+s7+$0x0], $0xffff  }
0x30: {  	v31 =	vor.u32 $0x19F0, v4;
	v26 =	vld.idx.msk [tilespmem:v2+s25+$0x0], $0xffff  }
0x31: {  	v2 =	vld [tilespmem:$0x50F0]  }
0x32: {  	v6 =	vor.u32 $0x1980, v4;
	v10 =	vld.idx.msk [tilespmem:v1+s5+$0x0], $0xffff  }
0x33: {  	v16 =	vld.idx.msk [tilespmem:v1+s7+$0x0], $0xffff  }
0x34: {  	v18 =	vld.idx.msk [tilespmem:v1+s25+$0x0], $0xffff  }
0x35: {  	v1 =	vld.idx.msk [tilespmem:v31+s5+$0x0], $0xffff  }
0x36: {  	[tilespmem:$0x1FC20] =	vst v0;
	v0 =	vld [tilespmem:$0x5170]  }
0x37: {  	v27 =	vld.idx.msk [tilespmem:v6+s5+$0x0], $0xffff  }
0x38: {  	v25 =	vld.idx.msk [tilespmem:v6+s7+$0x0], $0xffff  }
0x39: {  	v29 =	vld.idx.msk [tilespmem:v6+s25+$0x0], $0xffff  }
0x3a: {  	[tilespmem:$0x1FC30] =	vst v1;
	v1 =	vld.idx.msk [tilespmem:v31+s7+$0x0], $0xffff  }
0x3b: {  	v14 =	vor.u32 $0x1990, v4;
	v5 =	vld.idx.msk [tilespmem:v2+s5+$0x0], $0xffff  }
0x3c: {  	v8 =	vld.idx.msk [tilespmem:v2+s7+$0x0], $0xffff  }
0x3d: {  	v13 =	vld.idx.msk [tilespmem:v2+s25+$0x0], $0xffff  }
0x3e: {  	v2 =	vld.idx.msk [tilespmem:v0+s5+$0x0], $0xffff  }
0x3f: {  	v15 =	vld [tilespmem:$0x5110]  }
0x40: {  	v33 =	vld.idx.msk [tilespmem:v14+s5+$0x0], $0xffff  }
0x41: {  	v38 =	vld.idx.msk [tilespmem:v14+s7+$0x0], $0xffff  }
0x42: {  	v56 =	vor.u32 $0x19A0, v4;
	[tilespmem:$0x1FC50] =	vst v1;
	v1 =	vld.idx.msk [tilespmem:v31+s25+$0x0], $0xffff  }
0x43: {  	[tilespmem:$0x1FC40] =	vst v2;
	v2 =	vld.idx.msk [tilespmem:v0+s7+$0x0], $0xffff  }
0x44: {  	v31 =	vor.u32 $0x1A00, v4;
	v0 =	vld.idx.msk [tilespmem:v0+s25+$0x0], $0xffff  }
0x45: {  	v39 =	vld.idx.msk [tilespmem:v14+s25+$0x0], $0xffff  }
0x46: {  	v23 =	vld [tilespmem:$0x5120]  }
0x47: {  	v28 =	vor.u32 $0x19B0, v4;
	v61 =	vld.idx.msk [tilespmem:v56+s5+$0x0], $0xffff  }
0x48: {  	v62 =	vld.idx.msk [tilespmem:v56+s7+$0x0], $0xffff  }
0x49: {  	[tilespmem:$0x1FC80] =	vst v0;
	v0 =	vld.idx.msk [tilespmem:v31+s5+$0x0], $0xffff  }
0x4a: {  	v55 =	vld.idx.msk [tilespmem:v56+s25+$0x0], $0xffff  }
0x4b: {  	v30 =	vld [tilespmem:$0x5130]  }
0x4c: {  	v58 =	vld.idx.msk [tilespmem:v28+s5+$0x0], $0xffff  }
0x4d: {  	[tilespmem:$0x1FC70] =	vst v1;
	v1 =	vld [tilespmem:$0x5180]  }
0x4e: {  	[tilespmem:$0x1FC90] =	vst v0;
	v0 =	vld.idx.msk [tilespmem:v31+s7+$0x0], $0xffff  }
0x4f: {  	v59 =	vld.idx.msk [tilespmem:v28+s7+$0x0], $0xffff  }
0x50: {  	v51 =	vld.idx.msk [tilespmem:v28+s25+$0x0], $0xffff  }
0x51: {  	v32 =	vld [tilespmem:$0x5140]  }
0x52: {  	v45 =	vld.idx.msk [tilespmem:v3+s5+$0x0], $0xffff  }
0x53: {  	[tilespmem:$0x1FCB0] =	vst v0;
	v0 =	vld.idx.msk [tilespmem:v31+s25+$0x0], $0xffff  }
0x54: {  	v46 =	vld.idx.msk [tilespmem:v3+s7+$0x0], $0xffff  }
0x55: {  	v9 =	vld.idx.msk [tilespmem:v3+s25+$0x0], $0xffff  }
0x56: {  	v57 =	vor.u32 $0x19D0, v4;
	v3 =	vld.idx.msk [tilespmem:v1+s5+$0x0], $0xffff  }
0x57: {  	v31 =	vld.idx.msk [tilespmem:v1+s7+$0x0], $0xffff  }
0x58: {  	v1 =	vld.idx.msk [tilespmem:v1+s25+$0x0], $0xffff;
	[tilespmem:$0x1FCC0] =	vst v0;
	v0 =	vor.u32 $0x1A10, v4  }
0x59: {  	[tilespmem:$0x1FC60] =	vst v2;
	v2 =	vld [tilespmem:$0x5190]  }
0x5a: {  	v34 =	vld [tilespmem:$0x5150]  }
0x5b: {  	v48 =	vld.idx.msk [tilespmem:v57+s5+$0x0], $0xffff  }
0x5c: {  	v49 =	vld.idx.msk [tilespmem:v57+s7+$0x0], $0xffff  }
0x5d: {  	[tilespmem:$0x1FCD0] =	vst v1;
	v1 =	vld.idx.msk [tilespmem:v0+s5+$0x0], $0xffff  }
0x5e: {  	v44 =	vld.idx.msk [tilespmem:v57+s25+$0x0], $0xffff  }
0x5f: {  	v35 =	vld [tilespmem:$0x5160]  }
0x60: {  	v6 =	vld.idx.msk [tilespmem:v7+s5+$0x0], $0xffff  }
0x61: {  	[tilespmem:$0x1FCA0] =	vst v3;
	v3 =	vld.idx.msk [tilespmem:v2+s5+$0x0], $0xffff  }
0x62: {  	[tilespmem:$0x1FCE0] =	vst v1;
	v1 =	vld.idx.msk [tilespmem:v0+s7+$0x0], $0xffff  }
0x63: {  	v0 =	vld.idx.msk [tilespmem:v0+s25+$0x0], $0xffff  }
0x64: {  	v17 =	vld.idx.msk [tilespmem:v7+s7+$0x0], $0xffff  }
0x65: {  	v7 =	vld.idx.msk [tilespmem:v7+s25+$0x0], $0xffff  }
0x66: {  	v20 =	vld.idx.msk [tilespmem:v15+s5+$0x0], $0xffff  }
0x67: {  	[tilespmem:$0x1FCF0] =	vst v3;
	v3 =	vld.idx.msk [tilespmem:v2+s7+$0x0], $0xffff  }
0x68: {  	v2 =	vld.idx.msk [tilespmem:v2+s25+$0x0], $0xffff;
	[tilespmem:$0x1FD20] =	vst v0;
	v0 =	vor.u32 $0x1A20, v4  }
0x69: {  	v24 =	vld.idx.msk [tilespmem:v15+s7+$0x0], $0xffff  }
0x6a: {  	v15 =	vld.idx.msk [tilespmem:v15+s25+$0x0], $0xffff  }
0x6b: {  	v14 =	vld.idx.msk [tilespmem:v23+s5+$0x0], $0xffff  }
0x6c: {  	v40 =	vld.idx.msk [tilespmem:v23+s7+$0x0], $0xffff  }
0x6d: {  	[tilespmem:$0x1FD30] =	vst v2;
	v2 =	vld.idx.msk [tilespmem:v0+s5+$0x0], $0xffff  }
0x6e: {  	v41 =	vld.idx.msk [tilespmem:v23+s25+$0x0], $0xffff  }
0x6f: {  	v28 =	vld.idx.msk [tilespmem:v30+s5+$0x0], $0xffff  }
0x70: {  	[tilespmem:$0x1FD00] =	vst v1;
	v1 =	vld [tilespmem:$0x51A0]  }
0x71: {  	v23 =	vld.idx.msk [tilespmem:v30+s7+$0x0], $0xffff  }
0x72: {  	[tilespmem:$0x1FD40] =	vst v2;
	v2 =	vld.idx.msk [tilespmem:v0+s7+$0x0], $0xffff  }
0x73: {  	v0 =	vld.idx.msk [tilespmem:v0+s25+$0x0], $0xffff  }
0x74: {  	v60 =	vld.idx.msk [tilespmem:v30+s25+$0x0], $0xffff  }
0x75: {  	v63 =	vld.idx.msk [tilespmem:v32+s5+$0x0], $0xffff  }
0x76: {  	v30 =	vld.idx.msk [tilespmem:v32+s7+$0x0], $0xffff  }
0x77: {  	v54 =	vld.idx.msk [tilespmem:v32+s25+$0x0], $0xffff  }
0x78: {  	[tilespmem:$0x1FD80] =	vst v0;
	v0 =	vld.idx.msk [tilespmem:v1+s5+$0x0], $0xffff  }
0x79: {  	v56 =	vld.idx.msk [tilespmem:v34+s5+$0x0], $0xffff  }
0x7a: {  	v57 =	vld.idx.msk [tilespmem:v34+s7+$0x0], $0xffff  }
0x7b: {  	v50 =	vld.idx.msk [tilespmem:v34+s25+$0x0], $0xffff  }
0x7c: {  	v34 =	vld.idx.msk [tilespmem:v42+s7+$0x0], $0xffff  }
0x7d: {  	[tilespmem:$0x1FD50] =	vst v0;
	v0 =	vld.idx.msk [tilespmem:v1+s7+$0x0], $0xffff  }
0x7e: {  	v32 =	vld.idx.msk [tilespmem:v35+s5+$0x0], $0xffff  }
0x7f: {  	v42 =	vld.idx.msk [tilespmem:v35+s7+$0x0], $0xffff  }
0x80: {  	v35 =	vld.idx.msk [tilespmem:v35+s25+$0x0], $0xffff;
	[tilespmem:$0x1FD60] =	vst v2;
	v2 =	vor.u32 $0x1A30, v4  }
0x81: {  	[tilespmem:$0x1FD10] =	vst v3;
	v3 =	vld [tilespmem:$0x51B0]  }
0x82: {  	[tilespmem:$0x1FD70] =	vst v0;
	v0 =	vld.idx.msk [tilespmem:v1+s25+$0x0], $0xffff  }
0x83: {  	v6 =	vadd.f32 v6, v27;
	v27 =	vld [tilespmem:$0x52B0]  }
0x84: {  	v33 =	vadd.f32 v20, v33;
	v20 =	vadd.f32 v14, v61;
	v61 =	vld [tilespmem:$0x1FC10]  }
0x85: {  	v1 =	vsub.f32 v12, v22;
	v22 =	vld.idx.msk [tilespmem:v2+s7+$0x0], $0xffff  }
0x86: {  	v37 =	vsub.f32 v37, v46;
	v46 =	vsub.f32 v16, v8;
	v8 =	vld [tilespmem:$0x51C0]  }
0x87: {  	[tilespmem:$0x1FD90] =	vst v0;
	v0 =	vadd.f32 v21, v11;
	v21 =	vld.idx.msk [tilespmem:v2+s5+$0x0], $0xffff  }
0x88: {  	v2 =	vld.idx.msk [tilespmem:v2+s25+$0x0], $0xffff  }
0x89: {  	v12 =	vld.idx.msk [tilespmem:v3+s25+$0x0], $0xffff;
	v1 =	vmul.f32 v1, v1;
	v0 =	vmul.f32 v0, v0  }
0x8a: {  	v28 =	vadd.f32 v28, v58;
	[tilespmem:$0x1FDB0] =	vst v22;
	v11 =	vld.idx.msk [tilespmem:v3+s5+$0x0], $0xffff;
	v22 =	vor.u32 $0x1A40, v4  }
0x8b: {  	v1 =	vadd.f32 v1, v0;
	v0 =	vld.idx.msk [tilespmem:v3+s7+$0x0], $0xffff  }
0x8c: {  	v19 =	vsub.f32 v19, v26;
	v3 =	vadd.f32 v5, v10;
	v10 =	vmul.f32 v28, v28;
	v28 =	vld [tilespmem:$0x1FC20]  }
0x8d: {  	[tilespmem:$0x1FDC0] =	vst v2;
	v2 =	vadd.f32 v45, v36;
	v36 =	vld [tilespmem:$0x5280]  }
0x8e: {  	v26 =	vmul.f32 v19, v19;
	v13 =	vsub.f32 v18, v13;
	v45 =	vmul.f32 v37, v37;
	v37 =	vld [tilespmem:$0x5290]  }
0x8f: {  	v5 =	vmul.f32 v46, v46;
	v46 =	vsub.f32 v29, v7;
	[tilespmem:$0x1FDA0] =	vst v21;
	v21 =	vld.idx.msk [tilespmem:v22+s5+$0x0], $0xffff  }
0x90: {  	v29 =	vor.u32 $0x1A50, v4;
	v3 =	vmul.f32 v3, v3;
	v1 =	vadd.f32 v26, v1;
	v26 =	vld.idx.msk [tilespmem:v22+s7+$0x0], $0xffff  }
0x91: {  	v9 =	vsub.f32 v43, v9;
	v22 =	vld.idx.msk [tilespmem:v22+s25+$0x0], $0xffff;
	v2 =	vmul.f32 v2, v2  }
0x92: {  	v43 =	vmul.f32 v13, v13;
	v3 =	vadd.f32 v5, v3;
	v5 =	vmul.f32 v46, v46;
	v46 =	vld.idx.msk [tilespmem:v8+s7+$0x0], $0xffff  }
0x93: {  	v2 =	vadd.f32 v45, v2;
	v45 =	vsub.f32 v25, v17;
	v25 =	vld [tilespmem:$0x52A0]  }
0x94: {  	v3 =	vadd.f32 v43, v3;
	v43 =	vld.idx.msk [tilespmem:v8+s5+$0x0], $0xffff  }
0x95: {  	v1 =	vmul.f32 v1, v36;
	v36 =	vsub.f32 v38, v24;
	v38 =	vmul.f32 v33, v33;
	v33 =	vld.idx.msk [tilespmem:v29+s25+$0x0], $0xffff  }
0x96: {  	v24 =	vsub.f32 v62, v40;
	v40 =	vsub.f32 v51, v60;
	v60 =	vld [tilespmem:$0x51E0]  }
0x97: {  	v62 =	vsub.f32 v34, v42;
	v34 =	vld [tilespmem:$0x1FC40]  }
0x98: {  	v42 =	vld [tilespmem:$0x1FC70]  }
0x99: {  	v9 =	vmul.f32 v9, v9;
	v51 =	vsub.f32 v53, v30;
	v53 =	vsub.f32 v47, v54;
	v47 =	vld [tilespmem:$0x1FC90]  }
0x9a: {  	v54 =	vadd.f32 v56, v48;
	v48 =	vld [tilespmem:$0x1FCA0]  }
0x9b: {  	v2 =	vadd.f32 v9, v2;
	v9 =	vmul.f32 v45, v45;
	v45 =	vld.idx.msk [tilespmem:v8+s25+$0x0], $0xffff  }
0x9c: {  	v7 =	vmul.f32 v24, v24;
	v24 =	vld [tilespmem:$0x5370]  }
0x9d: {  	v6 =	vmul.f32 v6, v6;
	v30 =	vmul.f32 v62, v62;
	v62 =	vld [tilespmem:$0x1FD30]  }
0x9e: {  	v2 =	vmul.f32 v2, v37;
	v37 =	vsub.f32 v39, v15;
	v39 =	vmul.f32 v36, v36;
	v36 =	vld.idx.msk [tilespmem:v29+s5+$0x0], $0xffff  }
0x9f: {  	v1 =	vadd.f32 $0.0e+00, v1;
	v6 =	vadd.f32 v9, v6;
	v9 =	vld [tilespmem:$0x52F0]  }
0xa0: {  	v15 =	vld [tilespmem:$0x5310]  }
0xa1: {  	v1 =	vadd.f32 v2, v1;
	v2 =	vmul.f32 v3, v25;
	v3 =	vld [tilespmem:$0x52C0]  }
0xa2: {  	v18 =	vmul.f32 v37, v37;
	v37 =	vld.idx.msk [tilespmem:v29+s7+$0x0], $0xffff  }
0xa3: {  	v25 =	vld [tilespmem:$0x52D0]  }
0xa4: {  	v17 =	vadd.f32 v39, v38;
	v38 =	vld [tilespmem:$0x5300]  }
0xa5: {  	v39 =	vld [tilespmem:$0x51D0]  }
0xa6: {  	v5 =	vadd.f32 v5, v6;
	v29 =	vsub.f32 v59, v23;
	v23 =	vld [tilespmem:$0x5350]  }
0xa7: {  	v22 =	vsub.f32 v22, v45;
	v45 =	vld [tilespmem:$0x5220];
	v1 =	vadd.f32 v2, v1  }
0xa8: {  	v2 =	vmul.f32 v5, v27;
	v19 =	vadd.f32 v18, v17;
	v27 =	vsub.f32 v55, v41;
	v18 =	vld [tilespmem:$0x5320]  }
0xa9: {  	v55 =	vsub.f32 v49, v57;
	v57 =	vsub.f32 v44, v50;
	v44 =	vld [tilespmem:$0x1FC80]  }
0xaa: {  	v13 =	vmul.f32 v29, v29;
	v49 =	vld [tilespmem:$0x1FCB0]  }
0xab: {  	v17 =	vmul.f32 v51, v51;
	v51 =	vld [tilespmem:$0x1FCC0]  }
0xac: {  	v41 =	vadd.f32 v63, v52;
	v52 =	vadd.f32 v13, v10;
	v10 =	vld [tilespmem:$0x5330]  }
0xad: {  	v8 =	vmul.f32 v54, v54;
	v59 =	vmul.f32 v57, v57;
	v57 =	vld [tilespmem:$0x1FCF0]  }
0xae: {  	v1 =	vadd.f32 v2, v1;
	v16 =	vmul.f32 v41, v41;
	v2 =	vmul.f32 v19, v3;
	v3 =	vld [tilespmem:$0x52E0]  }
0xaf: {  	v6 =	vmul.f32 v20, v20;
	v20 =	vmul.f32 v55, v55;
	v19 =	vld [tilespmem:$0x5340]  }
0xb0: {  	v56 =	vadd.f32 v17, v16;
	v16 =	vld [tilespmem:$0x5360]  }
0xb1: {  	v8 =	vadd.f32 v20, v8;
	v20 =	vadd.f32 v32, v61;
	v32 =	vld [tilespmem:$0x1FC30]  }
0xb2: {  	v17 =	vld.idx.msk [tilespmem:v60+s25+$0x0], $0xffff  }
0xb3: {  	v61 =	vld [tilespmem:$0x1FD20]  }
0xb4: {  	v1 =	vadd.f32 v2, v1;
	v2 =	vadd.f32 v7, v6;
	v7 =	vmul.f32 v40, v40;
	v40 =	vld [tilespmem:$0x51F0]  }
0xb5: {  	v31 =	vsub.f32 v49, v31;
	v49 =	vld [tilespmem:$0x1FD60]  }
0xb6: {  	v58 =	vor.u32 $0x1A60, v4;
	v5 =	vmul.f32 v27, v27;
	v27 =	vld.idx.msk [tilespmem:v39+s7+$0x0], $0xffff  }
0xb7: {  	v6 =	vld.idx.msk [tilespmem:v39+s25+$0x0], $0xffff  }
0xb8: {  	v29 =	vmul.f32 v20, v20;
	v20 =	vld [tilespmem:$0x5380]  }
0xb9: {  	v13 =	vmul.f32 v53, v53;
	v63 =	vadd.f32 v59, v8;
	v8 =	vsub.f32 v28, v35;
	v35 =	vld [tilespmem:$0x1FC50]  }
0xba: {  	v41 =	vor.u32 $0x1A70, v4;
	v59 =	vld [tilespmem:$0x1FD10];
	v2 =	vadd.f32 v5, v2  }
0xbb: {  	v5 =	vadd.f32 v7, v52;
	v7 =	vadd.f32 v13, v56;
	v13 =	vld.idx.msk [tilespmem:v58+s7+$0x0], $0xffff  }
0xbc: {  	v52 =	vld [tilespmem:$0x1FCD0]  }
0xbd: {  	v28 =	vsub.f32 v42, v44;
	v54 =	vmul.f32 v31, v31;
	v31 =	vld [tilespmem:$0x5390]  }
0xbe: {  	v56 =	vld [tilespmem:$0x1FCE0]  }
0xbf: {  	v50 =	vmul.f32 v28, v28;
	v28 =	vld.idx.msk [tilespmem:v41+s7+$0x0], $0xffff;
	v2 =	vmul.f32 v2, v25  }
0xc0: {  	v14 =	vadd.f32 v34, v32;
	v32 =	vld.idx.msk [tilespmem:v60+s7+$0x0], $0xffff  }
0xc1: {  	v1 =	vadd.f32 v2, v1;
	v2 =	vmul.f32 v5, v3;
	v3 =	vld.idx.msk [tilespmem:v39+s5+$0x0], $0xffff  }
0xc2: {  	v5 =	vld.idx.msk [tilespmem:v58+s25+$0x0], $0xffff  }
0xc3: {  	v1 =	vadd.f32 v2, v1;
	v2 =	vmul.f32 v7, v9;
	v7 =	vmul.f32 v63, v38;
	v38 =	vld [tilespmem:$0x1FC60]  }
0xc4: {  	v9 =	vadd.f32 v30, v29;
	v29 =	vld.idx.msk [tilespmem:v60+s5+$0x0], $0xffff  }
0xc5: {  	v63 =	vld [tilespmem:$0x5200]  }
0xc6: {  	v30 =	vadd.f32 v48, v47;
	v47 =	vld [tilespmem:$0x1FD40]  }
0xc7: {  	v48 =	vld [tilespmem:$0x1FD50]  }
0xc8: {  	v8 =	vmul.f32 v8, v8;
	v1 =	vadd.f32 v2, v1;
	v2 =	vld.idx.msk [tilespmem:v58+s5+$0x0], $0xffff  }
0xc9: {  	v58 =	vld [tilespmem:$0x1FD00]  }
0xca: {  	v39 =	vadd.f32 v8, v9;
	v9 =	vld.idx.msk [tilespmem:v41+s25+$0x0], $0xffff  }
0xcb: {  	v8 =	vld.idx.msk [tilespmem:v40+s25+$0x0], $0xffff  }
0xcc: {  	v53 =	vmul.f32 v30, v30;
	v30 =	vadd.f32 v57, v56;
	v56 =	vld [tilespmem:$0x5210]  }
0xcd: {  	v57 =	vor.u32 $0x1A90, v4;
	v1 =	vadd.f32 v7, v1;
	v7 =	vmul.f32 v39, v15;
	v39 =	vld [tilespmem:$0x53A0]  }
0xce: {  	v55 =	vadd.f32 v54, v53;
	v53 =	vld [tilespmem:$0x1FD90]  }
0xcf: {  	v54 =	vld [tilespmem:$0x1FDA0];
	v25 =	vsub.f32 v35, v38  }
0xd0: {  	v1 =	vadd.f32 v7, v1;
	v7 =	vld.idx.msk [tilespmem:v41+s5+$0x0], $0xffff  }
0xd1: {  	v14 =	vmul.f32 v14, v14;
	v25 =	vmul.f32 v25, v25;
	v34 =	vsub.f32 v58, v59;
	v58 =	vld [tilespmem:$0x1FDC0]  }
0xd2: {  	v38 =	vld.idx.msk [tilespmem:v57+s7+$0x0], $0xffff  }
0xd3: {  	v14 =	vadd.f32 v25, v14;
	v25 =	vsub.f32 v51, v52;
	v52 =	vld [tilespmem:$0x1FD80]  }
0xd4: {  	v11 =	vadd.f32 v11, v54;
	v54 =	vld.idx.msk [tilespmem:v45+s5+$0x0], $0xffff  }
0xd5: {  	v30 =	vmul.f32 v30, v30;
	v34 =	vmul.f32 v34, v34;
	v41 =	vld.idx.msk [tilespmem:v56+s5+$0x0], $0xffff  }
0xd6: {  	vm0 =	vcmask $0x300;
	v60 =	vor.u32 $0x1A80, v4;
	v14 =	vadd.f32 v50, v14;
	v50 =	vld [tilespmem:$0x1FD70]  }
0xd7: {  	vm7 =	vcmask $0x704;
	v42 =	vadd.f32 v34, v30;
	v34 =	vadd.f32 v48, v47;
	v47 =	vld.idx.msk [tilespmem:v56+s25+$0x0], $0xffff  }
0xd8: {  	vm8 =	vcmask $0xB08;
	v35 =	vsub.f32 v61, v62;
	v25 =	vmul.f32 v25, v25;
	v48 =	vld [tilespmem:$0x53C0]  }
0xd9: {  	vm9 =	vcmask $0xF0C;
	vm10 =	vcmask $0x1310;
	v14 =	vmul.f32 v14, v18;
	v18 =	vld.idx.msk [tilespmem:v40+s5+$0x0], $0xffff  }
0xda: {  	vm11 =	vcmask $0x1714;
	v44 =	vmul.f32 v35, v35;
	v15 =	vadd.f32 v25, v55;
	v55 =	vld [tilespmem:$0x1FDB0]  }
0xdb: {  	vm12 =	vcmask $0x1B18;
	vm13 =	vcmask $0x1F1C;
	v12 =	vsub.f32 v58, v12;
	v25 =	vld.idx.msk [tilespmem:v60+s25+$0x0], $0xffff  }
0xdc: {  	vm14 =	vcmask $0x2320;
	v6 =	vsub.f32 v33, v6;
	v51 =	vadd.f32 v44, v42;
	v42 =	vld.idx.msk [tilespmem:v63+s5+$0x0], $0xffff  }
0xdd: {  	v59 =	vadd.f32 v43, v21;
	v43 =	vor.u32 $0x1AA0, v4;
	v61 =	vmul.f32 v12, v12;
	v12 =	vld.idx.msk [tilespmem:v63+s25+$0x0], $0xffff  }
0xde: {  	v44 =	vsub.f32 v37, v27;
	v1 =	vadd.f32 v14, v1;
	v14 =	vld.idx.msk [tilespmem:v40+s7+$0x0], $0xffff;
	v10 =	vmul.f32 v15, v10  }
0xdf: {  	v11 =	vmul.f32 v11, v11;
	v30 =	vsub.f32 v52, v53;
	v15 =	vld.idx.msk [tilespmem:v60+s5+$0x0], $0xffff;
	v35 =	vsub.f32 v49, v50  }
0xe0: {  	v34 =	vmul.f32 v34, v34;
	v40 =	vld.idx.msk [tilespmem:v60+s7+$0x0], $0xffff;
	v60 =	vsub.f32 v26, v46;
	v1 =	vadd.f32 v10, v1  }
0xe1: {  	v52 =	vld [tilespmem:$0x5230];
	v10 =	vmul.f32 v51, v19;
	v35 =	vmul.f32 v35, v35;
	v0 =	vsub.f32 v55, v0  }
0xe2: {  	v37 =	vimm.s32 $0x1AE9;
	v26 =	vld.idx.msk [tilespmem:v63+s7+$0x0], $0xffff;
	v19 =	vmul.f32 v59, v59;
	v21 =	vmul.f32 v60, v60  }
0xe3: {  	v46 =	vld.idx.msk [tilespmem:v56+s7+$0x0], $0xffff;
	v30 =	vmul.f32 v30, v30;
	v34 =	vadd.f32 v35, v34;
	v0 =	vmul.f32 v0, v0  }
0xe4: {  	v53 =	vor.u32 $0x1AB0, v4;
	v49 =	vld.idx.msk [tilespmem:v43+s5+$0x0], $0xffff;
	v63 =	vadd.f32 v21, v19;
	v21 =	vsel vm0, $0x1AE0, v37  }
0xe5: {  	v50 =	vld.idx.msk [tilespmem:v43+s7+$0x0], $0xffff;
	v21 =	vsel vm7, $0x1AE1, v21;
	v30 =	vadd.f32 v30, v34;
	v0 =	vadd.f32 v0, v11  }
0xe6: {  	v3 =	vadd.f32 v3, v36;
	v51 =	vld.idx.msk [tilespmem:v43+s25+$0x0], $0xffff;
	v1 =	vadd.f32 v10, v1;
	v21 =	vsel vm8, $0x1AE2, v21  }
0xe7: {  	v43 =	vld [tilespmem:$0x5260];
	v62 =	vmul.f32 v30, v23;
	v0 =	vadd.f32 v61, v0;
	v30 =	vmul.f32 v22, v22  }
0xe8: {  	v13 =	vsub.f32 v13, v32;
	v3 =	vmul.f32 v3, v3;
	v55 =	vld.idx.msk [tilespmem:v45+s7+$0x0], $0xffff;
	v21 =	vsel vm9, $0x1AE3, v21  }
0xe9: {  	v10 =	vld.idx.msk [tilespmem:v57+s25+$0x0], $0xffff;
	v1 =	vadd.f32 v62, v1;
	v0 =	vmul.f32 v0, v16;
	v11 =	vadd.f32 v30, v63  }
0xea: {  	v59 =	vld.idx.msk [tilespmem:v53+s5+$0x0], $0xffff;
	v14 =	vsub.f32 v28, v14;
	v21 =	vsel vm10, $0x1AE4, v21;
	v22 =	vmul.f32 v44, v44  }
0xeb: {  	v28 =	vld.idx.msk [tilespmem:v53+s25+$0x0], $0xffff;
	v21 =	vsel vm11, $0x1AE5, v21;
	v0 =	vadd.f32 v0, v1;
	v1 =	vmul.f32 v11, v24  }
0xec: {  	v13 =	vmul.f32 v13, v13;
	v2 =	vadd.f32 v29, v2;
	v35 =	vld [tilespmem:$0x53E0];
	v21 =	vsel vm12, $0x1AE6, v21  }
0xed: {  	v34 =	vld [tilespmem:$0x53B0];
	v0 =	vadd.f32 v1, v0;
	v1 =	vadd.f32 v22, v3;
	v3 =	vmul.f32 v6, v6  }
0xee: {  	v2 =	vmul.f32 v2, v2;
	v7 =	vadd.f32 v18, v7;
	v29 =	vld.idx.msk [tilespmem:v52+s5+$0x0], $0xffff;
	v21 =	vsel vm13, $0x1AE7, v21  }
0xef: {  	v32 =	vld.idx.msk [tilespmem:v52+s7+$0x0], $0xffff;
	v44 =	vsel vm14, $0x1AE8, v21;
	v1 =	vadd.f32 v3, v1;
	v3 =	vsub.f32 v5, v17  }
0xf0: {  	v8 =	vsub.f32 v9, v8;
	v2 =	vadd.f32 v13, v2;
	v7 =	vmul.f32 v7, v7;
	v23 =	vld.idx.msk [tilespmem:v57+s5+$0x0], $0xffff  }
0xf1: {  	v60 =	vadd.f32 v42, v15;
	v56 =	vmul.f32 v14, v14;
	v57 =	vld.idx.msk [tilespmem:v45+s25+$0x0], $0xffff;
	v3 =	vmul.f32 v3, v3  }
0xf2: {  	v58 =	vmul.f32 v8, v8;
	v61 =	vsub.f32 v40, v26;
	v62 =	vld.idx.msk [tilespmem:v53+s7+$0x0], $0xffff;
	v6 =	vadd.f32 v54, v49  }
0xf3: {  	v54 =	vld.idx.msk [tilespmem:v43+s5+$0x0], $0xffff;
	v1 =	vmul.f32 v1, v20;
	v2 =	vadd.f32 v3, v2;
	v3 =	vadd.f32 v56, v7  }
0xf4: {  	v9 =	vmul.f32 v60, v60;
	v13 =	vsub.f32 v50, v55;
	v15 =	vmul.f32 v61, v61;
	v50 =	vld.idx.msk [tilespmem:v44+s5+$0x0], $0xffff  }
0xf5: {  	v0 =	vadd.f32 v1, v0;
	v1 =	vld [tilespmem:$0x53D0];
	v2 =	vmul.f32 v2, v31;
	v3 =	vadd.f32 v58, v3  }
0xf6: {  	v63 =	vsub.f32 v25, v12;
	v56 =	vld.idx.msk [tilespmem:v43+s7+$0x0], $0xffff;
	v31 =	vor.u32 $0x1AC0, v4  }
0xf7: {  	v9 =	vadd.f32 v15, v9;
	v0 =	vadd.f32 v2, v0;
	v2 =	vmul.f32 v3, v39;
	v3 =	vld [tilespmem:$0x5240]  }
0xf8: {  	v11 =	vsub.f32 v38, v46;
	v33 =	vadd.f32 v41, v23;
	v39 =	vld [tilespmem:$0x5250]  }
0xf9: {  	v7 =	vmul.f32 v63, v63;
	v4 =	vor.u32 $0x1AD0, v4;
	v0 =	vadd.f32 v2, v0;
	v2 =	vld.idx.msk [tilespmem:v52+s25+$0x0], $0xffff  }
0xfa: {  	v10 =	vsub.f32 v10, v47;
	v52 =	vld.idx.msk [tilespmem:v44+s7+$0x0], $0xffff  }
0xfb: {  	v11 =	vmul.f32 v11, v11;
	v7 =	vadd.f32 v7, v9;
	v9 =	vmul.f32 v33, v33;
	v36 =	vld.idx.msk [tilespmem:v31+s5+$0x0], $0xffff  }
0xfc: {  	v38 =	vld.idx.msk [tilespmem:v31+s7+$0x0], $0xffff  }
0xfd: {  	v10 =	vmul.f32 v10, v10;
	v9 =	vadd.f32 v11, v9;
	v25 =	vld.idx.msk [tilespmem:v31+s25+$0x0], $0xffff  }
0xfe: {  	v13 =	vmul.f32 v13, v13;
	v5 =	vsub.f32 v51, v57;
	v6 =	vmul.f32 v6, v6;
	v42 =	vld.idx.msk [tilespmem:v4+s5+$0x0], $0xffff  }
0xff: {  	v9 =	vadd.f32 v10, v9;
	v45 =	vld.idx.msk [tilespmem:v4+s7+$0x0], $0xffff  }
0x100: {  	v8 =	vadd.f32 v29, v59;
	v6 =	vadd.f32 v13, v6;
	v5 =	vmul.f32 v5, v5;
	v4 =	vld.idx.msk [tilespmem:v4+s25+$0x0], $0xffff  }
0x101: {  	v7 =	vmul.f32 v7, v34;
	v9 =	vmul.f32 v9, v48;
	v48 =	vsub.f32 v62, v32;
	v40 =	vld.idx.msk [tilespmem:v3+s5+$0x0], $0xffff  }
0x102: {  	v8 =	vmul.f32 v8, v8;
	v5 =	vadd.f32 v5, v6;
	v41 =	vld.idx.msk [tilespmem:v3+s7+$0x0], $0xffff  }
0x103: {  	v0 =	vadd.f32 v7, v0;
	v51 =	vmul.f32 v48, v48;
	v2 =	vsub.f32 v28, v2;
	v3 =	vld.idx.msk [tilespmem:v3+s25+$0x0], $0xffff  }
0x104: {  	v1 =	vmul.f32 v5, v1;
	v46 =	vld.idx.msk [tilespmem:v39+s5+$0x0], $0xffff  }
0x105: {  	v0 =	vadd.f32 v9, v0;
	v47 =	vld.idx.msk [tilespmem:v39+s7+$0x0], $0xffff;
	v55 =	vadd.f32 v51, v8;
	v2 =	vmul.f32 v2, v2  }
0x106: {  	v6 =	vadd.f32 v54, v50;
	v49 =	vld.idx.msk [tilespmem:v39+s25+$0x0], $0xffff  }
0x107: {  	v10 =	vld.idx.msk [tilespmem:v44+s25+$0x0], $0xffff;
	v0 =	vadd.f32 v1, v0;
	v1 =	vadd.f32 v2, v55  }
0x108: {  	v2 =	vld.idx.msk [tilespmem:v43+s25+$0x0], $0xffff;
	v53 =	vadd.f32 v40, v36;
	v11 =	vsub.f32 v38, v41  }
0x109: {  	v6 =	vmul.f32 v6, v6;
	v3 =	vsub.f32 v25, v3;
	v7 =	vadd.f32 v46, v42  }
0x10a: {  	v59 =	vsub.f32 v45, v47;
	v57 =	vmul.f32 v53, v53;
	v11 =	vmul.f32 v11, v11  }
0x10b: {  	v60 =	vld [tilespmem:$0x53F0];
	v8 =	vsub.f32 v52, v56;
	v4 =	vsub.f32 v4, v49;
	v3 =	vmul.f32 v3, v3  }
0x10c: {  	v7 =	vmul.f32 v7, v7;
	v9 =	vmul.f32 v59, v59;
	v58 =	vadd.f32 v11, v57  }
0x10d: {  	v61 =	vld [tilespmem:$0x5400];
	v8 =	vmul.f32 v8, v8;
	v1 =	vmul.f32 v1, v35;
	v2 =	vsub.f32 v10, v2  }
0x10e: {  	v63 =	vld [tilespmem:$0x5410];
	v4 =	vmul.f32 v4, v4;
	v62 =	vadd.f32 v9, v7;
	v3 =	vadd.f32 v3, v58  }
0x10f: {  	v6 =	vadd.f32 v8, v6;
	v2 =	vmul.f32 v2, v2  }
0x110: {  	v0 =	vadd.f32 v1, v0;
	v1 =	vmul.f32 v3, v60;
	v3 =	vadd.f32 v4, v62  }
0x111: {  	v2 =	vadd.f32 v2, v6  }
.Ltmp1:
0x112: {  	v0 =	vadd.f32 v1, v0;
	v1 =	vmul.f32 v3, v61;
	(pc) =	sbr.rel .LBB2_3-.Ltmp1, $4  }
0x113: {  	v2 =	vmul.f32 v2, v63  }
0x114: {  	vm15 =	vmmov $0x3ff;
	v0 =	vadd.f32 v1, v0  }
0x115: {  	v1 =	vnsel vm15, $0x0, v2  }
0x116: {  	v0 =	vadd.f32 v1, v0  }
.LBB2_1:
0x117: {  	s8 =	smul.u32 $0x1B0, s3  }
0x118: {  	[tilespmem:s5], [sflag:$0x1] =	stream.linear.gather [hbm4b:s9+s5], $0x1AEA, $0x38;
	[tilespmem:$0x5540] =	vst v63  }
0x119: {  	s10 =	sadd.s32 $0x35E, s9;
	s7 =	simm.s32 $0x1AF0;
	s6 =	sshrl.u32 s8, $0x3  }
0x11a: {  	[tilespmem:s7], [sflag:$0x1] =	stream.linear.gather [hbm4b:s10+s5], $0x1AEA, $0x38;
	[tilespmem:$0x5540] =	vst v63  }
0x11b: {  	s25 =	sadd.s32 $0x6BC, s9;
	s26 =	simm.s32 $0x35E0;
	s24 =	sadd.s32 s9, s6  }
0x11c: {  	[tilespmem:s26], [sflag:$0x1] =	stream.linear.gather [hbm4b:s25+s5], $0x1AEA, $0x38;
	[tilespmem:$0x5540] =	vst v63  }
0x11d: {  	s11 =	simm.s32 $0x50D0;
	s29 =	simm.s32 $0x2;
	s28 =	sadd.s32 $0xD78, s24  }
0x11e: {  	[tilespmem:s11], [sflag:$0x2] =	stream.linear.gather [hbm4b:s28+s5], $0x1B0, $0x38;
	[tilespmem:$0x5540] =	vst v63  }
0x11f: {  	_ =	swait.ge [sflag:s29], $0x1B0  }
0x120: {  	[sflag:s29] =	ssyncset.done $0x0  }
0x121: {  	s30 =	simm.s32 $0x5280;
	s10 =	sadd.s32 $0xA1A, s24;
	[sflag:s29] =	ssyncadd.s32 $0xFFFFFE50  }
0x122: {  	[tilespmem:s30], [sflag:$0x2] =	stream.linear.gather [hbm4b:s10+s5], $0x1B0, $0x38;
	[tilespmem:$0x5540] =	vst v63  }
0x123: {  	_ =	swait.ge [sflag:s29], $0x1B0  }
0x124: {  	[sflag:s29] =	ssyncset.done $0x0  }
0x125: {  	s31 =	simm.s32 $0x1;
	[sflag:s29] =	ssyncadd.s32 $0xFFFFFE50  }
0x126: {  	_ =	swait.ge [sflag:s31], $0x1AEA  }
0x127: {  	[sflag:s31] =	ssyncset.done $0x0  }
0x128: {  	v11 =	vlaneseq.u32;
	[sflag:s31] =	ssyncadd.s32 $0xFFFFE516  }
0x129: {  	v0 =	vor.u32 $0x10, v11;
	_ =	swait.ge [sflag:s31], $0x1AEA  }
0x12a: {  	v3 =	vadd.s32 s8, v0;
	[sflag:s31] =	ssyncset.done $0x0  }
0x12b: {  	v8 =	vand.u32 $0x7, v11;
	v3 =	vand.u32 $0x3FF8, v3;
	[sflag:s31] =	ssyncadd.s32 $0xFFFFE516  }
0x12c: {  	v5 =	vor.u32 v8, v3;
	_ =	swait.ge [sflag:s31], $0x1AEA  }
0x12d: {  	[sflag:s31] =	ssyncset.done $0x0  }
0x12e: {  	[sflag:s31] =	ssyncadd.s32 $0xFFFFE516  }
0x12f: {  	v4 =	vld [tilespmem:$0x50D0]  }
0x130: {  	v6 =	vld [tilespmem:$0x50E0]  }
0x131: {  	v34 =	vld.idx.msk [tilespmem:v5+s5+$0x0], $0xffff  }
0x132: {  	v24 =	vld.idx.msk [tilespmem:v5+s7+$0x0], $0xffff  }
0x133: {  	v26 =	vld.idx.msk [tilespmem:v5+s26+$0x0], $0xffff  }
0x134: {  	v9 =	vld [tilespmem:$0x50F0]  }
0x135: {  	v18 =	vld [tilespmem:$0x5100]  }
0x136: {  	v20 =	vld [tilespmem:$0x5110]  }
0x137: {  	v27 =	vld [tilespmem:$0x5120]  }
0x138: {  	v12 =	vld.idx.msk [tilespmem:v4+s5+$0x0], $0xffff  }
0x139: {  	v13 =	vld.idx.msk [tilespmem:v4+s7+$0x0], $0xffff  }
0x13a: {  	v15 =	vld.idx.msk [tilespmem:v4+s26+$0x0], $0xffff  }
0x13b: {  	v5 =	vld.idx.msk [tilespmem:v6+s7+$0x0], $0xffff  }
0x13c: {  	v7 =	vor.u32 $0x20, v11;
	v14 =	vld.idx.msk [tilespmem:v6+s26+$0x0], $0xffff  }
0x13d: {  	v10 =	vor.u32 $0x30, v11;
	v51 =	vadd.s32 s8, v7;
	v7 =	vld.idx.msk [tilespmem:v9+s7+$0x0], $0xffff  }
0x13e: {  	v17 =	vor.u32 $0x40, v11;
	v53 =	vadd.s32 s8, v10;
	v4 =	vand.u32 $0x3FF8, v51;
	v22 =	vld.idx.msk [tilespmem:v9+s26+$0x0], $0xffff  }
0x13f: {  	v55 =	vadd.s32 s8, v17;
	v52 =	vor.u32 v8, v4;
	v4 =	vld.idx.msk [tilespmem:v6+s5+$0x0], $0xffff;
	v6 =	vand.u32 $0x3FF8, v53  }
0x140: {  	v54 =	vor.u32 v8, v6;
	v6 =	vld.idx.msk [tilespmem:v9+s5+$0x0], $0xffff;
	v9 =	vand.u32 $0x3FF8, v55  }
0x141: {  	v10 =	vld.idx.msk [tilespmem:v18+s5+$0x0], $0xffff;
	v19 =	vor.u32 v8, v9  }
0x142: {  	v21 =	vor.u32 $0x50, v11;
	v40 =	vld.idx.msk [tilespmem:v18+s26+$0x0], $0xffff  }
0x143: {  	v56 =	vadd.s32 s8, v21;
	v42 =	vld.idx.msk [tilespmem:v20+s26+$0x0], $0xffff  }
0x144: {  	v9 =	vld.idx.msk [tilespmem:v18+s7+$0x0], $0xffff;
	v18 =	vand.u32 $0x3FF8, v56  }
0x145: {  	v57 =	vor.u32 v8, v18;
	v18 =	vld.idx.msk [tilespmem:v20+s5+$0x0], $0xffff  }
0x146: {  	v46 =	vld.idx.msk [tilespmem:v19+s5+$0x0], $0xffff  }
0x147: {  	v23 =	vor.u32 $0x60, v11;
	v45 =	vld.idx.msk [tilespmem:v19+s7+$0x0], $0xffff  }
0x148: {  	v58 =	vadd.s32 s8, v23;
	v47 =	vld.idx.msk [tilespmem:v19+s26+$0x0], $0xffff  }
0x149: {  	v19 =	vld.idx.msk [tilespmem:v20+s7+$0x0], $0xffff;
	v20 =	vand.u32 $0x3FF8, v58  }
0x14a: {  	v28 =	vor.u32 v8, v20  }
0x14b: {  	v36 =	vld [tilespmem:$0x5140]  }
0x14c: {  	v35 =	vor.u32 $0x70, v11;
	v21 =	vld.idx.msk [tilespmem:v27+s7+$0x0], $0xffff  }
0x14d: {  	v59 =	vadd.s32 s8, v35;
	v48 =	vld.idx.msk [tilespmem:v27+s26+$0x0], $0xffff  }
0x14e: {  	v20 =	vld.idx.msk [tilespmem:v27+s5+$0x0], $0xffff;
	v27 =	vand.u32 $0x3FF8, v59  }
0x14f: {  	v63 =	vor.u32 v8, v27;
	v0 =	vld.idx.msk [tilespmem:v28+s26+$0x0], $0xffff  }
0x150: {  	v31 =	vld [tilespmem:$0x5130];
	_ =	sdelay $0x3  }
0x151: {  	[tilespmem:$0x1FDD0] =	vst v0;
	v0 =	vld.idx.msk [tilespmem:v63+s5+$0x0], $0xffff;
	_ =	sdelay $0x1  }
0x152: {  	v62 =	vld.idx.msk [tilespmem:v36+s5+$0x0], $0xffff  }
0x153: {  	v43 =	vld.idx.msk [tilespmem:v54+s5+$0x0], $0xffff  }
0x154: {  	v59 =	vld.idx.msk [tilespmem:v31+s26+$0x0], $0xffff  }
0x155: {  	[tilespmem:$0x1FDE0] =	vst v0;
	v0 =	vld.idx.msk [tilespmem:v63+s26+$0x0], $0xffff  }
0x156: {  	v27 =	vld.idx.msk [tilespmem:v31+s7+$0x0], $0xffff  }
0x157: {  	v38 =	vor.u32 $0x80, v11;
	v61 =	vld.idx.msk [tilespmem:v28+s5+$0x0], $0xffff  }
0x158: {  	v39 =	vadd.s32 s8, v38;
	v49 =	vld.idx.msk [tilespmem:v28+s7+$0x0], $0xffff  }
0x159: {  	v28 =	vld.idx.msk [tilespmem:v31+s5+$0x0], $0xffff;
	v31 =	vand.u32 $0x3FF8, v39  }
0x15a: {  	v31 =	vor.u32 v8, v31;
	[tilespmem:$0x1FDF0] =	vst v0;
	v0 =	vld.idx.msk [tilespmem:v36+s26+$0x0], $0xffff  }
0x15b: {  	v17 =	vld.idx.msk [tilespmem:v54+s7+$0x0], $0xffff  }
0x15c: {  	v41 =	vor.u32 $0x90, v11;
	v37 =	vld.idx.msk [tilespmem:v54+s26+$0x0], $0xffff  }
0x15d: {  	v44 =	vadd.s32 s8, v41;
	v54 =	vld.idx.msk [tilespmem:v63+s7+$0x0], $0xffff  }
0x15e: {  	v63 =	vld.idx.msk [tilespmem:v36+s7+$0x0], $0xffff;
	v36 =	vand.u32 $0x3FF8, v44  }
0x15f: {  	v39 =	vor.u32 v8, v36;
	[tilespmem:$0x1FE00] =	vst v0;
	v0 =	vld.idx.msk [tilespmem:v31+s26+$0x0], $0xffff;
	_ =	sdelay $0x1  }
0x160: {  	v41 =	vld [tilespmem:$0x5160];
	_ =	sdelay $0x2  }
0x161: {  	[tilespmem:$0x1FE10] =	vst v0;
	v0 =	vld.idx.msk [tilespmem:v39+s26+$0x0], $0xffff  }
0x162: {  	v35 =	vld [tilespmem:$0x5150]  }
0x163: {  	v51 =	vor.u32 $0xA0, v11;
	v55 =	vld.idx.msk [tilespmem:v31+s5+$0x0], $0xffff  }
0x164: {  	v56 =	vld.idx.msk [tilespmem:v31+s7+$0x0], $0xffff;
	v31 =	vadd.s32 s8, v51  }
0x165: {  	v32 =	vld.idx.msk [tilespmem:v52+s5+$0x0], $0xffff;
	v31 =	vand.u32 $0x3FF8, v31  }
0x166: {  	v44 =	vor.u32 v8, v31;
	[tilespmem:$0x1FE20] =	vst v0;
	v0 =	vld.idx.msk [tilespmem:v41+s26+$0x0], $0xffff  }
0x167: {  	v25 =	vld.idx.msk [tilespmem:v52+s7+$0x0], $0xffff  }
0x168: {  	v29 =	vld.idx.msk [tilespmem:v52+s26+$0x0], $0xffff  }
0x169: {  	v53 =	vld.idx.msk [tilespmem:v57+s5+$0x0], $0xffff  }
0x16a: {  	v23 =	vld.idx.msk [tilespmem:v57+s7+$0x0], $0xffff  }
0x16b: {  	v2 =	vor.u32 s8, v11;
	[tilespmem:$0x1FE30] =	vst v0;
	v0 =	vld.idx.msk [tilespmem:v44+s5+$0x0], $0xffff  }
0x16c: {  	v50 =	vld.idx.msk [tilespmem:v57+s26+$0x0], $0xffff  }
0x16d: {  	v52 =	vor.u32 $0xB0, v11;
	v57 =	vld.idx.msk [tilespmem:v39+s5+$0x0], $0xffff  }
0x16e: {  	v58 =	vld.idx.msk [tilespmem:v39+s7+$0x0], $0xffff;
	v39 =	vadd.s32 s8, v52  }
0x16f: {  	v39 =	vand.u32 $0x3FF8, v39  }
0x170: {  	v33 =	vld.idx.msk [tilespmem:v2+s5+$0x0], $0xffff;
	[tilespmem:$0x1FE40] =	vst v0;
	v0 =	vor.u32 v8, v39  }
0x171: {  	v16 =	vld.idx.msk [tilespmem:v2+s7+$0x0], $0xffff  }
0x172: {  	v30 =	vld.idx.msk [tilespmem:v2+s26+$0x0], $0xffff  }
0x173: {  	v1 =	vld [tilespmem:$0x5170]  }
0x174: {  	v2 =	vld [tilespmem:$0x5180]  }
0x175: {  	v3 =	vld.idx.msk [tilespmem:v0+s5+$0x0], $0xffff  }
0x176: {  	v38 =	vld.idx.msk [tilespmem:v35+s5+$0x0], $0xffff  }
0x177: {  	v60 =	vld.idx.msk [tilespmem:v35+s26+$0x0], $0xffff  }
0x178: {  	v36 =	vld.idx.msk [tilespmem:v35+s7+$0x0], $0xffff  }
0x179: {  	v35 =	vld.idx.msk [tilespmem:v41+s5+$0x0], $0xffff  }
0x17a: {  	[tilespmem:$0x1FE50] =	vst v3;
	v3 =	vld.idx.msk [tilespmem:v0+s7+$0x0], $0xffff  }
0x17b: {  	v51 =	vld.idx.msk [tilespmem:v1+s5+$0x0], $0xffff  }
0x17c: {  	v31 =	vld.idx.msk [tilespmem:v41+s7+$0x0], $0xffff  }
0x17d: {  	v52 =	vld.idx.msk [tilespmem:v1+s7+$0x0], $0xffff  }
0x17e: {  	v41 =	vld.idx.msk [tilespmem:v44+s7+$0x0], $0xffff  }
0x17f: {  	[tilespmem:$0x1FE70] =	vst v3;
	v3 =	vld.idx.msk [tilespmem:v2+s5+$0x0], $0xffff  }
0x180: {  	v39 =	vld.idx.msk [tilespmem:v44+s26+$0x0], $0xffff  }
0x181: {  	v44 =	vld.idx.msk [tilespmem:v1+s26+$0x0], $0xffff;
	v1 =	vor.u32 $0xC0, v11  }
0x182: {  	v1 =	vadd.s32 s8, v1  }
0x183: {  	v1 =	vand.u32 $0x3FF8, v1  }
0x184: {  	v1 =	vor.u32 v8, v1;
	[tilespmem:$0x1FE60] =	vst v3;
	v3 =	vld.idx.msk [tilespmem:v2+s7+$0x0], $0xffff;
	_ =	sdelay $0x1  }
0x185: {  	v0 =	vld.idx.msk [tilespmem:v0+s26+$0x0], $0xffff;
	_ =	sdelay $0x2  }
0x186: {  	[tilespmem:$0x1FE80] =	vst v3;
	v3 =	vld.idx.msk [tilespmem:v1+s5+$0x0], $0xffff;
	_ =	sdelay $0x1  }
0x187: {  	[tilespmem:$0x1FE90] =	vst v0;
	v0 =	vld [tilespmem:$0x5190];
	_ =	sdelay $0x2  }
0x188: {  	[tilespmem:$0x1FEB0] =	vst v3;
	v3 =	vld.idx.msk [tilespmem:v1+s7+$0x0], $0xffff;
	_ =	sdelay $0x1  }
0x189: {  	v2 =	vld.idx.msk [tilespmem:v2+s26+$0x0], $0xffff;
	_ =	sdelay $0x2  }
0x18a: {  	[tilespmem:$0x1FED0] =	vst v3;
	v3 =	vld.idx.msk [tilespmem:v0+s5+$0x0], $0xffff;
	_ =	sdelay $0x1  }
0x18b: {  	[tilespmem:$0x1FEA0] =	vst v2;
	v2 =	vor.u32 $0xD0, v11  }
0x18c: {  	v2 =	vadd.s32 s8, v2  }
0x18d: {  	v2 =	vand.u32 $0x3FF8, v2  }
0x18e: {  	v2 =	vor.u32 v8, v2;
	[tilespmem:$0x1FEC0] =	vst v3;
	v3 =	vld.idx.msk [tilespmem:v0+s7+$0x0], $0xffff;
	_ =	sdelay $0x2  }
0x18f: {  	v1 =	vld.idx.msk [tilespmem:v1+s26+$0x0], $0xffff;
	_ =	sdelay $0x1  }
0x190: {  	[tilespmem:$0x1FEE0] =	vst v3;
	v3 =	vld.idx.msk [tilespmem:v2+s5+$0x0], $0xffff;
	_ =	sdelay $0x2  }
0x191: {  	[tilespmem:$0x1FEF0] =	vst v1;
	v1 =	vld [tilespmem:$0x51A0];
	_ =	sdelay $0x1  }
0x192: {  	[tilespmem:$0x1FF10] =	vst v3;
	v3 =	vld.idx.msk [tilespmem:v2+s7+$0x0], $0xffff  }
0x193: {  	v2 =	vld.idx.msk [tilespmem:v2+s26+$0x0], $0xffff;
	_ =	sdelay $0x1  }
0x194: {  	v0 =	vld.idx.msk [tilespmem:v0+s26+$0x0], $0xffff;
	_ =	sdelay $0x2  }
0x195: {  	[tilespmem:$0x1FF50] =	vst v2;
	v2 =	vld.idx.msk [tilespmem:v1+s5+$0x0], $0xffff;
	_ =	sdelay $0x1  }
0x196: {  	[tilespmem:$0x1FF00] =	vst v0;
	v0 =	vor.u32 $0xE0, v11  }
0x197: {  	v0 =	vadd.s32 s8, v0  }
0x198: {  	v0 =	vand.u32 $0x3FF8, v0  }
0x199: {  	v0 =	vor.u32 v8, v0;
	[tilespmem:$0x1FF20] =	vst v2;
	v2 =	vld.idx.msk [tilespmem:v1+s7+$0x0], $0xffff;
	_ =	sdelay $0x4  }
0x19a: {  	[tilespmem:$0x1FF40] =	vst v2;
	v2 =	vld.idx.msk [tilespmem:v0+s5+$0x0], $0xffff;
	_ =	sdelay $0x2  }
0x19b: {  	[tilespmem:$0x1FF30] =	vst v3;
	v3 =	vld [tilespmem:$0x51B0];
	_ =	sdelay $0x1  }
0x19c: {  	[tilespmem:$0x1FF70] =	vst v2;
	v2 =	vld.idx.msk [tilespmem:v0+s7+$0x0], $0xffff  }
0x19d: {  	v0 =	vld.idx.msk [tilespmem:v0+s26+$0x0], $0xffff;
	_ =	sdelay $0x2  }
0x19e: {  	v1 =	vld.idx.msk [tilespmem:v1+s26+$0x0], $0xffff;
	_ =	sdelay $0x1  }
0x19f: {  	[tilespmem:$0x1FFB0] =	vst v0;
	v0 =	vld.idx.msk [tilespmem:v3+s5+$0x0], $0xffff;
	_ =	sdelay $0x2  }
0x1a0: {  	[tilespmem:$0x1FF60] =	vst v1;
	v1 =	vor.u32 $0xF0, v11  }
0x1a1: {  	v1 =	vadd.s32 s8, v1  }
0x1a2: {  	v1 =	vand.u32 $0x3FF8, v1;
	[tilespmem:$0x1FF80] =	vst v0;
	v0 =	vld.idx.msk [tilespmem:v3+s7+$0x0], $0xffff  }
0x1a3: {  	v1 =	vor.u32 v8, v1;
	v3 =	vld.idx.msk [tilespmem:v3+s26+$0x0], $0xffff;
	_ =	sdelay $0x4  }
0x1a4: {  	[tilespmem:$0x1FFC0] =	vst v3;
	v3 =	vld.idx.msk [tilespmem:v1+s5+$0x0], $0xffff;
	_ =	sdelay $0x3  }
0x1a5: {  	[tilespmem:$0x1FFA0] =	vst v0;
	v0 =	vadd.f32 v12, v33;
	v12 =	vld [tilespmem:$0x51C0]  }
0x1a6: {  	[tilespmem:$0x1FFD0] =	vst v3;
	v3 =	vld.idx.msk [tilespmem:v1+s7+$0x0], $0xffff  }
0x1a7: {  	v1 =	vld.idx.msk [tilespmem:v1+s26+$0x0], $0xffff;
	_ =	sdelay $0x2  }
0x1a8: {  	v26 =	vsub.f32 v26, v14;
	[tilespmem:$0x1FF90] =	vst v2;
	v2 =	vsub.f32 v16, v13  }
0x1a9: {  	v14 =	vld [tilespmem:$0x5290];
	v6 =	vadd.f32 v6, v32;
	v43 =	vadd.f32 v10, v43  }
0x1aa: {  	v10 =	vld [tilespmem:$0x52A0];
	v2 =	vmul.f32 v2, v2;
	v0 =	vmul.f32 v0, v0;
	[tilespmem:$0x1FFF0] =	vst v1;
	v1 =	vor.u32 $0x100, v11  }
0x1ab: {  	v16 =	vsub.f32 v24, v5;
	v24 =	vld [tilespmem:$0x5280];
	[tilespmem:$0x1FFE0] =	vst v3;
	v3 =	vsub.f32 v30, v15;
	v1 =	vadd.s32 s8, v1  }
0x1ac: {  	v0 =	vadd.f32 v2, v0;
	v2 =	vadd.f32 v4, v34;
	v32 =	vld.idx.msk [tilespmem:v12+s5+$0x0], $0xffff;
	v1 =	vand.u32 $0x3FF8, v1  }
0x1ad: {  	v15 =	vld [tilespmem:$0x51D0];
	v3 =	vmul.f32 v3, v3;
	v1 =	vor.u32 v8, v1  }
0x1ae: {  	v9 =	vsub.f32 v17, v9;
	v4 =	vmul.f32 v16, v16;
	v2 =	vmul.f32 v2, v2;
	v34 =	vld.idx.msk [tilespmem:v12+s7+$0x0], $0xffff  }
0x1af: {  	v7 =	vsub.f32 v25, v7;
	v33 =	vld.idx.msk [tilespmem:v12+s26+$0x0], $0xffff;
	v0 =	vadd.f32 v3, v0  }
0x1b0: {  	v2 =	vadd.f32 v4, v2;
	v12 =	vmul.f32 v9, v9;
	v9 =	vld [tilespmem:$0x51E0];
	v30 =	vsub.f32 v29, v22  }
0x1b1: {  	v3 =	vmul.f32 v26, v26;
	v0 =	vmul.f32 v0, v24;
	v24 =	vsub.f32 v45, v19;
	v19 =	vld [tilespmem:$0x52C0]  }
0x1b2: {  	v6 =	vmul.f32 v6, v6;
	v25 =	vld.idx.msk [tilespmem:v1+s5+$0x0], $0xffff  }
0x1b3: {  	v7 =	vmul.f32 v7, v7;
	v4 =	vmul.f32 v30, v30;
	v2 =	vadd.f32 v3, v2;
	v30 =	vld.idx.msk [tilespmem:v1+s7+$0x0], $0xffff  }
0x1b4: {  	v13 =	vor.u32 $0x110, v11;
	v26 =	vld.idx.msk [tilespmem:v1+s26+$0x0], $0xffff  }
0x1b5: {  	v3 =	vadd.f32 v7, v6;
	v2 =	vmul.f32 v2, v14;
	v14 =	vsub.f32 v37, v40;
	v40 =	vld.idx.msk [tilespmem:v15+s5+$0x0], $0xffff  }
0x1b6: {  	v5 =	vmul.f32 v43, v43;
	v22 =	vadd.f32 v18, v46;
	v7 =	vadd.s32 s8, v13;
	v43 =	vld.idx.msk [tilespmem:v15+s7+$0x0], $0xffff  }
0x1b7: {  	v18 =	vor.u32 $0x120, v11;
	v16 =	vand.u32 $0x3FF8, v7;
	v1 =	vadd.f32 v4, v3;
	v45 =	vld.idx.msk [tilespmem:v15+s26+$0x0], $0xffff  }
0x1b8: {  	v4 =	vor.u32 v8, v16;
	v37 =	vmul.f32 v24, v24;
	v24 =	vadd.f32 v28, v61;
	v61 =	vld.idx.msk [tilespmem:v9+s7+$0x0], $0xffff  }
0x1b9: {  	v0 =	vadd.f32 $0.0e+00, v0;
	v16 =	vadd.f32 v20, v53;
	v20 =	vadd.s32 s8, v18;
	v18 =	vld [tilespmem:$0x5320]  }
0x1ba: {  	v3 =	vadd.f32 v12, v5;
	v6 =	vand.u32 $0x3FF8, v20;
	v20 =	vld [tilespmem:$0x5350];
	v17 =	vmul.f32 v14, v14  }
0x1bb: {  	v0 =	vadd.f32 v2, v0;
	v7 =	vmul.f32 v24, v24;
	v24 =	vld [tilespmem:$0x1FE00]  }
0x1bc: {  	v2 =	vadd.f32 v17, v3;
	v3 =	vsub.f32 v47, v42;
	v42 =	vld [tilespmem:$0x52B0]  }
0x1bd: {  	v17 =	vsub.f32 v23, v21;
	v23 =	vld [tilespmem:$0x52D0]  }
0x1be: {  	v47 =	vld [tilespmem:$0x52E0]  }
0x1bf: {  	v1 =	vmul.f32 v1, v10;
	v6 =	vor.u32 v8, v6;
	v46 =	vld.idx.msk [tilespmem:v4+s5+$0x0], $0xffff  }
0x1c0: {  	v53 =	vld.idx.msk [tilespmem:v4+s7+$0x0], $0xffff  }
0x1c1: {  	v21 =	vadd.f32 v1, v0;
	v0 =	vsub.f32 v50, v48;
	v1 =	vld.idx.msk [tilespmem:v4+s26+$0x0], $0xffff  }
0x1c2: {  	v29 =	vmul.f32 v22, v22;
	v10 =	vmul.f32 v16, v16;
	v4 =	vld.idx.msk [tilespmem:v9+s26+$0x0], $0xffff  }
0x1c3: {  	v27 =	vsub.f32 v49, v27;
	v12 =	vmul.f32 v17, v17;
	v28 =	vmul.f32 v0, v0;
	v0 =	vld.idx.msk [tilespmem:v9+s5+$0x0], $0xffff  }
0x1c4: {  	v5 =	vadd.f32 v37, v29;
	v48 =	vld.idx.msk [tilespmem:v6+s7+$0x0], $0xffff  }
0x1c5: {  	v3 =	vmul.f32 v3, v3;
	v22 =	vadd.f32 v12, v10;
	v10 =	vmul.f32 v27, v27;
	v27 =	vld [tilespmem:$0x1FE10]  }
0x1c6: {  	v2 =	vmul.f32 v2, v42;
	v42 =	vsub.f32 v54, v63;
	v54 =	vld [tilespmem:$0x52F0]  }
0x1c7: {  	v3 =	vadd.f32 v3, v5;
	v63 =	vld [tilespmem:$0x5300]  }
0x1c8: {  	v7 =	vadd.f32 v10, v7;
	v10 =	vld [tilespmem:$0x5310]  }
0x1c9: {  	v3 =	vmul.f32 v3, v19;
	v19 =	vld [tilespmem:$0x5340]  }
0x1ca: {  	v13 =	vadd.f32 v2, v21;
	v2 =	vld [tilespmem:$0x1FDD0]  }
0x1cb: {  	v12 =	vadd.f32 v28, v22;
	v21 =	vld [tilespmem:$0x5330]  }
0x1cc: {  	v50 =	vmul.f32 v42, v42;
	v42 =	vld [tilespmem:$0x1FE20]  }
0x1cd: {  	v5 =	vmul.f32 v12, v23;
	v23 =	vld [tilespmem:$0x1FDF0]  }
0x1ce: {  	v13 =	vadd.f32 v3, v13;
	v3 =	vld [tilespmem:$0x1FDE0]  }
0x1cf: {  	v29 =	vsub.f32 v2, v59;
	v2 =	vld.idx.msk [tilespmem:v6+s5+$0x0], $0xffff  }
0x1d0: {  	v59 =	vadd.f32 v38, v55;
	v55 =	vsub.f32 v41, v52;
	v41 =	vld [tilespmem:$0x1FE50]  }
0x1d1: {  	v52 =	vld [tilespmem:$0x1FEA0]  }
0x1d2: {  	v16 =	vsub.f32 v23, v24;
	v23 =	vld [tilespmem:$0x5370]  }
0x1d3: {  	v28 =	vadd.f32 v35, v57;
	v37 =	vadd.f32 v62, v3;
	v3 =	vld.idx.msk [tilespmem:v6+s26+$0x0], $0xffff  }
0x1d4: {  	v17 =	vsub.f32 v27, v60;
	v9 =	vmul.f32 v29, v29;
	v62 =	vsub.f32 v56, v36;
	v36 =	vld [tilespmem:$0x51F0]  }
0x1d5: {  	v5 =	vadd.f32 v5, v13;
	v56 =	vor.u32 $0x130, v11;
	v22 =	vmul.f32 v55, v55;
	v55 =	vld [tilespmem:$0x1FEC0]  }
0x1d6: {  	v29 =	vsub.f32 v58, v31;
	v58 =	vadd.s32 s8, v56;
	v56 =	vld [tilespmem:$0x1FED0];
	v7 =	vadd.f32 v9, v7  }
0x1d7: {  	v13 =	vmul.f32 v59, v59;
	v49 =	vmul.f32 v37, v37;
	v27 =	vand.u32 $0x3FF8, v58;
	v58 =	vld [tilespmem:$0x1FEF0]  }
0x1d8: {  	v57 =	vsub.f32 v39, v44;
	v14 =	vmul.f32 v62, v62;
	v6 =	vmul.f32 v7, v47;
	v47 =	vld [tilespmem:$0x1FE30]  }
0x1d9: {  	v37 =	vmul.f32 v28, v28;
	v38 =	vmul.f32 v29, v29;
	v9 =	vadd.f32 v50, v49;
	v50 =	vld [tilespmem:$0x1FE40]  }
0x1da: {  	v35 =	vmul.f32 v17, v17;
	v31 =	vadd.f32 v14, v13;
	v7 =	vld [tilespmem:$0x5380]  }
0x1db: {  	v16 =	vmul.f32 v16, v16;
	v49 =	vadd.f32 v38, v37;
	v38 =	vmul.f32 v57, v57;
	v57 =	vld [tilespmem:$0x1FEE0]  }
0x1dc: {  	v37 =	vld [tilespmem:$0x5210];
	v13 =	vadd.f32 v35, v31  }
0x1dd: {  	v62 =	vor.u32 v8, v27;
	v9 =	vadd.f32 v16, v9;
	v16 =	vld [tilespmem:$0x5360]  }
0x1de: {  	v60 =	vmul.f32 v13, v63;
	v63 =	vld [tilespmem:$0x5200]  }
0x1df: {  	v24 =	vld.idx.msk [tilespmem:v36+s5+$0x0], $0xffff  }
0x1e0: {  	v27 =	vld.idx.msk [tilespmem:v36+s7+$0x0], $0xffff  }
0x1e1: {  	v14 =	vld.idx.msk [tilespmem:v36+s26+$0x0], $0xffff  }
0x1e2: {  	v29 =	vld.idx.msk [tilespmem:v62+s7+$0x0], $0xffff  }
0x1e3: {  	v13 =	vld.idx.msk [tilespmem:v62+s26+$0x0], $0xffff  }
0x1e4: {  	v6 =	vadd.f32 v6, v5;
	v5 =	vsub.f32 v42, v47;
	v42 =	vld [tilespmem:$0x1FE60]  }
0x1e5: {  	v47 =	vld [tilespmem:$0x1FE70]  }
0x1e6: {  	v44 =	vor.u32 $0x140, v11;
	v9 =	vmul.f32 v9, v54;
	v54 =	vadd.f32 v51, v50;
	v51 =	vld [tilespmem:$0x1FE90]  }
0x1e7: {  	v50 =	vadd.s32 s8, v44;
	v44 =	vld [tilespmem:$0x1FF30]  }
0x1e8: {  	v35 =	vsub.f32 v56, v57;
	v57 =	vld [tilespmem:$0x1FF70]  }
0x1e9: {  	v6 =	vadd.f32 v9, v6;
	v59 =	vmul.f32 v5, v5;
	v5 =	vld [tilespmem:$0x5390]  }
0x1ea: {  	v17 =	vmul.f32 v54, v54;
	v54 =	vld [tilespmem:$0x1FEB0]  }
0x1eb: {  	v9 =	vadd.f32 v60, v6;
	v6 =	vld [tilespmem:$0x53A0]  }
0x1ec: {  	v12 =	vadd.f32 v59, v49;
	v49 =	vld [tilespmem:$0x1FE80]  }
0x1ed: {  	v17 =	vadd.f32 v22, v17;
	v59 =	vld [tilespmem:$0x1FF00]  }
0x1ee: {  	v22 =	vsub.f32 v51, v52;
	v51 =	vld [tilespmem:$0x1FF60]  }
0x1ef: {  	v39 =	vadd.f32 v38, v17;
	v17 =	vadd.f32 v42, v41;
	v41 =	vld [tilespmem:$0x1FF20]  }
0x1f0: {  	v15 =	vld.idx.msk [tilespmem:v63+s26+$0x0], $0xffff  }
0x1f1: {  	v10 =	vmul.f32 v12, v10;
	v12 =	vmul.f32 v39, v18;
	v18 =	vld.idx.msk [tilespmem:v62+s5+$0x0], $0xffff  }
0x1f2: {  	v39 =	vld [tilespmem:$0x53B0]  }
0x1f3: {  	v9 =	vadd.f32 v10, v9;
	v10 =	vand.u32 $0x3FF8, v50;
	v50 =	vld [tilespmem:$0x1FF50]  }
0x1f4: {  	v28 =	vsub.f32 v47, v49;
	v47 =	vld [tilespmem:$0x1FF40]  }
0x1f5: {  	v36 =	vsub.f32 v58, v59;
	v58 =	vld [tilespmem:$0x1FF80]  }
0x1f6: {  	v42 =	vor.u32 $0x150, v11;
	v59 =	vld [tilespmem:$0x1FF90]  }
0x1f7: {  	v17 =	vmul.f32 v17, v17;
	v49 =	vadd.s32 s8, v42;
	v42 =	vld.idx.msk [tilespmem:v37+s5+$0x0], $0xffff  }
0x1f8: {  	v10 =	vor.u32 v8, v10;
	v9 =	vadd.f32 v12, v9;
	v12 =	vld.idx.msk [tilespmem:v63+s7+$0x0], $0xffff;
	v28 =	vmul.f32 v28, v28  }
0x1f9: {  	v31 =	vadd.f32 v55, v54;
	v54 =	vand.u32 $0x3FF8, v49;
	v49 =	vld [tilespmem:$0x1FFC0]  }
0x1fa: {  	v17 =	vadd.f32 v28, v17;
	v28 =	vld.idx.msk [tilespmem:v63+s5+$0x0], $0xffff  }
0x1fb: {  	v35 =	vmul.f32 v35, v35;
	v31 =	vmul.f32 v31, v31;
	v63 =	vld [tilespmem:$0x1FF10]  }
0x1fc: {  	v62 =	vmul.f32 v36, v36;
	v36 =	vsub.f32 v50, v51;
	v50 =	vld [tilespmem:$0x1FFD0]  }
0x1fd: {  	v22 =	vmul.f32 v22, v22;
	v60 =	vadd.f32 v35, v31;
	v31 =	vld.idx.msk [tilespmem:v10+s5+$0x0], $0xffff  }
0x1fe: {  	v38 =	vsub.f32 v44, v47;
	v47 =	vld [tilespmem:$0x53C0]  }
0x1ff: {  	v17 =	vadd.f32 v22, v17;
	v22 =	vadd.f32 v62, v60;
	v60 =	vld [tilespmem:$0x1FFA0]  }
0x200: {  	v56 =	vmul.f32 v36, v36;
	v36 =	vadd.f32 v58, v57;
	v57 =	vld [tilespmem:$0x5230]  }
0x201: {  	v17 =	vmul.f32 v17, v21;
	v21 =	vld.idx.msk [tilespmem:v37+s7+$0x0], $0xffff  }
0x202: {  	v37 =	vld.idx.msk [tilespmem:v37+s26+$0x0], $0xffff  }
0x203: {  	v52 =	vmul.f32 v22, v19;
	v19 =	vor.u32 v8, v54;
	v54 =	vld [tilespmem:$0x1FFF0]  }
0x204: {  	v35 =	vadd.f32 v41, v63;
	v41 =	vld.idx.msk [tilespmem:v10+s7+$0x0], $0xffff  }
0x205: {  	v63 =	vld [tilespmem:$0x1FFB0];
	v9 =	vadd.f32 v17, v9  }
0x206: {  	v38 =	vmul.f32 v38, v38;
	v10 =	vld.idx.msk [tilespmem:v10+s26+$0x0], $0xffff;
	v35 =	vmul.f32 v35, v35  }
0x207: {  	v25 =	vadd.f32 v40, v25;
	v9 =	vadd.f32 v52, v9;
	v52 =	vld [tilespmem:$0x1FFE0]  }
0x208: {  	v30 =	vsub.f32 v30, v43;
	v55 =	vadd.f32 v38, v35;
	v35 =	vld [tilespmem:$0x5220]  }
0x209: {  	v0 =	vadd.f32 v0, v46;
	v33 =	vsub.f32 v54, v33;
	v54 =	vld [tilespmem:$0x5250]  }
0x20a: {  	v26 =	vsub.f32 v26, v45;
	v25 =	vmul.f32 v25, v25;
	v22 =	vsub.f32 v63, v49;
	v49 =	vld.idx.msk [tilespmem:v19+s7+$0x0], $0xffff  }
0x20b: {  	v30 =	vmul.f32 v30, v30;
	v0 =	vmul.f32 v0, v0;
	v38 =	vsub.f32 v59, v60;
	v63 =	vld [tilespmem:$0x5240]  }
0x20c: {  	v36 =	vmul.f32 v36, v36;
	v32 =	vadd.f32 v32, v50;
	v40 =	vld.idx.msk [tilespmem:v57+s5+$0x0], $0xffff;
	v62 =	vadd.f32 v56, v55  }
0x20d: {  	v60 =	vsub.f32 v53, v61;
	v43 =	vld.idx.msk [tilespmem:v57+s7+$0x0], $0xffff;
	v38 =	vmul.f32 v38, v38;
	v34 =	vsub.f32 v52, v34  }
0x20e: {  	v1 =	vsub.f32 v1, v4;
	v32 =	vmul.f32 v32, v32;
	v45 =	vld.idx.msk [tilespmem:v57+s26+$0x0], $0xffff;
	v17 =	vmul.f32 v62, v20  }
0x20f: {  	v36 =	vadd.f32 v38, v36;
	v38 =	vld.idx.msk [tilespmem:v19+s5+$0x0], $0xffff;
	v62 =	vmul.f32 v60, v60;
	v34 =	vmul.f32 v34, v34  }
0x210: {  	v26 =	vmul.f32 v26, v26;
	v1 =	vmul.f32 v1, v1;
	v19 =	vld.idx.msk [tilespmem:v19+s26+$0x0], $0xffff  }
0x211: {  	v51 =	vor.u32 $0x160, v11;
	v0 =	vadd.f32 v62, v0;
	v32 =	vadd.f32 v34, v32;
	v34 =	vld.idx.msk [tilespmem:v35+s5+$0x0], $0xffff  }
0x212: {  	v25 =	vadd.f32 v30, v25;
	v44 =	vadd.s32 s8, v51;
	v22 =	vmul.f32 v22, v22;
	v20 =	vld.idx.msk [tilespmem:v35+s7+$0x0], $0xffff  }
0x213: {  	v2 =	vadd.f32 v24, v2;
	v56 =	vand.u32 $0x3FF8, v44;
	v0 =	vadd.f32 v1, v0;
	v1 =	vld [tilespmem:$0x53E0]  }
0x214: {  	v46 =	vor.u32 $0x180, v11;
	v55 =	vadd.f32 v22, v36;
	v22 =	vor.u32 v8, v56;
	v53 =	vld.idx.msk [tilespmem:v63+s5+$0x0], $0xffff  }
0x215: {  	v3 =	vsub.f32 v3, v14;
	v2 =	vmul.f32 v2, v2;
	v51 =	vsub.f32 v13, v15;
	v56 =	vld.idx.msk [tilespmem:v63+s7+$0x0], $0xffff  }
0x216: {  	v33 =	vmul.f32 v33, v33;
	v9 =	vadd.f32 v17, v9;
	v16 =	vmul.f32 v55, v16;
	v57 =	vld.idx.msk [tilespmem:v63+s26+$0x0], $0xffff  }
0x217: {  	v12 =	vsub.f32 v29, v12;
	v18 =	vadd.f32 v28, v18;
	v59 =	vor.u32 $0x170, v11;
	v63 =	vld [tilespmem:$0x5260]  }
0x218: {  	v58 =	vadd.f32 v33, v32;
	v32 =	vld.idx.msk [tilespmem:v35+s26+$0x0], $0xffff;
	v9 =	vadd.f32 v16, v9;
	v16 =	vadd.s32 s8, v59  }
0x219: {  	v12 =	vmul.f32 v12, v12;
	v33 =	vsub.f32 v48, v27;
	v30 =	vld.idx.msk [tilespmem:v22+s5+$0x0], $0xffff;
	v16 =	vand.u32 $0x3FF8, v16  }
0x21a: {  	v61 =	vadd.f32 v26, v25;
	v52 =	vmul.f32 v18, v18;
	v35 =	vld.idx.msk [tilespmem:v22+s7+$0x0], $0xffff;
	v16 =	vor.u32 v8, v16  }
0x21b: {  	v10 =	vsub.f32 v10, v37;
	v22 =	vld.idx.msk [tilespmem:v22+s26+$0x0], $0xffff;
	v17 =	vmul.f32 v58, v23;
	v44 =	vmul.f32 v33, v33  }
0x21c: {  	v3 =	vmul.f32 v3, v3;
	v55 =	vadd.f32 v12, v52;
	v59 =	vsub.f32 v41, v21;
	v23 =	vld [tilespmem:$0x53D0]  }
0x21d: {  	v7 =	vmul.f32 v61, v7;
	v33 =	vld.idx.msk [tilespmem:v54+s5+$0x0], $0xffff;
	v9 =	vadd.f32 v17, v9;
	v2 =	vadd.f32 v44, v2  }
0x21e: {  	v10 =	vmul.f32 v10, v10;
	v58 =	vadd.f32 v42, v31;
	v62 =	vadd.f32 v34, v38;
	v34 =	vld.idx.msk [tilespmem:v54+s7+$0x0], $0xffff  }
0x21f: {  	v0 =	vmul.f32 v0, v5;
	v7 =	vadd.f32 v7, v9;
	v2 =	vadd.f32 v3, v2;
	v14 =	vld.idx.msk [tilespmem:v16+s5+$0x0], $0xffff  }
0x220: {  	v18 =	vmul.f32 v59, v59;
	v20 =	vsub.f32 v49, v20;
	v9 =	vadd.s32 s8, v46;
	v48 =	vld.idx.msk [tilespmem:v16+s7+$0x0], $0xffff  }
0x221: {  	v9 =	vand.u32 $0x3FF8, v9;
	v50 =	vld.idx.msk [tilespmem:v16+s26+$0x0], $0xffff;
	v0 =	vadd.f32 v0, v7;
	v2 =	vmul.f32 v2, v6  }
0x222: {  	v19 =	vsub.f32 v19, v32;
	v44 =	vld.idx.msk [tilespmem:v63+s5+$0x0], $0xffff;
	v3 =	vor.u32 v8, v9;
	v9 =	vmul.f32 v51, v51  }
0x223: {  	v16 =	vmul.f32 v58, v58;
	v46 =	vld.idx.msk [tilespmem:v63+s7+$0x0], $0xffff;
	v0 =	vadd.f32 v2, v0;
	v2 =	vor.u32 $0x190, v11  }
0x224: {  	v27 =	vmul.f32 v62, v62;
	v7 =	vld.idx.msk [tilespmem:v54+s26+$0x0], $0xffff;
	v6 =	vadd.f32 v9, v55;
	v2 =	vadd.s32 s8, v2  }
0x225: {  	v20 =	vmul.f32 v20, v20;
	v16 =	vadd.f32 v18, v16;
	v9 =	vld [tilespmem:$0x53F0];
	v2 =	vand.u32 $0x3FF8, v2  }
0x226: {  	v11 =	vor.u32 $0x1A0, v11;
	v6 =	vmul.f32 v6, v39;
	v39 =	vld [tilespmem:$0x5270];
	v2 =	vor.u32 v8, v2  }
0x227: {  	v26 =	vadd.f32 v40, v30;
	v4 =	vsub.f32 v35, v43;
	v11 =	vadd.s32 s8, v11;
	v60 =	vld.idx.msk [tilespmem:v3+s5+$0x0], $0xffff  }
0x228: {  	v17 =	vsub.f32 v22, v45;
	v10 =	vadd.f32 v10, v16;
	v11 =	vand.u32 $0x3FF8, v11;
	v61 =	vld.idx.msk [tilespmem:v3+s7+$0x0], $0xffff  }
0x229: {  	v38 =	vmul.f32 v26, v26;
	v4 =	vmul.f32 v4, v4;
	v3 =	vld.idx.msk [tilespmem:v3+s26+$0x0], $0xffff;
	v8 =	vor.u32 v8, v11  }
0x22a: {  	v36 =	vadd.f32 v20, v27;
	v19 =	vmul.f32 v19, v19;
	v40 =	vmul.f32 v10, v47;
	v47 =	vld.idx.msk [tilespmem:v63+s26+$0x0], $0xffff  }
0x22b: {  	v43 =	vmul.f32 v17, v17;
	v4 =	vadd.f32 v4, v38;
	v37 =	vld.idx.msk [tilespmem:v2+s5+$0x0], $0xffff  }
0x22c: {  	v42 =	vadd.f32 v19, v36;
	v0 =	vadd.f32 v6, v0;
	v41 =	vld.idx.msk [tilespmem:v2+s7+$0x0], $0xffff  }
0x22d: {  	v4 =	vadd.f32 v43, v4;
	v14 =	vadd.f32 v53, v14;
	v2 =	vld.idx.msk [tilespmem:v2+s26+$0x0], $0xffff  }
0x22e: {  	v45 =	vmul.f32 v42, v23;
	v12 =	vsub.f32 v48, v56;
	v0 =	vadd.f32 v40, v0;
	v48 =	vld.idx.msk [tilespmem:v8+s5+$0x0], $0xffff  }
0x22f: {  	v5 =	vsub.f32 v50, v57;
	v1 =	vmul.f32 v4, v1;
	v50 =	vld.idx.msk [tilespmem:v8+s7+$0x0], $0xffff  }
0x230: {  	v49 =	vmul.f32 v14, v14;
	v12 =	vmul.f32 v12, v12;
	v0 =	vadd.f32 v45, v0;
	v8 =	vld.idx.msk [tilespmem:v8+s26+$0x0], $0xffff  }
0x231: {  	v51 =	vadd.f32 v33, v60;
	v52 =	vsub.f32 v61, v34;
	v53 =	vld.idx.msk [tilespmem:v39+s5+$0x0], $0xffff  }
0x232: {  	v5 =	vmul.f32 v5, v5;
	v0 =	vadd.f32 v1, v0;
	v1 =	vadd.f32 v12, v49;
	v54 =	vld.idx.msk [tilespmem:v39+s7+$0x0], $0xffff  }
0x233: {  	v3 =	vsub.f32 v3, v7;
	v55 =	vmul.f32 v51, v51;
	v56 =	vmul.f32 v52, v52;
	v58 =	vld.idx.msk [tilespmem:v39+s26+$0x0], $0xffff  }
0x234: {  	v1 =	vadd.f32 v5, v1;
	v57 =	vadd.f32 v44, v37  }
0x235: {  	v59 =	vld [tilespmem:$0x5400];
	v3 =	vmul.f32 v3, v3;
	v7 =	vadd.f32 v56, v55;
	v10 =	vsub.f32 v41, v46  }
0x236: {  	v2 =	vsub.f32 v2, v47;
	v1 =	vmul.f32 v1, v9;
	v60 =	vmul.f32 v57, v57  }
0x237: {  	v10 =	vmul.f32 v10, v10;
	v4 =	vadd.f32 v53, v48;
	v6 =	vsub.f32 v50, v54  }
0x238: {  	v61 =	vld [tilespmem:$0x5410];
	v3 =	vadd.f32 v3, v7;
	v2 =	vmul.f32 v2, v2;
	v8 =	vsub.f32 v8, v58  }
0x239: {  	v62 =	vadd.f32 v10, v60;
	v4 =	vmul.f32 v4, v4;
	v6 =	vmul.f32 v6, v6  }
0x23a: {  	v0 =	vadd.f32 v1, v0;
	v1 =	vmul.f32 v3, v59;
	v3 =	vld [tilespmem:$0x5420]  }
0x23b: {  	v63 =	vmul.f32 v8, v8;
	v2 =	vadd.f32 v2, v62;
	v4 =	vadd.f32 v6, v4;
	_ =	sdelay $0x1  }
0x23c: {  	v0 =	vadd.f32 v1, v0;
	v1 =	vmul.f32 v2, v61;
	v2 =	vadd.f32 v63, v4;
	_ =	sdelay $0x1  }
0x23d: {  	v0 =	vadd.f32 v1, v0;
	v1 =	vmul.f32 v2, v3;
	_ =	sdelay $0x1  }
0x23e: {  	v0 =	vadd.f32 v1, v0  }
.LBB2_3:
0x23f: {  	s4 =	sadd.s32 s4, s2  }
0x240: {  	s5 =	simm.s32 $0x0;
	s6 =	simm.s32 $0x5430;
	s31 =	simm.s32 $0x2;
	[tilespmem:$0x5430] =	vst v0  }
0x241: {  	[hbm4b:s4+s5] =	stream.linear.scatter [tilespmem:s6], [sflag:$0x2], $0x10, $0x38;
	[tilespmem:$0x5540] =	vst v63  }
0x242: {  	_ =	swait.ge [sflag:s31], $0x10  }
0x243: {  	[sflag:s31] =	ssyncset.done $0x0  }
0x244: {  	[sflag:s31] =	ssyncadd.s32 $0xFFFFFFF0  }
0x245: {  	p0 =	sne.s32 s3, $0x0;
	[bflag:$0x0] =	sbarrier.arrive $0xFFFF  }
0x246: {  	_ =	sfence.sel @p0 $0x180000  }
0x247: {  	[bflag:$0x0] =	sbarrier.arrive @p0 $0xFFFF  }
0x248: {  	_ =	strace @p0 $0x90000047  }
0x249: {  	s3 =	simm.s32 @!p0 $0x0;
	s4 =	simm.s32 @!p0 $0x5440;
	[bflag:$0x2] =	sbarrier.arrive @p0 $0xFFFF  }
0x24a: {  	[tilespmem:s4], [sflag:$0x2] =	stream.linear.gather @!p0 [hbm4b:s2+s3], $0x100, $0x38;
	[tilespmem:$0x5540] =	vst v63  }
0x24b: {  	s2 =	simm.s32 @!p0 $0x2  }
0x24c: {  	_ =	swait.ge @!p0 [sflag:s2], $0x100  }
0x24d: {  	[sflag:s2] =	ssyncset.done @!p0 $0x0  }
0x24e: {  	[sflag:s2] =	ssyncadd.s32 @!p0 $0xFFFFFF00  }
0x24f: {  	v0 =	vld @!p0 [tilespmem:$0x5440]  }
0x250: {  	v1 =	vld @!p0 [tilespmem:$0x5450];
	_ =	sdelay $0x1  }
0x251: {  	v2 =	vld @!p0 [tilespmem:$0x5460];
	_ =	sdelay $0x1  }
0x252: {  	v3 =	vld @!p0 [tilespmem:$0x5470]  }
0x253: {  	v0 =	vadd.f32 @!p0 v1, v0  }
0x254: {  	v1 =	vld @!p0 [tilespmem:$0x5480]  }
0x255: {  	v0 =	vadd.f32 @!p0 v2, v0  }
0x256: {  	v2 =	vld @!p0 [tilespmem:$0x5490]  }
0x257: {  	v0 =	vadd.f32 @!p0 v3, v0  }
0x258: {  	v3 =	vld @!p0 [tilespmem:$0x54A0]  }
0x259: {  	v0 =	vadd.f32 @!p0 v1, v0  }
0x25a: {  	v1 =	vld @!p0 [tilespmem:$0x54B0]  }
0x25b: {  	v0 =	vadd.f32 @!p0 v2, v0  }
0x25c: {  	v2 =	vld @!p0 [tilespmem:$0x54C0]  }
0x25d: {  	v0 =	vadd.f32 @!p0 v3, v0  }
0x25e: {  	v3 =	vld @!p0 [tilespmem:$0x54D0]  }
0x25f: {  	v0 =	vadd.f32 @!p0 v1, v0  }
0x260: {  	v1 =	vld @!p0 [tilespmem:$0x54E0]  }
0x261: {  	v0 =	vadd.f32 @!p0 v2, v0  }
0x262: {  	v2 =	vld @!p0 [tilespmem:$0x54F0]  }
0x263: {  	v0 =	vadd.f32 @!p0 v3, v0  }
0x264: {  	v3 =	vld @!p0 [tilespmem:$0x5500]  }
0x265: {  	v0 =	vadd.f32 @!p0 v1, v0  }
0x266: {  	v1 =	vld @!p0 [tilespmem:$0x5510]  }
0x267: {  	v0 =	vadd.f32 @!p0 v2, v0  }
0x268: {  	v2 =	vld @!p0 [tilespmem:$0x5520]  }
0x269: {  	v0 =	vadd.f32 @!p0 v3, v0  }
0x26a: {  	v3 =	vld @!p0 [tilespmem:$0x5530]  }
0x26b: {  	v0 =	vadd.f32 @!p0 v1, v0;
	_ =	sdelay $0x1  }
0x26c: {  	v0 =	vadd.f32 @!p0 v2, v0;
	_ =	sdelay $0x1  }
0x26d: {  	v0 =	vadd.f32 @!p0 v3, v0;
	_ =	sdelay $0x1  }
0x26e: {  	(xrf2) =	vadd.scan.msk.f32 @!p0 $0xffff, v0;
	_ =	sdelay $0x9  }
0x26f: {  	v0, _, _ =	vpop @!p0 (xrf2)  }
0x270: {  	(v2sf) =	vpush @!p0 v0, $0xF;
	_ =	sdelay $0xe  }
0x271: {  	s4 =	spop @!p0 (v2sf)  }
0x272: {  	s4 =	smul.f32 @!p0 $4.837929370e-05, s4;
	_ =	sdelay $0x1  }
0x273: {  	v0 =	vmov @!p0 s4  }
0x274: {  	s4 =	simm.s32 @!p0 $0x5430;
	[tilespmem:$0x5430] =	vst @!p0 v0  }
0x275: {  	[hbm4b:s1+s3] =	stream.linear.scatter @!p0 [tilespmem:s4], [sflag:$0x2], $0x1, $0x38;
	[tilespmem:$0x5540] =	vst v63  }
0x276: {  	_ =	swait.ge @!p0 [sflag:s2], $0x1  }
0x277: {  	[sflag:s2] =	ssyncset.done @!p0 $0x0  }
0x278: {  	[sflag:s2] =	ssyncadd.s32 @!p0 $0xFFFFFFFF  }
0x279: {  	_ =	sfence.sel @!p0 $0x180000  }
0x27a: {  	[bflag:$0x0] =	sbarrier.arrive @!p0 $0xFFFF  }
0x27b: {  	_ =	strace @!p0 $0x90000047  }
0x27c: {  	s0 =	sadd.s32 @!p0 $0x100000, s0;
	[bflag:$0x2] =	sbarrier.arrive @!p0 $0xFFFF  }
0x27d: {  	[sflag:s0] =	ssyncadd.tile.s32 @!p0 $0x1;
	_ =	shalt  }
.Lfunc_end2:
_tile_overlayer_lowered:
.L_overlay_start_2:
0x27e: {  	(tag) =	ssettag $0x2  }
0x27f: {  	s0 =	rddreg [dreg:$0x0];
	s2 =	stileid.u32  }
0x280: {  	s1 =	rddreg [dreg:$0x1];
	p0 =	sne.s32 s2, $0x0  }
0x281: {  	s3 =	rddreg [dreg:$0x2];
	[bflag:$0x3] =	sbarrier.arrive $0xFFFF;
	s2 =	simm.s32 @!p0 $0x1C02  }
0x282: {  	[timem:s3], [sflag:s2] =	dma.local @!p0 [hbm:s0], s1  }
0x283: {  	s0 =	simm.s32 @!p0 $0x2  }
0x284: {  	_ =	swait.ge @!p0 [sflag:s0], s1  }
0x285: {  	s1 =	ssub.s32 @!p0 $0x0, s1;
	[sflag:s0] =	ssyncset.done @!p0 $0x0  }
0x286: {  	[sflag:s0] =	ssyncadd.s32 @!p0 s1  }
0x287: {  	[bflag:$0x3] =	sbarrier.arrive $0xFFFF  }
0x288: {  	_ =	shalt  }

</sc_bundles>
